<compile_context>
chip_gen: v7x
topology: tpu7x:2x2x1
jax: 0.10.2.dev20260603
libtpu: 0.0.44.dev20260713+nightly
codegen_flags: <defaults>
</compile_context>

<pallas_src>
import functools

import jax
import jax.numpy as jnp
from jax import lax
from jax.experimental import pallas as pl
from jax.experimental.pallas import tpu as pltpu
from jax.experimental.pallas import tpu_sc as plsc

N = 10000
E = 320000
D = 128
H1 = 128
H2 = 64
P = 32768
NEG = 5

NC = 2
NS = 16
NW = NC * NS
LANES = 128

NPAD = 10240
RPS = NPAD // NS
EROWS_W = 80
EROWS = NW * EROWS_W
E_PAD = EROWS * LANES
EW0 = 120
EW1 = 40
GROWS = (7 * P) // LANES
GROWS_W = GROWS // NW

_INTERPRET = False

_MESH = dict(core_axis_name="c", subcore_axis_name="s",
             num_cores=NC, num_subcores=NS)


def _wid():
    return lax.axis_index("c") * NS + lax.axis_index("s")




def _hist_body(dst_hbm, out_hbm, idx_a, ones_v, zero_v, deg_sh):
    c = lax.axis_index("c")
    s = lax.axis_index("s")
    w = _wid()

    pltpu.sync_copy(dst_hbm.at[pl.ds(w * EROWS_W, EROWS_W)], idx_a)

    def fill(i, t):
        ones_v[pl.ds(i * 16, 16)] = jnp.full((16,), 1.0, jnp.float32)
        zero_v[pl.ds(i * 16, 16)] = jnp.zeros((16,), jnp.float32)
        return t

    lax.fori_loop(0, LANES // 16, fill, 0)

    def zero(i, t):
        pltpu.sync_copy(zero_v, deg_sh.at[pl.ds(s * RPS + i * LANES, LANES)])
        return t

    lax.fori_loop(0, RPS // LANES, zero, 0)
    plsc.subcore_barrier()

    def acc(j, t):
        pltpu.sync_copy(ones_v, deg_sh.at[idx_a.at[j]], add=True)
        return t

    lax.fori_loop(0, EROWS_W, acc, 0)
    plsc.subcore_barrier()

    def out(i, t):
        off = s * RPS + i * LANES
        pltpu.sync_copy(deg_sh.at[pl.ds(off, LANES)],
                        out_hbm.at[c].at[pl.ds(off, LANES)])
        return t

    lax.fori_loop(0, RPS // LANES, out, 0)


def _seg_body(h_hbm, src_hbm, dst_hbm, out_hbm, isrc_a, idst0, idst1, rows0,
              rows1, acc_sh, sem0, sem1, semd0, semd1, *, H):
    c = lax.axis_index("c")
    s = lax.axis_index("s")

    ew = jnp.where(c == 0, EW0, EW1)
    base = jnp.where(c == 0, s * EW0, NS * EW0 + s * EW1)

    @pl.when(c == 0)
    def _():
        pltpu.sync_copy(src_hbm.at[pl.ds(base, EW0)], isrc_a)

    @pl.when(c != 0)
    def _():
        pltpu.sync_copy(src_hbm.at[pl.ds(base, EW1)], isrc_a.at[pl.ds(0, EW1)])

    def zr(i, t):
        r = i // (H // 16)
        q = i % (H // 16)
        rows0[r, pl.ds(q * 16, 16)] = jnp.zeros((16,), jnp.float32)
        return t

    lax.fori_loop(0, LANES * H // 16, zr, 0)

    def zero(i, t):
        pltpu.sync_copy(rows0, acc_sh.at[pl.ds(s * RPS + i * LANES, LANES)])
        return t

    lax.fori_loop(0, RPS // LANES, zero, 0)
    plsc.subcore_barrier()

    pltpu.async_copy(dst_hbm.at[base], idst0, semd0)
    pltpu.async_copy(h_hbm.at[isrc_a.at[0]], rows0, sem0)

    def go(j0, t):
        j = j0 * 2
        pltpu.async_copy(dst_hbm.at[base + j + 1], idst1, semd1)
        pltpu.async_copy(h_hbm.at[isrc_a.at[j + 1]], rows1, sem1)
        pltpu.make_async_copy(dst_hbm.at[base], idst0, semd0).wait()
        pltpu.make_async_copy(h_hbm.at[pl.ds(0, LANES)], rows0, sem0).wait()
        pltpu.sync_copy(rows0, acc_sh.at[idst0], add=True)

        @pl.when(j + 2 < ew)
        def _():
            pltpu.async_copy(dst_hbm.at[base + j + 2], idst0, semd0)
            pltpu.async_copy(h_hbm.at[isrc_a.at[j + 2]], rows0, sem0)

        pltpu.make_async_copy(dst_hbm.at[base], idst1, semd1).wait()
        pltpu.make_async_copy(h_hbm.at[pl.ds(0, LANES)], rows1, sem1).wait()
        pltpu.sync_copy(rows1, acc_sh.at[idst1], add=True)
        return t

    lax.fori_loop(0, ew // 2, go, 0)
    plsc.subcore_barrier()

    def out(i, t):
        off = s * RPS + i * LANES
        pltpu.sync_copy(acc_sh.at[pl.ds(off, LANES)],
                        out_hbm.at[c].at[pl.ds(off, LANES)])
        return t

    lax.fori_loop(0, RPS // LANES, out, 0)


def _gather_body(h_hbm, idx_hbm, out_hbm, idx_a, rows0, rows1, sem0, sem1):
    w = _wid()
    base = w * GROWS_W
    pltpu.sync_copy(idx_hbm.at[pl.ds(base, GROWS_W)], idx_a)

    pltpu.async_copy(h_hbm.at[idx_a.at[0]], rows0, sem0)

    def go(j0, t):
        j = j0 * 2
        pltpu.async_copy(h_hbm.at[idx_a.at[j + 1]], rows1, sem1)
        pltpu.make_async_copy(h_hbm.at[pl.ds(0, LANES)], rows0, sem0).wait()
        pltpu.sync_copy(rows0, out_hbm.at[pl.ds((base + j) * LANES, LANES)])

        @pl.when(j + 2 < GROWS_W)
        def _():
            pltpu.async_copy(h_hbm.at[idx_a.at[j + 2]], rows0, sem0)

        pltpu.make_async_copy(h_hbm.at[pl.ds(0, LANES)], rows1, sem1).wait()
        pltpu.sync_copy(rows1, out_hbm.at[pl.ds((base + j + 1) * LANES, LANES)])
        return t

    lax.fori_loop(0, GROWS_W // 2, go, 0)




def _dis(degT_ref):
    deg = jnp.maximum(degT_ref[:, 0:1] + degT_ref[:, 1:2], 1.0)
    return lax.rsqrt(deg)


def _enc1_body(x_ref, w_ref, degT_ref, out_ref):
    out_ref[...] = jnp.dot(x_ref[...], w_ref[...],
                           preferred_element_type=jnp.float32) * _dis(degT_ref)


def _enc2_body(a_ref, w_ref, degT_ref, out_ref):
    dis = _dis(degT_ref)
    a = a_ref[0, 0:N, :] + a_ref[1, 0:N, :]
    l1 = jnp.maximum(a * dis, 0.0)
    out_ref[:, 0:H2] = jnp.dot(l1, w_ref[...],
                               preferred_element_type=jnp.float32) * dis
    out_ref[:, H2:D] = jnp.zeros((N, D - H2), jnp.float32)


def _fin_body(b_ref, degT_ref, out_ref):
    dis = _dis(degT_ref)
    b = b_ref[0, 0:N, :] + b_ref[1, 0:N, :]
    out_ref[...] = jnp.maximum(b * dis, 0.0)


def _loss_body(n0, n1, n2, n3, n4, rh_ref, ch_ref, out_ref):
    i = pl.program_id(0)

    @pl.when(i == 0)
    def _():
        out_ref[0, 0] = 0.0

    def sp(z):
        return jnp.log(1.0 + jnp.exp(-jnp.abs(z))) + jnp.maximum(-z, 0.0)

    rh = rh_ref[...]
    ch = ch_ref[...]
    pos = jnp.sum(rh * ch, axis=1, keepdims=True)
    tot = float(2 * NEG) * sp(pos)
    for nref in (n0, n1, n2, n3, n4):
        nk = nref[...]
        z1 = jnp.sum(rh * nk, axis=1, keepdims=True)
        z2 = jnp.sum(ch * nk, axis=1, keepdims=True)
        tot = tot + (z1 + sp(z1)) + (z2 + sp(z2))
    out_ref[0, 0] += jnp.sum(tot) / float(2 * NEG + 1)

    @pl.when(i == pl.num_programs(0) - 1)
    def _():
        out_ref[0, 0] = out_ref[0, 0] / float(P)




@functools.lru_cache(maxsize=None)
def _build(interpret):
    mesh = plsc.VectorSubcoreMesh(**_MESH)

    hist = pl.kernel(
        _hist_body,
        out_type=jax.ShapeDtypeStruct((NC, NPAD), jnp.float32),
        mesh=mesh,
        scratch_types=[
            pltpu.VMEM((EROWS_W, LANES), jnp.int32),
            pltpu.VMEM((LANES,), jnp.float32),
            pltpu.VMEM((LANES,), jnp.float32),
            pltpu.VMEM_SHARED((NPAD,), jnp.float32),
        ],
        interpret=interpret,
    )

    def seg(H):
        return pl.kernel(
            functools.partial(_seg_body, H=H),
            out_type=jax.ShapeDtypeStruct((NC, NPAD, H), jnp.float32),
            mesh=mesh,
            scratch_types=[
                pltpu.VMEM((EW0, LANES), jnp.int32),
                pltpu.VMEM((LANES,), jnp.int32),
                pltpu.VMEM((LANES,), jnp.int32),
                pltpu.VMEM((LANES, H), jnp.float32),
                pltpu.VMEM((LANES, H), jnp.float32),
                pltpu.VMEM_SHARED((NPAD, H), jnp.float32),
                pltpu.SemaphoreType.DMA,
                pltpu.SemaphoreType.DMA,
                pltpu.SemaphoreType.DMA,
                pltpu.SemaphoreType.DMA,
            ],
            interpret=interpret,
        )

    seg1 = seg(H1)
    seg2 = seg1

    gather = pl.kernel(
        _gather_body,
        out_type=jax.ShapeDtypeStruct((7 * P, D), jnp.float32),
        mesh=mesh,
        scratch_types=[
            pltpu.VMEM((GROWS_W, LANES), jnp.int32),
            pltpu.VMEM((LANES, D), jnp.float32),
            pltpu.VMEM((LANES, D), jnp.float32),
            pltpu.SemaphoreType.DMA,
            pltpu.SemaphoreType.DMA,
        ],
        interpret=interpret,
    )

    enc1 = pl.pallas_call(
        _enc1_body,
        out_shape=jax.ShapeDtypeStruct((N, H1), jnp.float32),
        interpret=interpret,
    )
    enc2 = pl.pallas_call(
        _enc2_body,
        out_shape=jax.ShapeDtypeStruct((N, D), jnp.float32),
        interpret=interpret,
    )
    fin = pl.pallas_call(
        _fin_body,
        out_shape=jax.ShapeDtypeStruct((N, D), jnp.float32),
        interpret=interpret,
    )

    B = 2048
    G = P // B

    def blk(k):
        return pl.BlockSpec((B, D), lambda i, k=k: (k * G + i, 0))

    loss_call = pl.pallas_call(
        _loss_body,
        grid=(G,),
        in_specs=[blk(0), blk(1), blk(2), blk(3), blk(4), blk(5), blk(6)],
        out_specs=pl.BlockSpec((1, 1), lambda i: (0, 0),
                               memory_space=pltpu.SMEM),
        out_shape=jax.ShapeDtypeStruct((1, 1), jnp.float32),
        interpret=interpret,
    )

    @jax.jit
    def run(x, edge_index, rows, cols, negs, W1, W2):
        src = edge_index[0]
        dst = edge_index[1]
        pad = E_PAD - E
        src_p = jnp.concatenate(
            [src, jnp.zeros((pad,), jnp.int32)]).reshape(EROWS, LANES)
        dst_p = jnp.concatenate(
            [dst, jnp.full((pad,), NPAD - 1, jnp.int32)]).reshape(EROWS, LANES)
        idx_all = jnp.concatenate(
            [jnp.transpose(negs).reshape(-1), rows, cols]).reshape(GROWS, LANES)

        degp = hist(dst_p)
        degT = jnp.transpose(degp)[:N]
        h1p = enc1(x, W1, degT)
        agg1 = seg1(h1p, src_p, dst_p)
        h2p = enc2(agg1, W2, degT)
        agg2 = seg2(h2p, src_p, dst_p)
        hfull = fin(agg2, degT)
        g = gather(hfull, idx_all)
        loss = loss_call(g, g, g, g, g, g, g)[0, 0]
        return loss, hfull[:, :H2]

    return run


def kernel(x, edge_index, rows, cols, negs, W1, W2):
    return _build(_INTERPRET)(x, edge_index, rows, cols, negs, W1, W2)

# --- scband reference (transcript-rebuilt; emitter-appended) ---
"""Pipeline reference for scband-gae-79190607004103 (READ-ONLY COPY).

The authoritative reference and input builder live on the scoring server;
editing this copy changes nothing except your own understanding.
"""

import jax, jax.numpy as jnp
import numpy as np

N = 10000
E = 320000
D = 128
H1 = 128
H2 = 64
P = 32768
NEG = 5


def setup_inputs(seed: int = 0) -> dict:
    key = jax.random.key(seed)
    ks = jax.random.split(key, 8)
    x = jax.random.normal(ks[0], (N, D), dtype=jnp.float32)
    edge_index = jax.random.randint(ks[1], (2, E), 0, N, dtype=jnp.int32)
    rows = jax.random.randint(ks[2], (P,), 0, N, dtype=jnp.int32)
    cols = jax.random.randint(ks[3], (P,), 0, N, dtype=jnp.int32)
    negs = jax.random.randint(ks[4], (P, NEG), 0, N, dtype=jnp.int32)
    # Learned parameters for the 2 GraphConvolution layers (glorot-style init)
    W1 = jax.random.normal(ks[5], (D, H1), dtype=jnp.float32) * (1.0 / np.sqrt(D))
    W2 = jax.random.normal(ks[6], (H1, H2), dtype=jnp.float32) * (1.0 / np.sqrt(H1))
    return {"x": x, "edge_index": edge_index, "rows": rows, "cols": cols, "negs": negs, "W1": W1, "W2": W2}


def _weighted_ce_with_logits(labels, logits, pos_weight):
    # TF tf.nn.weighted_cross_entropy_with_logits (numerically stable form)
    log_weight = 1.0 + (pos_weight - 1.0) * labels
    softplus_neg = jnp.log1p(jnp.exp(-jnp.abs(logits))) + jnp.maximum(-logits, 0.0)
    return (1.0 - labels) * logits + log_weight * softplus_neg


def _gcn_encode(x, edge_index, W1, W2):
    src = edge_index[0]
    dst = edge_index[1]
    ones = jnp.ones((E,), dtype=jnp.float32)
    deg = jax.ops.segment_sum(ones, dst, num_segments=N)
    deg = jnp.maximum(deg, 1.0)
    norm_w = 1.0 / jnp.sqrt(deg[src] * deg[dst])

    def layer(h, W):
        h = h @ W
        msg = jnp.take(h, src, axis=0) * norm_w[:, None]
        agg = jax.ops.segment_sum(msg, dst, num_segments=N)
        return jax.nn.relu(agg)

    h = layer(x, W1)
    h = layer(h, W2)
    return h


def _gae_loss_large(h, rows, cols, negs):
    row_h = jnp.take(h, rows, axis=0)  # [P, H2]
    col_h = jnp.take(h, cols, axis=0)  # [P, H2]
    pos_logits = jnp.sum(row_h * col_h, axis=-1).reshape(-1, 1)
    neg_h = jnp.take(h, negs, axis=0)  # [P, NEG, H2]
    neg_logits1 = jnp.sum(row_h[:, None, :] * neg_h, axis=2)
    neg_logits2 = jnp.sum(col_h[:, None, :] * neg_h, axis=2)
    logits = jnp.concatenate((pos_logits, neg_logits1, neg_logits2), axis=1)
    labels = jnp.concatenate(
        (jnp.ones((P, 1), dtype=jnp.float32), jnp.zeros((P, 2 * NEG), dtype=jnp.float32)), axis=1
    )
    ce = _weighted_ce_with_logits(labels, logits, float(NEG * 2))
    return jnp.mean(jnp.mean(ce, axis=1))


def reference(x, edge_index, rows, cols, negs, W1, W2):
    h = _gcn_encode(x, edge_index, W1, W2)
    gae_loss = _gae_loss_large(h, rows, cols, negs)
    return (gae_loss, h)

if __name__ == "__main__":
    import jax
    _d = setup_inputs()
    print(jax.jit(kernel)(*tuple(_d.values())))

</pallas_src>

<mosaic_0001>
#map = affine_map<(d0, d1) -> (0, 0)>
module attributes {stable_mosaic.version = 14 : i64} {
  func.func @_gather_body(%arg0: i32, %arg1: i32, %arg2: memref<10000x128xf32, #tpu.memory_space<hbm>>, %arg3: memref<1792x128xi32, #tpu.memory_space<hbm>>, %arg4: memref<229376x128xf32, #tpu.memory_space<hbm>>, %arg5: memref<56x128xi32, #tpu.memory_space<vmem>>, %arg6: memref<128x128xf32, #tpu.memory_space<vmem>>, %arg7: memref<128x128xf32, #tpu.memory_space<vmem>>, %arg8: memref<!tpu.dma_semaphore, #tpu.memory_space<semaphore_mem>>, %arg9: memref<!tpu.dma_semaphore, #tpu.memory_space<semaphore_mem>>) attributes {dimension_semantics = [#tpu.dimension_semantics<core_parallel>, #tpu.dimension_semantics<subcore_parallel>], iteration_bounds = array<i64: 2, 16>, scalar_prefetch = 0 : i64, scratch_operands = 5 : i64, tpu.core_type = #tpu.core_type<sc_vector_subcore>, window_params = [{transform_indices = #map}, {transform_indices = #map}, {transform_indices = #map}]} {
    %mul3A = arith.constant 16 : i32
    %mul3A_0 = arith.muli %arg0, %mul3A : i32
    %add3A = arith.addi %mul3A_0, %arg1 : i32
    %mul3A_1 = arith.constant 56 : i32
    %mul3A_2 = arith.muli %add3A, %mul3A_1 : i32
    "tpu.region"() ({
      %run_scoped3A = tpu.sem_alloc : memref<!tpu.dma_semaphore, #tpu.memory_space<semaphore_mem>>
      %dma_start3A_14 = arith.constant 0 : i32
      %dma_start3A_15 = tpu.memref_slice %arg3[%mul3A_2, %dma_start3A_14] : memref<1792x128xi32, #tpu.memory_space<hbm>> -> memref<56x128xi32, #tpu.memory_space<hbm>>
      %dma_start3A_16 = arith.constant 0 : i32
      %dma_start3A_17 = tpu.memref_slice %arg3[%mul3A_2, %dma_start3A_16] : memref<1792x128xi32, #tpu.memory_space<hbm>> -> memref<56x128xi32, #tpu.memory_space<hbm>>
      tpu.enqueue_dma source(%dma_start3A_17 : memref<56x128xi32, #tpu.memory_space<hbm>>) target(%arg5 : memref<56x128xi32, #tpu.memory_space<vmem>>) target_semaphore(%run_scoped3A : memref<!tpu.dma_semaphore, #tpu.memory_space<semaphore_mem>>)
      %dma_wait3A = arith.constant 0 : i32
      %dma_wait3A_18 = tpu.memref_slice %arg3[%mul3A_2, %dma_wait3A] : memref<1792x128xi32, #tpu.memory_space<hbm>> -> memref<56x128xi32, #tpu.memory_space<hbm>>
      %dma_wait3A_19 = arith.constant 0 : i32
      %dma_wait3A_20 = tpu.memref_slice %arg3[%mul3A_2, %dma_wait3A_19] : memref<1792x128xi32, #tpu.memory_space<hbm>> -> memref<56x128xi32, #tpu.memory_space<hbm>>
      tpu.wait_dma2 semaphore(%run_scoped3A : memref<!tpu.dma_semaphore, #tpu.memory_space<semaphore_mem>>) src(%dma_wait3A_20 : memref<56x128xi32, #tpu.memory_space<hbm>>) dst(%arg5 : memref<56x128xi32, #tpu.memory_space<vmem>>)
      tpu.yield
    }) : () -> ()
    %dma_start3A = arith.constant 0 : i32
    %dma_start3A_3 = arith.constant 0 : i32
    %dma_start3A_4 = tpu.memref_slice %arg5[%dma_start3A, %dma_start3A_3] : memref<56x128xi32, #tpu.memory_space<vmem>> -> memref<1x128xi32, #tpu.memory_space<vmem>>
    %dma_start3A_5 = tpu.memref_squeeze %dma_start3A_4 : memref<1x128xi32, #tpu.memory_space<vmem>> -> memref<128xi32, #tpu.memory_space<vmem>>
    %dma_start3A_6 = arith.constant 0 : i32
    %dma_start3A_7 = arith.constant 0 : i32
    %dma_start3A_8 = tpu.memref_slice %arg2[%dma_start3A_6, %dma_start3A_7] : memref<10000x128xf32, #tpu.memory_space<hbm>> -> memref<10000x128xf32, #tpu.memory_space<hbm>>
    tpu.enqueue_indirect_dma source(%dma_start3A_8 : memref<10000x128xf32, #tpu.memory_space<hbm>>) target(%arg6 : memref<128x128xf32, #tpu.memory_space<vmem>>) offsets(%dma_start3A_5 : memref<128xi32, #tpu.memory_space<vmem>>) semaphore(%arg8 : memref<!tpu.dma_semaphore, #tpu.memory_space<semaphore_mem>>)
    %scan3A = arith.constant 0 : i32
    %scan3A_9 = arith.constant 0 : i32
    %scan3A_10 = arith.constant 28 : i32
    %scan3A_11 = arith.addi %scan3A_9, %scan3A_10 : i32
    %scan3A_12 = arith.constant 1 : i32
    scf.for %scan3A_14 = %scan3A_9 to %scan3A_11 step %scan3A_12  : i32 {
      %mul3A_15 = arith.constant 2 : i32
      %mul3A_16 = arith.muli %scan3A_14, %mul3A_15 : i32
      %add3A_17 = arith.constant 1 : i32
      %add3A_18 = arith.addi %mul3A_16, %add3A_17 : i32
      %dma_start3A_19 = arith.constant 0 : i32
      %dma_start3A_20 = tpu.memref_slice %arg5[%add3A_18, %dma_start3A_19] : memref<56x128xi32, #tpu.memory_space<vmem>> -> memref<1x128xi32, #tpu.memory_space<vmem>>
      %dma_start3A_21 = tpu.memref_squeeze %dma_start3A_20 : memref<1x128xi32, #tpu.memory_space<vmem>> -> memref<128xi32, #tpu.memory_space<vmem>>
      %dma_start3A_22 = arith.constant 0 : i32
      %dma_start3A_23 = arith.constant 0 : i32
      %dma_start3A_24 = tpu.memref_slice %arg2[%dma_start3A_22, %dma_start3A_23] : memref<10000x128xf32, #tpu.memory_space<hbm>> -> memref<10000x128xf32, #tpu.memory_space<hbm>>
      tpu.enqueue_indirect_dma source(%dma_start3A_24 : memref<10000x128xf32, #tpu.memory_space<hbm>>) target(%arg7 : memref<128x128xf32, #tpu.memory_space<vmem>>) offsets(%dma_start3A_21 : memref<128xi32, #tpu.memory_space<vmem>>) semaphore(%arg9 : memref<!tpu.dma_semaphore, #tpu.memory_space<semaphore_mem>>)
      %dma_wait3A = arith.constant 0 : i32
      %dma_wait3A_25 = arith.constant 0 : i32
      %dma_wait3A_26 = tpu.memref_slice %arg2[%dma_wait3A, %dma_wait3A_25] : memref<10000x128xf32, #tpu.memory_space<hbm>> -> memref<128x128xf32, #tpu.memory_space<hbm>>
      %dma_wait3A_27 = arith.constant 0 : i32
      %dma_wait3A_28 = arith.constant 0 : i32
      %dma_wait3A_29 = tpu.memref_slice %arg2[%dma_wait3A_27, %dma_wait3A_28] : memref<10000x128xf32, #tpu.memory_space<hbm>> -> memref<128x128xf32, #tpu.memory_space<hbm>>
      tpu.wait_dma2 semaphore(%arg8 : memref<!tpu.dma_semaphore, #tpu.memory_space<semaphore_mem>>) src(%dma_wait3A_29 : memref<128x128xf32, #tpu.memory_space<hbm>>) dst(%arg6 : memref<128x128xf32, #tpu.memory_space<vmem>>)
      %add3A_30 = arith.addi %mul3A_2, %mul3A_16 : i32
      %mul3A_31 = arith.constant 128 : i32
      %mul3A_32 = arith.muli %add3A_30, %mul3A_31 : i32
      "tpu.region"() ({
        %run_scoped3A = tpu.sem_alloc : memref<!tpu.dma_semaphore, #tpu.memory_space<semaphore_mem>>
        %dma_start3A_48 = arith.constant 0 : i32
        %dma_start3A_49 = tpu.memref_slice %arg4[%mul3A_32, %dma_start3A_48] : memref<229376x128xf32, #tpu.memory_space<hbm>> -> memref<128x128xf32, #tpu.memory_space<hbm>>
        %dma_start3A_50 = arith.constant 0 : i32
        %dma_start3A_51 = tpu.memref_slice %arg4[%mul3A_32, %dma_start3A_50] : memref<229376x128xf32, #tpu.memory_space<hbm>> -> memref<128x128xf32, #tpu.memory_space<hbm>>
        tpu.enqueue_dma source(%arg6 : memref<128x128xf32, #tpu.memory_space<vmem>>) target(%dma_start3A_51 : memref<128x128xf32, #tpu.memory_space<hbm>>) target_semaphore(%run_scoped3A : memref<!tpu.dma_semaphore, #tpu.memory_space<semaphore_mem>>)
        %dma_wait3A_52 = arith.constant 0 : i32
        %dma_wait3A_53 = tpu.memref_slice %arg4[%mul3A_32, %dma_wait3A_52] : memref<229376x128xf32, #tpu.memory_space<hbm>> -> memref<128x128xf32, #tpu.memory_space<hbm>>
        %dma_wait3A_54 = arith.constant 0 : i32
        %dma_wait3A_55 = tpu.memref_slice %arg4[%mul3A_32, %dma_wait3A_54] : memref<229376x128xf32, #tpu.memory_space<hbm>> -> memref<128x128xf32, #tpu.memory_space<hbm>>
        tpu.wait_dma2 semaphore(%run_scoped3A : memref<!tpu.dma_semaphore, #tpu.memory_space<semaphore_mem>>) src(%arg6 : memref<128x128xf32, #tpu.memory_space<vmem>>) dst(%dma_wait3A_55 : memref<128x128xf32, #tpu.memory_space<hbm>>)
        tpu.yield
      }) : () -> ()
      %add3A_33 = arith.constant 2 : i32
      %add3A_34 = arith.addi %mul3A_16, %add3A_33 : i32
      %lt3A = arith.constant 56 : i32
      %lt3A_35 = arith.cmpi slt, %add3A_34, %lt3A : i32
      %convert_element_type3A = arith.extui %lt3A_35 : i1 to i32
      %cond3A = arith.constant 0 : i32
      %cond3A_36 = arith.cmpi ne, %convert_element_type3A, %cond3A : i32
      scf.if %cond3A_36 {
        %add3A_48 = arith.constant 2 : i32
        %add3A_49 = arith.addi %mul3A_16, %add3A_48 : i32
        %dma_start3A_50 = arith.constant 0 : i32
        %dma_start3A_51 = tpu.memref_slice %arg5[%add3A_49, %dma_start3A_50] : memref<56x128xi32, #tpu.memory_space<vmem>> -> memref<1x128xi32, #tpu.memory_space<vmem>>
        %dma_start3A_52 = tpu.memref_squeeze %dma_start3A_51 : memref<1x128xi32, #tpu.memory_space<vmem>> -> memref<128xi32, #tpu.memory_space<vmem>>
        %dma_start3A_53 = arith.constant 0 : i32
        %dma_start3A_54 = arith.constant 0 : i32
        %dma_start3A_55 = tpu.memref_slice %arg2[%dma_start3A_53, %dma_start3A_54] : memref<10000x128xf32, #tpu.memory_space<hbm>> -> memref<10000x128xf32, #tpu.memory_space<hbm>>
        tpu.enqueue_indirect_dma source(%dma_start3A_55 : memref<10000x128xf32, #tpu.memory_space<hbm>>) target(%arg6 : memref<128x128xf32, #tpu.memory_space<vmem>>) offsets(%dma_start3A_52 : memref<128xi32, #tpu.memory_space<vmem>>) semaphore(%arg8 : memref<!tpu.dma_semaphore, #tpu.memory_space<semaphore_mem>>)
      } else {
      }
      %dma_wait3A_37 = arith.constant 0 : i32
      %dma_wait3A_38 = arith.constant 0 : i32
      %dma_wait3A_39 = tpu.memref_slice %arg2[%dma_wait3A_37, %dma_wait3A_38] : memref<10000x128xf32, #tpu.memory_space<hbm>> -> memref<128x128xf32, #tpu.memory_space<hbm>>
      %dma_wait3A_40 = arith.constant 0 : i32
      %dma_wait3A_41 = arith.constant 0 : i32
      %dma_wait3A_42 = tpu.memref_slice %arg2[%dma_wait3A_40, %dma_wait3A_41] : memref<10000x128xf32, #tpu.memory_space<hbm>> -> memref<128x128xf32, #tpu.memory_space<hbm>>
      tpu.wait_dma2 semaphore(%arg9 : memref<!tpu.dma_semaphore, #tpu.memory_space<semaphore_mem>>) src(%dma_wait3A_42 : memref<128x128xf32, #tpu.memory_space<hbm>>) dst(%arg7 : memref<128x128xf32, #tpu.memory_space<vmem>>)
      %add3A_43 = arith.addi %mul3A_2, %mul3A_16 : i32
      %add3A_44 = arith.constant 1 : i32
      %add3A_45 = arith.addi %add3A_43, %add3A_44 : i32
      %mul3A_46 = arith.constant 128 : i32
      %mul3A_47 = arith.muli %add3A_45, %mul3A_46 : i32
      "tpu.region"() ({
        %run_scoped3A = tpu.sem_alloc : memref<!tpu.dma_semaphore, #tpu.memory_space<semaphore_mem>>
        %dma_start3A_48 = arith.constant 0 : i32
        %dma_start3A_49 = tpu.memref_slice %arg4[%mul3A_47, %dma_start3A_48] : memref<229376x128xf32, #tpu.memory_space<hbm>> -> memref<128x128xf32, #tpu.memory_space<hbm>>
        %dma_start3A_50 = arith.constant 0 : i32
        %dma_start3A_51 = tpu.memref_slice %arg4[%mul3A_47, %dma_start3A_50] : memref<229376x128xf32, #tpu.memory_space<hbm>> -> memref<128x128xf32, #tpu.memory_space<hbm>>
        tpu.enqueue_dma source(%arg7 : memref<128x128xf32, #tpu.memory_space<vmem>>) target(%dma_start3A_51 : memref<128x128xf32, #tpu.memory_space<hbm>>) target_semaphore(%run_scoped3A : memref<!tpu.dma_semaphore, #tpu.memory_space<semaphore_mem>>)
        %dma_wait3A_52 = arith.constant 0 : i32
        %dma_wait3A_53 = tpu.memref_slice %arg4[%mul3A_47, %dma_wait3A_52] : memref<229376x128xf32, #tpu.memory_space<hbm>> -> memref<128x128xf32, #tpu.memory_space<hbm>>
        %dma_wait3A_54 = arith.constant 0 : i32
        %dma_wait3A_55 = tpu.memref_slice %arg4[%mul3A_47, %dma_wait3A_54] : memref<229376x128xf32, #tpu.memory_space<hbm>> -> memref<128x128xf32, #tpu.memory_space<hbm>>
        tpu.wait_dma2 semaphore(%run_scoped3A : memref<!tpu.dma_semaphore, #tpu.memory_space<semaphore_mem>>) src(%arg7 : memref<128x128xf32, #tpu.memory_space<vmem>>) dst(%dma_wait3A_55 : memref<128x128xf32, #tpu.memory_space<hbm>>)
        tpu.yield
      }) : () -> ()
    }
    %scan3A_13 = arith.constant 28 : i32
    return
  }
}

#map = affine_map<(d0, d1) -> (0, 0)>
module attributes {stable_mosaic.version = 14 : i64} {
  func.func @_hist_body(%arg0: i32, %arg1: i32, %arg2: memref<2560x128xi32, #tpu.memory_space<hbm>>, %arg3: memref<2x10240xf32, #tpu.memory_space<hbm>>, %arg4: memref<80x128xi32, #tpu.memory_space<vmem>>, %arg5: memref<128xf32, #tpu.memory_space<vmem>>, %arg6: memref<128xf32, #tpu.memory_space<vmem>>, %arg7: memref<10240xf32, #tpu.memory_space<vmem_shared>>) attributes {dimension_semantics = [#tpu.dimension_semantics<core_parallel>, #tpu.dimension_semantics<subcore_parallel>], iteration_bounds = array<i64: 2, 16>, scalar_prefetch = 0 : i64, scratch_operands = 4 : i64, tpu.core_type = #tpu.core_type<sc_vector_subcore>, window_params = [{transform_indices = #map}, {transform_indices = #map}]} {
    %mul3A = arith.constant 16 : i32
    %mul3A_0 = arith.muli %arg0, %mul3A : i32
    %add3A = arith.addi %mul3A_0, %arg1 : i32
    %mul3A_1 = arith.constant 80 : i32
    %mul3A_2 = arith.muli %add3A, %mul3A_1 : i32
    "tpu.region"() ({
      %run_scoped3A = tpu.sem_alloc : memref<!tpu.dma_semaphore, #tpu.memory_space<semaphore_mem>>
      %dma_start3A = arith.constant 0 : i32
      %dma_start3A_27 = tpu.memref_slice %arg2[%mul3A_2, %dma_start3A] : memref<2560x128xi32, #tpu.memory_space<hbm>> -> memref<80x128xi32, #tpu.memory_space<hbm>>
      %dma_start3A_28 = arith.constant 0 : i32
      %dma_start3A_29 = tpu.memref_slice %arg2[%mul3A_2, %dma_start3A_28] : memref<2560x128xi32, #tpu.memory_space<hbm>> -> memref<80x128xi32, #tpu.memory_space<hbm>>
      tpu.enqueue_dma source(%dma_start3A_29 : memref<80x128xi32, #tpu.memory_space<hbm>>) target(%arg4 : memref<80x128xi32, #tpu.memory_space<vmem>>) target_semaphore(%run_scoped3A : memref<!tpu.dma_semaphore, #tpu.memory_space<semaphore_mem>>)
      %dma_wait3A = arith.constant 0 : i32
      %dma_wait3A_30 = tpu.memref_slice %arg2[%mul3A_2, %dma_wait3A] : memref<2560x128xi32, #tpu.memory_space<hbm>> -> memref<80x128xi32, #tpu.memory_space<hbm>>
      %dma_wait3A_31 = arith.constant 0 : i32
      %dma_wait3A_32 = tpu.memref_slice %arg2[%mul3A_2, %dma_wait3A_31] : memref<2560x128xi32, #tpu.memory_space<hbm>> -> memref<80x128xi32, #tpu.memory_space<hbm>>
      tpu.wait_dma2 semaphore(%run_scoped3A : memref<!tpu.dma_semaphore, #tpu.memory_space<semaphore_mem>>) src(%dma_wait3A_32 : memref<80x128xi32, #tpu.memory_space<hbm>>) dst(%arg4 : memref<80x128xi32, #tpu.memory_space<vmem>>)
      tpu.yield
    }) : () -> ()
    %scan3A = arith.constant 0 : i32
    %scan3A_3 = arith.constant 0 : i32
    %scan3A_4 = arith.constant 8 : i32
    %scan3A_5 = arith.addi %scan3A_3, %scan3A_4 : i32
    %scan3A_6 = arith.constant 1 : i32
    scf.for %scan3A_27 = %scan3A_3 to %scan3A_5 step %scan3A_6  : i32 {
      %broadcast_in_dim3A = arith.constant 1.000000e+00 : f32
      %broadcast_in_dim3A_28 = vector.broadcast %broadcast_in_dim3A : f32 to vector<16xf32>
      %mul3A_29 = arith.constant 16 : i32
      %mul3A_30 = arith.muli %scan3A_27, %mul3A_29 : i32
      %swap3A = arith.index_cast %mul3A_30 : i32 to index
      %swap3A_31 = tpu.vector_load %arg5[%swap3A] {strides = array<i32>} : memref<128xf32, #tpu.memory_space<vmem>>, vector<16xf32>,
      %swap3A_32 = vector.shape_cast %swap3A_31 : vector<16xf32> to vector<16xf32>
      %swap3A_33 = vector.shape_cast %broadcast_in_dim3A_28 : vector<16xf32> to vector<16xf32>
      tpu.vector_store %arg5[%swap3A], %swap3A_33 {strides = array<i32>} : memref<128xf32, #tpu.memory_space<vmem>>, vector<16xf32>,
      %broadcast_in_dim3A_34 = arith.constant 0.000000e+00 : f32
      %broadcast_in_dim3A_35 = vector.broadcast %broadcast_in_dim3A_34 : f32 to vector<16xf32>
      %mul3A_36 = arith.constant 16 : i32
      %mul3A_37 = arith.muli %scan3A_27, %mul3A_36 : i32
      %swap3A_38 = arith.index_cast %mul3A_37 : i32 to index
      %swap3A_39 = tpu.vector_load %arg6[%swap3A_38] {strides = array<i32>} : memref<128xf32, #tpu.memory_space<vmem>>, vector<16xf32>,
      %swap3A_40 = vector.shape_cast %swap3A_39 : vector<16xf32> to vector<16xf32>
      %swap3A_41 = vector.shape_cast %broadcast_in_dim3A_35 : vector<16xf32> to vector<16xf32>
      tpu.vector_store %arg6[%swap3A_38], %swap3A_41 {strides = array<i32>} : memref<128xf32, #tpu.memory_space<vmem>>, vector<16xf32>,
    }
    %scan3A_7 = arith.constant 8 : i32
    %scan3A_8 = arith.constant 0 : i32
    %scan3A_9 = arith.constant 0 : i32
    %scan3A_10 = arith.constant 5 : i32
    %scan3A_11 = arith.addi %scan3A_9, %scan3A_10 : i32
    %scan3A_12 = arith.constant 1 : i32
    scf.for %scan3A_27 = %scan3A_9 to %scan3A_11 step %scan3A_12  : i32 {
      %mul3A_28 = arith.constant 640 : i32
      %mul3A_29 = arith.muli %arg1, %mul3A_28 : i32
      %mul3A_30 = arith.constant 128 : i32
      %mul3A_31 = arith.muli %scan3A_27, %mul3A_30 : i32
      %add3A_32 = arith.addi %mul3A_29, %mul3A_31 : i32
      "tpu.region"() ({
        %run_scoped3A = tpu.sem_alloc : memref<!tpu.dma_semaphore, #tpu.memory_space<semaphore_mem>>
        %dma_start3A = tpu.memref_slice %arg7[%add3A_32] : memref<10240xf32, #tpu.memory_space<vmem_shared>> -> memref<128xf32, #tpu.memory_space<vmem_shared>>
        %dma_start3A_33 = tpu.memref_slice %arg7[%add3A_32] : memref<10240xf32, #tpu.memory_space<vmem_shared>> -> memref<128xf32, #tpu.memory_space<vmem_shared>>
        tpu.enqueue_dma source(%arg6 : memref<128xf32, #tpu.memory_space<vmem>>) target(%dma_start3A_33 : memref<128xf32, #tpu.memory_space<vmem_shared>>) target_semaphore(%run_scoped3A : memref<!tpu.dma_semaphore, #tpu.memory_space<semaphore_mem>>)
        %dma_wait3A = tpu.memref_slice %arg7[%add3A_32] : memref<10240xf32, #tpu.memory_space<vmem_shared>> -> memref<128xf32, #tpu.memory_space<vmem_shared>>
        %dma_wait3A_34 = tpu.memref_slice %arg7[%add3A_32] : memref<10240xf32, #tpu.memory_space<vmem_shared>> -> memref<128xf32, #tpu.memory_space<vmem_shared>>
        tpu.wait_dma2 semaphore(%run_scoped3A : memref<!tpu.dma_semaphore, #tpu.memory_space<semaphore_mem>>) src(%arg6 : memref<128xf32, #tpu.memory_space<vmem>>) dst(%dma_wait3A_34 : memref<128xf32, #tpu.memory_space<vmem_shared>>)
        tpu.yield
      }) : () -> ()
    }
    %scan3A_13 = arith.constant 5 : i32
    %barrier3A = arith.constant 0 : index
    tpu.barrier barrier_id(%barrier3A)
    %scan3A_14 = arith.constant 0 : i32
    %scan3A_15 = arith.constant 0 : i32
    %scan3A_16 = arith.constant 80 : i32
    %scan3A_17 = arith.addi %scan3A_15, %scan3A_16 : i32
    %scan3A_18 = arith.constant 1 : i32
    scf.for %scan3A_27 = %scan3A_15 to %scan3A_17 step %scan3A_18  : i32 {
      "tpu.region"() ({
        %run_scoped3A = tpu.sem_alloc : memref<!tpu.dma_semaphore, #tpu.memory_space<semaphore_mem>>
        %dma_start3A = arith.constant 0 : i32
        %dma_start3A_28 = tpu.memref_slice %arg4[%scan3A_27, %dma_start3A] : memref<80x128xi32, #tpu.memory_space<vmem>> -> memref<1x128xi32, #tpu.memory_space<vmem>>
        %dma_start3A_29 = tpu.memref_squeeze %dma_start3A_28 : memref<1x128xi32, #tpu.memory_space<vmem>> -> memref<128xi32, #tpu.memory_space<vmem>>
        %dma_start3A_30 = arith.constant 0 : i32
        %dma_start3A_31 = tpu.memref_slice %arg7[%dma_start3A_30] : memref<10240xf32, #tpu.memory_space<vmem_shared>> -> memref<10240xf32, #tpu.memory_space<vmem_shared>>
        tpu.enqueue_indirect_dma source(%arg5 : memref<128xf32, #tpu.memory_space<vmem>>) target(%dma_start3A_31 : memref<10240xf32, #tpu.memory_space<vmem_shared>>) offsets(%dma_start3A_29 : memref<128xi32, #tpu.memory_space<vmem>>) semaphore(%run_scoped3A : memref<!tpu.dma_semaphore, #tpu.memory_space<semaphore_mem>>) {add = true}
        %dma_wait3A = arith.constant 0 : i32
        %dma_wait3A_32 = tpu.memref_slice %arg4[%scan3A_27, %dma_wait3A] : memref<80x128xi32, #tpu.memory_space<vmem>> -> memref<1x128xi32, #tpu.memory_space<vmem>>
        %dma_wait3A_33 = tpu.memref_squeeze %dma_wait3A_32 : memref<1x128xi32, #tpu.memory_space<vmem>> -> memref<128xi32, #tpu.memory_space<vmem>>
        %dma_wait3A_34 = arith.constant 0 : i32
        %dma_wait3A_35 = tpu.memref_slice %arg7[%dma_wait3A_34] : memref<10240xf32, #tpu.memory_space<vmem_shared>> -> memref<10240xf32, #tpu.memory_space<vmem_shared>>
        tpu.wait_indirect_dma semaphore(%run_scoped3A : memref<!tpu.dma_semaphore, #tpu.memory_space<semaphore_mem>>) src(%arg5 : memref<128xf32, #tpu.memory_space<vmem>>) dst(%dma_wait3A_35 : memref<10240xf32, #tpu.memory_space<vmem_shared>>)
        tpu.yield
      }) : () -> ()
    }
    %scan3A_19 = arith.constant 80 : i32
    %barrier3A_20 = arith.constant 0 : index
    tpu.barrier barrier_id(%barrier3A_20)
    %scan3A_21 = arith.constant 0 : i32
    %scan3A_22 = arith.constant 0 : i32
    %scan3A_23 = arith.constant 5 : i32
    %scan3A_24 = arith.addi %scan3A_22, %scan3A_23 : i32
    %scan3A_25 = arith.constant 1 : i32
    scf.for %scan3A_27 = %scan3A_22 to %scan3A_24 step %scan3A_25  : i32 {
      %mul3A_28 = arith.constant 640 : i32
      %mul3A_29 = arith.muli %arg1, %mul3A_28 : i32
      %mul3A_30 = arith.constant 128 : i32
      %mul3A_31 = arith.muli %scan3A_27, %mul3A_30 : i32
      %add3A_32 = arith.addi %mul3A_29, %mul3A_31 : i32
      "tpu.region"() ({
        %run_scoped3A = tpu.sem_alloc : memref<!tpu.dma_semaphore, #tpu.memory_space<semaphore_mem>>
        %dma_start3A = arith.constant 0 : i32
        %dma_start3A_33 = tpu.memref_slice %arg3[%arg0, %dma_start3A] : memref<2x10240xf32, #tpu.memory_space<hbm>> -> memref<1x10240xf32, #tpu.memory_space<hbm>>
        %dma_start3A_34 = tpu.memref_squeeze %dma_start3A_33 : memref<1x10240xf32, #tpu.memory_space<hbm>> -> memref<10240xf32, #tpu.memory_space<hbm>>
        %dma_start3A_35 = tpu.memref_slice %dma_start3A_34[%add3A_32] : memref<10240xf32, #tpu.memory_space<hbm>> -> memref<128xf32, #tpu.memory_space<hbm>>
        %dma_start3A_36 = tpu.memref_slice %arg7[%add3A_32] : memref<10240xf32, #tpu.memory_space<vmem_shared>> -> memref<128xf32, #tpu.memory_space<vmem_shared>>
        tpu.enqueue_dma source(%dma_start3A_36 : memref<128xf32, #tpu.memory_space<vmem_shared>>) target(%dma_start3A_35 : memref<128xf32, #tpu.memory_space<hbm>>) target_semaphore(%run_scoped3A : memref<!tpu.dma_semaphore, #tpu.memory_space<semaphore_mem>>)
        %dma_wait3A = arith.constant 0 : i32
        %dma_wait3A_37 = tpu.memref_slice %arg3[%arg0, %dma_wait3A] : memref<2x10240xf32, #tpu.memory_space<hbm>> -> memref<1x10240xf32, #tpu.memory_space<hbm>>
        %dma_wait3A_38 = tpu.memref_squeeze %dma_wait3A_37 : memref<1x10240xf32, #tpu.memory_space<hbm>> -> memref<10240xf32, #tpu.memory_space<hbm>>
        %dma_wait3A_39 = tpu.memref_slice %dma_wait3A_38[%add3A_32] : memref<10240xf32, #tpu.memory_space<hbm>> -> memref<128xf32, #tpu.memory_space<hbm>>
        %dma_wait3A_40 = tpu.memref_slice %arg7[%add3A_32] : memref<10240xf32, #tpu.memory_space<vmem_shared>> -> memref<128xf32, #tpu.memory_space<vmem_shared>>
        tpu.wait_dma2 semaphore(%run_scoped3A : memref<!tpu.dma_semaphore, #tpu.memory_space<semaphore_mem>>) src(%dma_wait3A_40 : memref<128xf32, #tpu.memory_space<vmem_shared>>) dst(%dma_wait3A_39 : memref<128xf32, #tpu.memory_space<hbm>>)
        tpu.yield
      }) : () -> ()
    }
    %scan3A_26 = arith.constant 5 : i32
    return
  }
}

#map = affine_map<(d0, d1) -> (0, 0)>
#map1 = affine_map<(d0, d1) -> (0, 0, 0)>
module attributes {stable_mosaic.version = 14 : i64} {
  func.func @_seg_body(%arg0: i32, %arg1: i32, %arg2: memref<10000x128xf32, #tpu.memory_space<hbm>>, %arg3: memref<2560x128xi32, #tpu.memory_space<hbm>>, %arg4: memref<2560x128xi32, #tpu.memory_space<hbm>>, %arg5: memref<2x10240x128xf32, #tpu.memory_space<hbm>>, %arg6: memref<120x128xi32, #tpu.memory_space<vmem>>, %arg7: memref<128xi32, #tpu.memory_space<vmem>>, %arg8: memref<128xi32, #tpu.memory_space<vmem>>, %arg9: memref<128x128xf32, #tpu.memory_space<vmem>>, %arg10: memref<128x128xf32, #tpu.memory_space<vmem>>, %arg11: memref<10240x128xf32, #tpu.memory_space<vmem_shared>>, %arg12: memref<!tpu.dma_semaphore, #tpu.memory_space<semaphore_mem>>, %arg13: memref<!tpu.dma_semaphore, #tpu.memory_space<semaphore_mem>>, %arg14: memref<!tpu.dma_semaphore, #tpu.memory_space<semaphore_mem>>, %arg15: memref<!tpu.dma_semaphore, #tpu.memory_space<semaphore_mem>>) attributes {dimension_semantics = [#tpu.dimension_semantics<core_parallel>, #tpu.dimension_semantics<subcore_parallel>], iteration_bounds = array<i64: 2, 16>, scalar_prefetch = 0 : i64, scratch_operands = 10 : i64, tpu.core_type = #tpu.core_type<sc_vector_subcore>, window_params = [{transform_indices = #map}, {transform_indices = #map}, {transform_indices = #map}, {transform_indices = #map1}]} {
    %eq3A = arith.constant 0 : i32
    %eq3A_0 = arith.cmpi eq, %arg0, %eq3A : i32
    %jit3A = arith.constant 120 : i32
    %jit3A_1 = arith.constant 40 : i32
    %select_n3A = arith.select %eq3A_0, %jit3A, %jit3A_1 : i32
    %eq3A_2 = arith.constant 0 : i32
    %eq3A_3 = arith.cmpi eq, %arg0, %eq3A_2 : i32
    %mul3A = arith.constant 120 : i32
    %mul3A_4 = arith.muli %arg1, %mul3A : i32
    %mul3A_5 = arith.constant 40 : i32
    %mul3A_6 = arith.muli %arg1, %mul3A_5 : i32
    %add3A = arith.constant 1920 : i32
    %add3A_7 = arith.addi %add3A, %mul3A_6 : i32
    %select_n3A_8 = arith.select %eq3A_3, %mul3A_4, %add3A_7 : i32
    %eq3A_9 = arith.constant 0 : i32
    %eq3A_10 = arith.cmpi eq, %arg0, %eq3A_9 : i32
    %convert_element_type3A = arith.extui %eq3A_10 : i1 to i32
    %cond3A = arith.constant 0 : i32
    %cond3A_11 = arith.cmpi ne, %convert_element_type3A, %cond3A : i32
    scf.if %cond3A_11 {
      "tpu.region"() ({
        %run_scoped3A = tpu.sem_alloc : memref<!tpu.dma_semaphore, #tpu.memory_space<semaphore_mem>>
        %dma_start3A_74 = arith.constant 0 : i32
        %dma_start3A_75 = tpu.memref_slice %arg3[%select_n3A_8, %dma_start3A_74] : memref<2560x128xi32, #tpu.memory_space<hbm>> -> memref<120x128xi32, #tpu.memory_space<hbm>>
        %dma_start3A_76 = arith.constant 0 : i32
        %dma_start3A_77 = tpu.memref_slice %arg3[%select_n3A_8, %dma_start3A_76] : memref<2560x128xi32, #tpu.memory_space<hbm>> -> memref<120x128xi32, #tpu.memory_space<hbm>>
        tpu.enqueue_dma source(%dma_start3A_77 : memref<120x128xi32, #tpu.memory_space<hbm>>) target(%arg6 : memref<120x128xi32, #tpu.memory_space<vmem>>) target_semaphore(%run_scoped3A : memref<!tpu.dma_semaphore, #tpu.memory_space<semaphore_mem>>)
        %dma_wait3A = arith.constant 0 : i32
        %dma_wait3A_78 = tpu.memref_slice %arg3[%select_n3A_8, %dma_wait3A] : memref<2560x128xi32, #tpu.memory_space<hbm>> -> memref<120x128xi32, #tpu.memory_space<hbm>>
        %dma_wait3A_79 = arith.constant 0 : i32
        %dma_wait3A_80 = tpu.memref_slice %arg3[%select_n3A_8, %dma_wait3A_79] : memref<2560x128xi32, #tpu.memory_space<hbm>> -> memref<120x128xi32, #tpu.memory_space<hbm>>
        tpu.wait_dma2 semaphore(%run_scoped3A : memref<!tpu.dma_semaphore, #tpu.memory_space<semaphore_mem>>) src(%dma_wait3A_80 : memref<120x128xi32, #tpu.memory_space<hbm>>) dst(%arg6 : memref<120x128xi32, #tpu.memory_space<vmem>>)
        tpu.yield
      }) : () -> ()
    } else {
    }
    %ne3A = arith.constant 0 : i32
    %ne3A_12 = arith.cmpi ne, %arg0, %ne3A : i32
    %convert_element_type3A_13 = arith.extui %ne3A_12 : i1 to i32
    %cond3A_14 = arith.constant 0 : i32
    %cond3A_15 = arith.cmpi ne, %convert_element_type3A_13, %cond3A_14 : i32
    scf.if %cond3A_15 {
      "tpu.region"() ({
        %run_scoped3A = tpu.sem_alloc : memref<!tpu.dma_semaphore, #tpu.memory_space<semaphore_mem>>
        %dma_start3A_74 = arith.constant 0 : i32
        %dma_start3A_75 = arith.constant 0 : i32
        %dma_start3A_76 = tpu.memref_slice %arg6[%dma_start3A_74, %dma_start3A_75] : memref<120x128xi32, #tpu.memory_space<vmem>> -> memref<40x128xi32, #tpu.memory_space<vmem>>
        %dma_start3A_77 = arith.constant 0 : i32
        %dma_start3A_78 = tpu.memref_slice %arg3[%select_n3A_8, %dma_start3A_77] : memref<2560x128xi32, #tpu.memory_space<hbm>> -> memref<40x128xi32, #tpu.memory_space<hbm>>
        %dma_start3A_79 = arith.constant 0 : i32
        %dma_start3A_80 = arith.constant 0 : i32
        %dma_start3A_81 = tpu.memref_slice %arg6[%dma_start3A_79, %dma_start3A_80] : memref<120x128xi32, #tpu.memory_space<vmem>> -> memref<40x128xi32, #tpu.memory_space<vmem>>
        %dma_start3A_82 = arith.constant 0 : i32
        %dma_start3A_83 = tpu.memref_slice %arg3[%select_n3A_8, %dma_start3A_82] : memref<2560x128xi32, #tpu.memory_space<hbm>> -> memref<40x128xi32, #tpu.memory_space<hbm>>
        tpu.enqueue_dma source(%dma_start3A_83 : memref<40x128xi32, #tpu.memory_space<hbm>>) target(%dma_start3A_81 : memref<40x128xi32, #tpu.memory_space<vmem>>) target_semaphore(%run_scoped3A : memref<!tpu.dma_semaphore, #tpu.memory_space<semaphore_mem>>)
        %dma_wait3A = arith.constant 0 : i32
        %dma_wait3A_84 = arith.constant 0 : i32
        %dma_wait3A_85 = tpu.memref_slice %arg6[%dma_wait3A, %dma_wait3A_84] : memref<120x128xi32, #tpu.memory_space<vmem>> -> memref<40x128xi32, #tpu.memory_space<vmem>>
        %dma_wait3A_86 = arith.constant 0 : i32
        %dma_wait3A_87 = tpu.memref_slice %arg3[%select_n3A_8, %dma_wait3A_86] : memref<2560x128xi32, #tpu.memory_space<hbm>> -> memref<40x128xi32, #tpu.memory_space<hbm>>
        %dma_wait3A_88 = arith.constant 0 : i32
        %dma_wait3A_89 = arith.constant 0 : i32
        %dma_wait3A_90 = tpu.memref_slice %arg6[%dma_wait3A_88, %dma_wait3A_89] : memref<120x128xi32, #tpu.memory_space<vmem>> -> memref<40x128xi32, #tpu.memory_space<vmem>>
        %dma_wait3A_91 = arith.constant 0 : i32
        %dma_wait3A_92 = tpu.memref_slice %arg3[%select_n3A_8, %dma_wait3A_91] : memref<2560x128xi32, #tpu.memory_space<hbm>> -> memref<40x128xi32, #tpu.memory_space<hbm>>
        tpu.wait_dma2 semaphore(%run_scoped3A : memref<!tpu.dma_semaphore, #tpu.memory_space<semaphore_mem>>) src(%dma_wait3A_92 : memref<40x128xi32, #tpu.memory_space<hbm>>) dst(%dma_wait3A_90 : memref<40x128xi32, #tpu.memory_space<vmem>>)
        tpu.yield
      }) : () -> ()
    } else {
    }
    %scan3A = arith.constant 0 : i32
    %scan3A_16 = arith.constant 0 : i32
    %scan3A_17 = arith.constant 1024 : i32
    %scan3A_18 = arith.addi %scan3A_16, %scan3A_17 : i32
    %scan3A_19 = arith.constant 1 : i32
    scf.for %scan3A_74 = %scan3A_16 to %scan3A_18 step %scan3A_19  : i32 {
      %jit3A_75 = arith.constant 8 : i32
      %div3A_76 = arith.divsi %scan3A_74, %jit3A_75 : i32
      %sign3A_77 = arith.constant 0 : i32
      %sign3A_78 = arith.cmpi sgt, %scan3A_74, %sign3A_77 : i32
      %sign3A_79 = arith.extui %sign3A_78 : i1 to i32
      %sign3A_80 = arith.constant 0 : i32
      %sign3A_81 = arith.cmpi slt, %scan3A_74, %sign3A_80 : i32
      %sign3A_82 = arith.extui %sign3A_81 : i1 to i32
      %sign3A_83 = arith.subi %sign3A_79, %sign3A_82 : i32
      %sign3A_84 = arith.constant 0 : i32
      %sign3A_85 = arith.cmpi sgt, %jit3A_75, %sign3A_84 : i32
      %sign3A_86 = arith.extui %sign3A_85 : i1 to i32
      %sign3A_87 = arith.constant 0 : i32
      %sign3A_88 = arith.cmpi slt, %jit3A_75, %sign3A_87 : i32
      %sign3A_89 = arith.extui %sign3A_88 : i1 to i32
      %sign3A_90 = arith.subi %sign3A_86, %sign3A_89 : i32
      %ne3A_91 = arith.cmpi ne, %sign3A_83, %sign3A_90 : i32
      %rem3A_92 = arith.remsi %scan3A_74, %jit3A_75 : i32
      %ne3A_93 = arith.constant 0 : i32
      %ne3A_94 = arith.cmpi ne, %rem3A_92, %ne3A_93 : i32
      %and3A_95 = arith.andi %ne3A_91, %ne3A_94 : i1
      %sub3A_96 = arith.constant 1 : i32
      %sub3A_97 = arith.subi %div3A_76, %sub3A_96 : i32
      %select_n3A_98 = arith.select %and3A_95, %sub3A_97, %div3A_76 : i32
      %jit3A_99 = arith.constant 8 : i32
      %eq3A_100 = arith.constant 0 : i32
      %eq3A_101 = arith.cmpi eq, %jit3A_99, %eq3A_100 : i32
      %jit3A_102 = arith.constant 1 : i32
      %select_n3A_103 = arith.select %eq3A_101, %jit3A_102, %jit3A_99 : i32
      %rem3A_104 = arith.remsi %scan3A_74, %select_n3A_103 : i32
      %ne3A_105 = arith.constant 0 : i32
      %ne3A_106 = arith.cmpi ne, %rem3A_104, %ne3A_105 : i32
      %lt3A = arith.constant 0 : i32
      %lt3A_107 = arith.cmpi slt, %rem3A_104, %lt3A : i32
      %lt3A_108 = arith.constant 0 : i32
      %lt3A_109 = arith.cmpi slt, %select_n3A_103, %lt3A_108 : i32
      %ne3A_110 = arith.xori %lt3A_107, %lt3A_109 : i1
      %and3A_111 = arith.andi %ne3A_110, %ne3A_106 : i1
      %add3A_112 = arith.addi %rem3A_104, %select_n3A_103 : i32
      %select_n3A_113 = arith.select %and3A_111, %add3A_112, %rem3A_104 : i32
      %broadcast_in_dim3A = arith.constant 0.000000e+00 : f32
      %broadcast_in_dim3A_114 = vector.broadcast %broadcast_in_dim3A : f32 to vector<16xf32>
      %mul3A_115 = arith.constant 16 : i32
      %mul3A_116 = arith.muli %select_n3A_113, %mul3A_115 : i32
      %swap3A = arith.index_cast %select_n3A_98 : i32 to index
      %swap3A_117 = arith.index_cast %mul3A_116 : i32 to index
      %swap3A_118 = tpu.vector_load %arg9[%swap3A, %swap3A_117] {strides = array<i32>} : memref<128x128xf32, #tpu.memory_space<vmem>>, vector<1x16xf32>,
      %swap3A_119 = vector.shape_cast %swap3A_118 : vector<1x16xf32> to vector<16xf32>
      %swap3A_120 = vector.shape_cast %broadcast_in_dim3A_114 : vector<16xf32> to vector<1x16xf32>
      tpu.vector_store %arg9[%swap3A, %swap3A_117], %swap3A_120 {strides = array<i32>} : memref<128x128xf32, #tpu.memory_space<vmem>>, vector<1x16xf32>,
    }
    %scan3A_20 = arith.constant 1024 : i32
    %scan3A_21 = arith.constant 0 : i32
    %scan3A_22 = arith.constant 0 : i32
    %scan3A_23 = arith.constant 5 : i32
    %scan3A_24 = arith.addi %scan3A_22, %scan3A_23 : i32
    %scan3A_25 = arith.constant 1 : i32
    scf.for %scan3A_74 = %scan3A_22 to %scan3A_24 step %scan3A_25  : i32 {
      %mul3A_75 = arith.constant 640 : i32
      %mul3A_76 = arith.muli %arg1, %mul3A_75 : i32
      %mul3A_77 = arith.constant 128 : i32
      %mul3A_78 = arith.muli %scan3A_74, %mul3A_77 : i32
      %add3A_79 = arith.addi %mul3A_76, %mul3A_78 : i32
      "tpu.region"() ({
        %run_scoped3A = tpu.sem_alloc : memref<!tpu.dma_semaphore, #tpu.memory_space<semaphore_mem>>
        %dma_start3A_80 = arith.constant 0 : i32
        %dma_start3A_81 = tpu.memref_slice %arg11[%add3A_79, %dma_start3A_80] : memref<10240x128xf32, #tpu.memory_space<vmem_shared>> -> memref<128x128xf32, #tpu.memory_space<vmem_shared>>
        %dma_start3A_82 = arith.constant 0 : i32
        %dma_start3A_83 = tpu.memref_slice %arg11[%add3A_79, %dma_start3A_82] : memref<10240x128xf32, #tpu.memory_space<vmem_shared>> -> memref<128x128xf32, #tpu.memory_space<vmem_shared>>
        tpu.enqueue_dma source(%arg9 : memref<128x128xf32, #tpu.memory_space<vmem>>) target(%dma_start3A_83 : memref<128x128xf32, #tpu.memory_space<vmem_shared>>) target_semaphore(%run_scoped3A : memref<!tpu.dma_semaphore, #tpu.memory_space<semaphore_mem>>)
        %dma_wait3A = arith.constant 0 : i32
        %dma_wait3A_84 = tpu.memref_slice %arg11[%add3A_79, %dma_wait3A] : memref<10240x128xf32, #tpu.memory_space<vmem_shared>> -> memref<128x128xf32, #tpu.memory_space<vmem_shared>>
        %dma_wait3A_85 = arith.constant 0 : i32
        %dma_wait3A_86 = tpu.memref_slice %arg11[%add3A_79, %dma_wait3A_85] : memref<10240x128xf32, #tpu.memory_space<vmem_shared>> -> memref<128x128xf32, #tpu.memory_space<vmem_shared>>
        tpu.wait_dma2 semaphore(%run_scoped3A : memref<!tpu.dma_semaphore, #tpu.memory_space<semaphore_mem>>) src(%arg9 : memref<128x128xf32, #tpu.memory_space<vmem>>) dst(%dma_wait3A_86 : memref<128x128xf32, #tpu.memory_space<vmem_shared>>)
        tpu.yield
      }) : () -> ()
    }
    %scan3A_26 = arith.constant 5 : i32
    %barrier3A = arith.constant 0 : index
    tpu.barrier barrier_id(%barrier3A)
    %dma_start3A = arith.constant 0 : i32
    %dma_start3A_27 = tpu.memref_slice %arg4[%select_n3A_8, %dma_start3A] : memref<2560x128xi32, #tpu.memory_space<hbm>> -> memref<1x128xi32, #tpu.memory_space<hbm>>
    %dma_start3A_28 = tpu.memref_squeeze %dma_start3A_27 : memref<1x128xi32, #tpu.memory_space<hbm>> -> memref<128xi32, #tpu.memory_space<hbm>>
    %dma_start3A_29 = arith.constant 0 : i32
    %dma_start3A_30 = tpu.memref_slice %arg4[%select_n3A_8, %dma_start3A_29] : memref<2560x128xi32, #tpu.memory_space<hbm>> -> memref<1x128xi32, #tpu.memory_space<hbm>>
    %dma_start3A_31 = tpu.memref_squeeze %dma_start3A_30 : memref<1x128xi32, #tpu.memory_space<hbm>> -> memref<128xi32, #tpu.memory_space<hbm>>
    tpu.enqueue_dma source(%dma_start3A_31 : memref<128xi32, #tpu.memory_space<hbm>>) target(%arg7 : memref<128xi32, #tpu.memory_space<vmem>>) target_semaphore(%arg14 : memref<!tpu.dma_semaphore, #tpu.memory_space<semaphore_mem>>)
    %dma_start3A_32 = arith.constant 0 : i32
    %dma_start3A_33 = arith.constant 0 : i32
    %dma_start3A_34 = tpu.memref_slice %arg6[%dma_start3A_32, %dma_start3A_33] : memref<120x128xi32, #tpu.memory_space<vmem>> -> memref<1x128xi32, #tpu.memory_space<vmem>>
    %dma_start3A_35 = tpu.memref_squeeze %dma_start3A_34 : memref<1x128xi32, #tpu.memory_space<vmem>> -> memref<128xi32, #tpu.memory_space<vmem>>
    %dma_start3A_36 = arith.constant 0 : i32
    %dma_start3A_37 = arith.constant 0 : i32
    %dma_start3A_38 = tpu.memref_slice %arg2[%dma_start3A_36, %dma_start3A_37] : memref<10000x128xf32, #tpu.memory_space<hbm>> -> memref<10000x128xf32, #tpu.memory_space<hbm>>
    tpu.enqueue_indirect_dma source(%dma_start3A_38 : memref<10000x128xf32, #tpu.memory_space<hbm>>) target(%arg9 : memref<128x128xf32, #tpu.memory_space<vmem>>) offsets(%dma_start3A_35 : memref<128xi32, #tpu.memory_space<vmem>>) semaphore(%arg12 : memref<!tpu.dma_semaphore, #tpu.memory_space<semaphore_mem>>)
    %jit3A_39 = arith.constant 2 : i32
    %div3A = arith.divsi %select_n3A, %jit3A_39 : i32
    %sign3A = arith.constant 0 : i32
    %sign3A_40 = arith.cmpi sgt, %select_n3A, %sign3A : i32
    %sign3A_41 = arith.extui %sign3A_40 : i1 to i32
    %sign3A_42 = arith.constant 0 : i32
    %sign3A_43 = arith.cmpi slt, %select_n3A, %sign3A_42 : i32
    %sign3A_44 = arith.extui %sign3A_43 : i1 to i32
    %sign3A_45 = arith.subi %sign3A_41, %sign3A_44 : i32
    %sign3A_46 = arith.constant 0 : i32
    %sign3A_47 = arith.cmpi sgt, %jit3A_39, %sign3A_46 : i32
    %sign3A_48 = arith.extui %sign3A_47 : i1 to i32
    %sign3A_49 = arith.constant 0 : i32
    %sign3A_50 = arith.cmpi slt, %jit3A_39, %sign3A_49 : i32
    %sign3A_51 = arith.extui %sign3A_50 : i1 to i32
    %sign3A_52 = arith.subi %sign3A_48, %sign3A_51 : i32
    %ne3A_53 = arith.cmpi ne, %sign3A_45, %sign3A_52 : i32
    %rem3A = arith.remsi %select_n3A, %jit3A_39 : i32
    %ne3A_54 = arith.constant 0 : i32
    %ne3A_55 = arith.cmpi ne, %rem3A, %ne3A_54 : i32
    %and3A = arith.andi %ne3A_53, %ne3A_55 : i1
    %sub3A = arith.constant 1 : i32
    %sub3A_56 = arith.subi %div3A, %sub3A : i32
    %select_n3A_57 = arith.select %and3A, %sub3A_56, %div3A : i32
    %while3A = arith.constant 0 : i32
    %while3A_58 = arith.constant 0 : i32
    %while3A_59 = arith.subi %select_n3A_57, %while3A_58 : i32
    %while3A_60 = arith.addi %while3A_58, %while3A_59 : i32
    %while3A_61 = arith.constant 1 : i32
    %while3A_62 = arith.divsi %while3A_59, %while3A_61 : i32
    %while3A_63 = arith.muli %while3A_62, %while3A_61 : i32
    %while3A_64 = arith.addi %while3A_58, %while3A_63 : i32
    %while3A_65 = arith.constant 1 : i32
    scf.for %while3A_74 = %while3A_58 to %while3A_64 step %while3A_65  : i32 {
      %mul3A_75 = arith.constant 2 : i32
      %mul3A_76 = arith.muli %while3A_74, %mul3A_75 : i32
      %add3A_77 = arith.addi %select_n3A_8, %mul3A_76 : i32
      %add3A_78 = arith.constant 1 : i32
      %add3A_79 = arith.addi %add3A_77, %add3A_78 : i32
      %dma_start3A_80 = arith.constant 0 : i32
      %dma_start3A_81 = tpu.memref_slice %arg4[%add3A_79, %dma_start3A_80] : memref<2560x128xi32, #tpu.memory_space<hbm>> -> memref<1x128xi32, #tpu.memory_space<hbm>>
      %dma_start3A_82 = tpu.memref_squeeze %dma_start3A_81 : memref<1x128xi32, #tpu.memory_space<hbm>> -> memref<128xi32, #tpu.memory_space<hbm>>
      %dma_start3A_83 = arith.constant 0 : i32
      %dma_start3A_84 = tpu.memref_slice %arg4[%add3A_79, %dma_start3A_83] : memref<2560x128xi32, #tpu.memory_space<hbm>> -> memref<1x128xi32, #tpu.memory_space<hbm>>
      %dma_start3A_85 = tpu.memref_squeeze %dma_start3A_84 : memref<1x128xi32, #tpu.memory_space<hbm>> -> memref<128xi32, #tpu.memory_space<hbm>>
      tpu.enqueue_dma source(%dma_start3A_85 : memref<128xi32, #tpu.memory_space<hbm>>) target(%arg8 : memref<128xi32, #tpu.memory_space<vmem>>) target_semaphore(%arg15 : memref<!tpu.dma_semaphore, #tpu.memory_space<semaphore_mem>>)
      %add3A_86 = arith.constant 1 : i32
      %add3A_87 = arith.addi %mul3A_76, %add3A_86 : i32
      %dma_start3A_88 = arith.constant 0 : i32
      %dma_start3A_89 = tpu.memref_slice %arg6[%add3A_87, %dma_start3A_88] : memref<120x128xi32, #tpu.memory_space<vmem>> -> memref<1x128xi32, #tpu.memory_space<vmem>>
      %dma_start3A_90 = tpu.memref_squeeze %dma_start3A_89 : memref<1x128xi32, #tpu.memory_space<vmem>> -> memref<128xi32, #tpu.memory_space<vmem>>
      %dma_start3A_91 = arith.constant 0 : i32
      %dma_start3A_92 = arith.constant 0 : i32
      %dma_start3A_93 = tpu.memref_slice %arg2[%dma_start3A_91, %dma_start3A_92] : memref<10000x128xf32, #tpu.memory_space<hbm>> -> memref<10000x128xf32, #tpu.memory_space<hbm>>
      tpu.enqueue_indirect_dma source(%dma_start3A_93 : memref<10000x128xf32, #tpu.memory_space<hbm>>) target(%arg10 : memref<128x128xf32, #tpu.memory_space<vmem>>) offsets(%dma_start3A_90 : memref<128xi32, #tpu.memory_space<vmem>>) semaphore(%arg13 : memref<!tpu.dma_semaphore, #tpu.memory_space<semaphore_mem>>)
      %dma_wait3A = arith.constant 0 : i32
      %dma_wait3A_94 = tpu.memref_slice %arg4[%select_n3A_8, %dma_wait3A] : memref<2560x128xi32, #tpu.memory_space<hbm>> -> memref<1x128xi32, #tpu.memory_space<hbm>>
      %dma_wait3A_95 = tpu.memref_squeeze %dma_wait3A_94 : memref<1x128xi32, #tpu.memory_space<hbm>> -> memref<128xi32, #tpu.memory_space<hbm>>
      %dma_wait3A_96 = arith.constant 0 : i32
      %dma_wait3A_97 = tpu.memref_slice %arg4[%select_n3A_8, %dma_wait3A_96] : memref<2560x128xi32, #tpu.memory_space<hbm>> -> memref<1x128xi32, #tpu.memory_space<hbm>>
      %dma_wait3A_98 = tpu.memref_squeeze %dma_wait3A_97 : memref<1x128xi32, #tpu.memory_space<hbm>> -> memref<128xi32, #tpu.memory_space<hbm>>
      tpu.wait_dma2 semaphore(%arg14 : memref<!tpu.dma_semaphore, #tpu.memory_space<semaphore_mem>>) src(%dma_wait3A_98 : memref<128xi32, #tpu.memory_space<hbm>>) dst(%arg7 : memref<128xi32, #tpu.memory_space<vmem>>)
      %dma_wait3A_99 = arith.constant 0 : i32
      %dma_wait3A_100 = arith.constant 0 : i32
      %dma_wait3A_101 = tpu.memref_slice %arg2[%dma_wait3A_99, %dma_wait3A_100] : memref<10000x128xf32, #tpu.memory_space<hbm>> -> memref<128x128xf32, #tpu.memory_space<hbm>>
      %dma_wait3A_102 = arith.constant 0 : i32
      %dma_wait3A_103 = arith.constant 0 : i32
      %dma_wait3A_104 = tpu.memref_slice %arg2[%dma_wait3A_102, %dma_wait3A_103] : memref<10000x128xf32, #tpu.memory_space<hbm>> -> memref<128x128xf32, #tpu.memory_space<hbm>>
      tpu.wait_dma2 semaphore(%arg12 : memref<!tpu.dma_semaphore, #tpu.memory_space<semaphore_mem>>) src(%dma_wait3A_104 : memref<128x128xf32, #tpu.memory_space<hbm>>) dst(%arg9 : memref<128x128xf32, #tpu.memory_space<vmem>>)
      "tpu.region"() ({
        %run_scoped3A = tpu.sem_alloc : memref<!tpu.dma_semaphore, #tpu.memory_space<semaphore_mem>>
        %dma_start3A_122 = arith.constant 0 : i32
        %dma_start3A_123 = arith.constant 0 : i32
        %dma_start3A_124 = tpu.memref_slice %arg11[%dma_start3A_122, %dma_start3A_123] : memref<10240x128xf32, #tpu.memory_space<vmem_shared>> -> memref<10240x128xf32, #tpu.memory_space<vmem_shared>>
        tpu.enqueue_indirect_dma source(%arg9 : memref<128x128xf32, #tpu.memory_space<vmem>>) target(%dma_start3A_124 : memref<10240x128xf32, #tpu.memory_space<vmem_shared>>) offsets(%arg7 : memref<128xi32, #tpu.memory_space<vmem>>) semaphore(%run_scoped3A : memref<!tpu.dma_semaphore, #tpu.memory_space<semaphore_mem>>) {add = true}
        %dma_wait3A_125 = arith.constant 0 : i32
        %dma_wait3A_126 = arith.constant 0 : i32
        %dma_wait3A_127 = tpu.memref_slice %arg11[%dma_wait3A_125, %dma_wait3A_126] : memref<10240x128xf32, #tpu.memory_space<vmem_shared>> -> memref<10240x128xf32, #tpu.memory_space<vmem_shared>>
        tpu.wait_indirect_dma semaphore(%run_scoped3A : memref<!tpu.dma_semaphore, #tpu.memory_space<semaphore_mem>>) src(%arg9 : memref<128x128xf32, #tpu.memory_space<vmem>>) dst(%dma_wait3A_127 : memref<10240x128xf32, #tpu.memory_space<vmem_shared>>)
        tpu.yield
      }) : () -> ()
      %add3A_105 = arith.constant 2 : i32
      %add3A_106 = arith.addi %mul3A_76, %add3A_105 : i32
      %lt3A = arith.cmpi slt, %add3A_106, %select_n3A : i32
      %convert_element_type3A_107 = arith.extui %lt3A : i1 to i32
      %cond3A_108 = arith.constant 0 : i32
      %cond3A_109 = arith.cmpi ne, %convert_element_type3A_107, %cond3A_108 : i32
      scf.if %cond3A_109 {
        %add3A_122 = arith.addi %select_n3A_8, %mul3A_76 : i32
        %add3A_123 = arith.constant 2 : i32
        %add3A_124 = arith.addi %add3A_122, %add3A_123 : i32
        %dma_start3A_125 = arith.constant 0 : i32
        %dma_start3A_126 = tpu.memref_slice %arg4[%add3A_124, %dma_start3A_125] : memref<2560x128xi32, #tpu.memory_space<hbm>> -> memref<1x128xi32, #tpu.memory_space<hbm>>
        %dma_start3A_127 = tpu.memref_squeeze %dma_start3A_126 : memref<1x128xi32, #tpu.memory_space<hbm>> -> memref<128xi32, #tpu.memory_space<hbm>>
        %dma_start3A_128 = arith.constant 0 : i32
        %dma_start3A_129 = tpu.memref_slice %arg4[%add3A_124, %dma_start3A_128] : memref<2560x128xi32, #tpu.memory_space<hbm>> -> memref<1x128xi32, #tpu.memory_space<hbm>>
        %dma_start3A_130 = tpu.memref_squeeze %dma_start3A_129 : memref<1x128xi32, #tpu.memory_space<hbm>> -> memref<128xi32, #tpu.memory_space<hbm>>
        tpu.enqueue_dma source(%dma_start3A_130 : memref<128xi32, #tpu.memory_space<hbm>>) target(%arg7 : memref<128xi32, #tpu.memory_space<vmem>>) target_semaphore(%arg14 : memref<!tpu.dma_semaphore, #tpu.memory_space<semaphore_mem>>)
        %add3A_131 = arith.constant 2 : i32
        %add3A_132 = arith.addi %mul3A_76, %add3A_131 : i32
        %dma_start3A_133 = arith.constant 0 : i32
        %dma_start3A_134 = tpu.memref_slice %arg6[%add3A_132, %dma_start3A_133] : memref<120x128xi32, #tpu.memory_space<vmem>> -> memref<1x128xi32, #tpu.memory_space<vmem>>
        %dma_start3A_135 = tpu.memref_squeeze %dma_start3A_134 : memref<1x128xi32, #tpu.memory_space<vmem>> -> memref<128xi32, #tpu.memory_space<vmem>>
        %dma_start3A_136 = arith.constant 0 : i32
        %dma_start3A_137 = arith.constant 0 : i32
        %dma_start3A_138 = tpu.memref_slice %arg2[%dma_start3A_136, %dma_start3A_137] : memref<10000x128xf32, #tpu.memory_space<hbm>> -> memref<10000x128xf32, #tpu.memory_space<hbm>>
        tpu.enqueue_indirect_dma source(%dma_start3A_138 : memref<10000x128xf32, #tpu.memory_space<hbm>>) target(%arg9 : memref<128x128xf32, #tpu.memory_space<vmem>>) offsets(%dma_start3A_135 : memref<128xi32, #tpu.memory_space<vmem>>) semaphore(%arg12 : memref<!tpu.dma_semaphore, #tpu.memory_space<semaphore_mem>>)
      } else {
      }
      %dma_wait3A_110 = arith.constant 0 : i32
      %dma_wait3A_111 = tpu.memref_slice %arg4[%select_n3A_8, %dma_wait3A_110] : memref<2560x128xi32, #tpu.memory_space<hbm>> -> memref<1x128xi32, #tpu.memory_space<hbm>>
      %dma_wait3A_112 = tpu.memref_squeeze %dma_wait3A_111 : memref<1x128xi32, #tpu.memory_space<hbm>> -> memref<128xi32, #tpu.memory_space<hbm>>
      %dma_wait3A_113 = arith.constant 0 : i32
      %dma_wait3A_114 = tpu.memref_slice %arg4[%select_n3A_8, %dma_wait3A_113] : memref<2560x128xi32, #tpu.memory_space<hbm>> -> memref<1x128xi32, #tpu.memory_space<hbm>>
      %dma_wait3A_115 = tpu.memref_squeeze %dma_wait3A_114 : memref<1x128xi32, #tpu.memory_space<hbm>> -> memref<128xi32, #tpu.memory_space<hbm>>
      tpu.wait_dma2 semaphore(%arg15 : memref<!tpu.dma_semaphore, #tpu.memory_space<semaphore_mem>>) src(%dma_wait3A_115 : memref<128xi32, #tpu.memory_space<hbm>>) dst(%arg8 : memref<128xi32, #tpu.memory_space<vmem>>)
      %dma_wait3A_116 = arith.constant 0 : i32
      %dma_wait3A_117 = arith.constant 0 : i32
      %dma_wait3A_118 = tpu.memref_slice %arg2[%dma_wait3A_116, %dma_wait3A_117] : memref<10000x128xf32, #tpu.memory_space<hbm>> -> memref<128x128xf32, #tpu.memory_space<hbm>>
      %dma_wait3A_119 = arith.constant 0 : i32
      %dma_wait3A_120 = arith.constant 0 : i32
      %dma_wait3A_121 = tpu.memref_slice %arg2[%dma_wait3A_119, %dma_wait3A_120] : memref<10000x128xf32, #tpu.memory_space<hbm>> -> memref<128x128xf32, #tpu.memory_space<hbm>>
      tpu.wait_dma2 semaphore(%arg13 : memref<!tpu.dma_semaphore, #tpu.memory_space<semaphore_mem>>) src(%dma_wait3A_121 : memref<128x128xf32, #tpu.memory_space<hbm>>) dst(%arg10 : memref<128x128xf32, #tpu.memory_space<vmem>>)
      "tpu.region"() ({
        %run_scoped3A = tpu.sem_alloc : memref<!tpu.dma_semaphore, #tpu.memory_space<semaphore_mem>>
        %dma_start3A_122 = arith.constant 0 : i32
        %dma_start3A_123 = arith.constant 0 : i32
        %dma_start3A_124 = tpu.memref_slice %arg11[%dma_start3A_122, %dma_start3A_123] : memref<10240x128xf32, #tpu.memory_space<vmem_shared>> -> memref<10240x128xf32, #tpu.memory_space<vmem_shared>>
        tpu.enqueue_indirect_dma source(%arg10 : memref<128x128xf32, #tpu.memory_space<vmem>>) target(%dma_start3A_124 : memref<10240x128xf32, #tpu.memory_space<vmem_shared>>) offsets(%arg8 : memref<128xi32, #tpu.memory_space<vmem>>) semaphore(%run_scoped3A : memref<!tpu.dma_semaphore, #tpu.memory_space<semaphore_mem>>) {add = true}
        %dma_wait3A_125 = arith.constant 0 : i32
        %dma_wait3A_126 = arith.constant 0 : i32
        %dma_wait3A_127 = tpu.memref_slice %arg11[%dma_wait3A_125, %dma_wait3A_126] : memref<10240x128xf32, #tpu.memory_space<vmem_shared>> -> memref<10240x128xf32, #tpu.memory_space<vmem_shared>>
        tpu.wait_indirect_dma semaphore(%run_scoped3A : memref<!tpu.dma_semaphore, #tpu.memory_space<semaphore_mem>>) src(%arg10 : memref<128x128xf32, #tpu.memory_space<vmem>>) dst(%dma_wait3A_127 : memref<10240x128xf32, #tpu.memory_space<vmem_shared>>)
        tpu.yield
      }) : () -> ()
    }
    %while3A_66 = arith.constant 1 : i32
    scf.for %while3A_74 = %while3A_64 to %while3A_60 step %while3A_66  : i32 {
      %mul3A_75 = arith.constant 2 : i32
      %mul3A_76 = arith.muli %while3A_74, %mul3A_75 : i32
      %add3A_77 = arith.addi %select_n3A_8, %mul3A_76 : i32
      %add3A_78 = arith.constant 1 : i32
      %add3A_79 = arith.addi %add3A_77, %add3A_78 : i32
      %dma_start3A_80 = arith.constant 0 : i32
      %dma_start3A_81 = tpu.memref_slice %arg4[%add3A_79, %dma_start3A_80] : memref<2560x128xi32, #tpu.memory_space<hbm>> -> memref<1x128xi32, #tpu.memory_space<hbm>>
      %dma_start3A_82 = tpu.memref_squeeze %dma_start3A_81 : memref<1x128xi32, #tpu.memory_space<hbm>> -> memref<128xi32, #tpu.memory_space<hbm>>
      %dma_start3A_83 = arith.constant 0 : i32
      %dma_start3A_84 = tpu.memref_slice %arg4[%add3A_79, %dma_start3A_83] : memref<2560x128xi32, #tpu.memory_space<hbm>> -> memref<1x128xi32, #tpu.memory_space<hbm>>
      %dma_start3A_85 = tpu.memref_squeeze %dma_start3A_84 : memref<1x128xi32, #tpu.memory_space<hbm>> -> memref<128xi32, #tpu.memory_space<hbm>>
      tpu.enqueue_dma source(%dma_start3A_85 : memref<128xi32, #tpu.memory_space<hbm>>) target(%arg8 : memref<128xi32, #tpu.memory_space<vmem>>) target_semaphore(%arg15 : memref<!tpu.dma_semaphore, #tpu.memory_space<semaphore_mem>>)
      %add3A_86 = arith.constant 1 : i32
      %add3A_87 = arith.addi %mul3A_76, %add3A_86 : i32
      %dma_start3A_88 = arith.constant 0 : i32
      %dma_start3A_89 = tpu.memref_slice %arg6[%add3A_87, %dma_start3A_88] : memref<120x128xi32, #tpu.memory_space<vmem>> -> memref<1x128xi32, #tpu.memory_space<vmem>>
      %dma_start3A_90 = tpu.memref_squeeze %dma_start3A_89 : memref<1x128xi32, #tpu.memory_space<vmem>> -> memref<128xi32, #tpu.memory_space<vmem>>
      %dma_start3A_91 = arith.constant 0 : i32
      %dma_start3A_92 = arith.constant 0 : i32
      %dma_start3A_93 = tpu.memref_slice %arg2[%dma_start3A_91, %dma_start3A_92] : memref<10000x128xf32, #tpu.memory_space<hbm>> -> memref<10000x128xf32, #tpu.memory_space<hbm>>
      tpu.enqueue_indirect_dma source(%dma_start3A_93 : memref<10000x128xf32, #tpu.memory_space<hbm>>) target(%arg10 : memref<128x128xf32, #tpu.memory_space<vmem>>) offsets(%dma_start3A_90 : memref<128xi32, #tpu.memory_space<vmem>>) semaphore(%arg13 : memref<!tpu.dma_semaphore, #tpu.memory_space<semaphore_mem>>)
      %dma_wait3A = arith.constant 0 : i32
      %dma_wait3A_94 = tpu.memref_slice %arg4[%select_n3A_8, %dma_wait3A] : memref<2560x128xi32, #tpu.memory_space<hbm>> -> memref<1x128xi32, #tpu.memory_space<hbm>>
      %dma_wait3A_95 = tpu.memref_squeeze %dma_wait3A_94 : memref<1x128xi32, #tpu.memory_space<hbm>> -> memref<128xi32, #tpu.memory_space<hbm>>
      %dma_wait3A_96 = arith.constant 0 : i32
      %dma_wait3A_97 = tpu.memref_slice %arg4[%select_n3A_8, %dma_wait3A_96] : memref<2560x128xi32, #tpu.memory_space<hbm>> -> memref<1x128xi32, #tpu.memory_space<hbm>>
      %dma_wait3A_98 = tpu.memref_squeeze %dma_wait3A_97 : memref<1x128xi32, #tpu.memory_space<hbm>> -> memref<128xi32, #tpu.memory_space<hbm>>
      tpu.wait_dma2 semaphore(%arg14 : memref<!tpu.dma_semaphore, #tpu.memory_space<semaphore_mem>>) src(%dma_wait3A_98 : memref<128xi32, #tpu.memory_space<hbm>>) dst(%arg7 : memref<128xi32, #tpu.memory_space<vmem>>)
      %dma_wait3A_99 = arith.constant 0 : i32
      %dma_wait3A_100 = arith.constant 0 : i32
      %dma_wait3A_101 = tpu.memref_slice %arg2[%dma_wait3A_99, %dma_wait3A_100] : memref<10000x128xf32, #tpu.memory_space<hbm>> -> memref<128x128xf32, #tpu.memory_space<hbm>>
      %dma_wait3A_102 = arith.constant 0 : i32
      %dma_wait3A_103 = arith.constant 0 : i32
      %dma_wait3A_104 = tpu.memref_slice %arg2[%dma_wait3A_102, %dma_wait3A_103] : memref<10000x128xf32, #tpu.memory_space<hbm>> -> memref<128x128xf32, #tpu.memory_space<hbm>>
      tpu.wait_dma2 semaphore(%arg12 : memref<!tpu.dma_semaphore, #tpu.memory_space<semaphore_mem>>) src(%dma_wait3A_104 : memref<128x128xf32, #tpu.memory_space<hbm>>) dst(%arg9 : memref<128x128xf32, #tpu.memory_space<vmem>>)
      "tpu.region"() ({
        %run_scoped3A = tpu.sem_alloc : memref<!tpu.dma_semaphore, #tpu.memory_space<semaphore_mem>>
        %dma_start3A_122 = arith.constant 0 : i32
        %dma_start3A_123 = arith.constant 0 : i32
        %dma_start3A_124 = tpu.memref_slice %arg11[%dma_start3A_122, %dma_start3A_123] : memref<10240x128xf32, #tpu.memory_space<vmem_shared>> -> memref<10240x128xf32, #tpu.memory_space<vmem_shared>>
        tpu.enqueue_indirect_dma source(%arg9 : memref<128x128xf32, #tpu.memory_space<vmem>>) target(%dma_start3A_124 : memref<10240x128xf32, #tpu.memory_space<vmem_shared>>) offsets(%arg7 : memref<128xi32, #tpu.memory_space<vmem>>) semaphore(%run_scoped3A : memref<!tpu.dma_semaphore, #tpu.memory_space<semaphore_mem>>) {add = true}
        %dma_wait3A_125 = arith.constant 0 : i32
        %dma_wait3A_126 = arith.constant 0 : i32
        %dma_wait3A_127 = tpu.memref_slice %arg11[%dma_wait3A_125, %dma_wait3A_126] : memref<10240x128xf32, #tpu.memory_space<vmem_shared>> -> memref<10240x128xf32, #tpu.memory_space<vmem_shared>>
        tpu.wait_indirect_dma semaphore(%run_scoped3A : memref<!tpu.dma_semaphore, #tpu.memory_space<semaphore_mem>>) src(%arg9 : memref<128x128xf32, #tpu.memory_space<vmem>>) dst(%dma_wait3A_127 : memref<10240x128xf32, #tpu.memory_space<vmem_shared>>)
        tpu.yield
      }) : () -> ()
      %add3A_105 = arith.constant 2 : i32
      %add3A_106 = arith.addi %mul3A_76, %add3A_105 : i32
      %lt3A = arith.cmpi slt, %add3A_106, %select_n3A : i32
      %convert_element_type3A_107 = arith.extui %lt3A : i1 to i32
      %cond3A_108 = arith.constant 0 : i32
      %cond3A_109 = arith.cmpi ne, %convert_element_type3A_107, %cond3A_108 : i32
      scf.if %cond3A_109 {
        %add3A_122 = arith.addi %select_n3A_8, %mul3A_76 : i32
        %add3A_123 = arith.constant 2 : i32
        %add3A_124 = arith.addi %add3A_122, %add3A_123 : i32
        %dma_start3A_125 = arith.constant 0 : i32
        %dma_start3A_126 = tpu.memref_slice %arg4[%add3A_124, %dma_start3A_125] : memref<2560x128xi32, #tpu.memory_space<hbm>> -> memref<1x128xi32, #tpu.memory_space<hbm>>
        %dma_start3A_127 = tpu.memref_squeeze %dma_start3A_126 : memref<1x128xi32, #tpu.memory_space<hbm>> -> memref<128xi32, #tpu.memory_space<hbm>>
        %dma_start3A_128 = arith.constant 0 : i32
        %dma_start3A_129 = tpu.memref_slice %arg4[%add3A_124, %dma_start3A_128] : memref<2560x128xi32, #tpu.memory_space<hbm>> -> memref<1x128xi32, #tpu.memory_space<hbm>>
        %dma_start3A_130 = tpu.memref_squeeze %dma_start3A_129 : memref<1x128xi32, #tpu.memory_space<hbm>> -> memref<128xi32, #tpu.memory_space<hbm>>
        tpu.enqueue_dma source(%dma_start3A_130 : memref<128xi32, #tpu.memory_space<hbm>>) target(%arg7 : memref<128xi32, #tpu.memory_space<vmem>>) target_semaphore(%arg14 : memref<!tpu.dma_semaphore, #tpu.memory_space<semaphore_mem>>)
        %add3A_131 = arith.constant 2 : i32
        %add3A_132 = arith.addi %mul3A_76, %add3A_131 : i32
        %dma_start3A_133 = arith.constant 0 : i32
        %dma_start3A_134 = tpu.memref_slice %arg6[%add3A_132, %dma_start3A_133] : memref<120x128xi32, #tpu.memory_space<vmem>> -> memref<1x128xi32, #tpu.memory_space<vmem>>
        %dma_start3A_135 = tpu.memref_squeeze %dma_start3A_134 : memref<1x128xi32, #tpu.memory_space<vmem>> -> memref<128xi32, #tpu.memory_space<vmem>>
        %dma_start3A_136 = arith.constant 0 : i32
        %dma_start3A_137 = arith.constant 0 : i32
        %dma_start3A_138 = tpu.memref_slice %arg2[%dma_start3A_136, %dma_start3A_137] : memref<10000x128xf32, #tpu.memory_space<hbm>> -> memref<10000x128xf32, #tpu.memory_space<hbm>>
        tpu.enqueue_indirect_dma source(%dma_start3A_138 : memref<10000x128xf32, #tpu.memory_space<hbm>>) target(%arg9 : memref<128x128xf32, #tpu.memory_space<vmem>>) offsets(%dma_start3A_135 : memref<128xi32, #tpu.memory_space<vmem>>) semaphore(%arg12 : memref<!tpu.dma_semaphore, #tpu.memory_space<semaphore_mem>>)
      } else {
      }
      %dma_wait3A_110 = arith.constant 0 : i32
      %dma_wait3A_111 = tpu.memref_slice %arg4[%select_n3A_8, %dma_wait3A_110] : memref<2560x128xi32, #tpu.memory_space<hbm>> -> memref<1x128xi32, #tpu.memory_space<hbm>>
      %dma_wait3A_112 = tpu.memref_squeeze %dma_wait3A_111 : memref<1x128xi32, #tpu.memory_space<hbm>> -> memref<128xi32, #tpu.memory_space<hbm>>
      %dma_wait3A_113 = arith.constant 0 : i32
      %dma_wait3A_114 = tpu.memref_slice %arg4[%select_n3A_8, %dma_wait3A_113] : memref<2560x128xi32, #tpu.memory_space<hbm>> -> memref<1x128xi32, #tpu.memory_space<hbm>>
      %dma_wait3A_115 = tpu.memref_squeeze %dma_wait3A_114 : memref<1x128xi32, #tpu.memory_space<hbm>> -> memref<128xi32, #tpu.memory_space<hbm>>
      tpu.wait_dma2 semaphore(%arg15 : memref<!tpu.dma_semaphore, #tpu.memory_space<semaphore_mem>>) src(%dma_wait3A_115 : memref<128xi32, #tpu.memory_space<hbm>>) dst(%arg8 : memref<128xi32, #tpu.memory_space<vmem>>)
      %dma_wait3A_116 = arith.constant 0 : i32
      %dma_wait3A_117 = arith.constant 0 : i32
      %dma_wait3A_118 = tpu.memref_slice %arg2[%dma_wait3A_116, %dma_wait3A_117] : memref<10000x128xf32, #tpu.memory_space<hbm>> -> memref<128x128xf32, #tpu.memory_space<hbm>>
      %dma_wait3A_119 = arith.constant 0 : i32
      %dma_wait3A_120 = arith.constant 0 : i32
      %dma_wait3A_121 = tpu.memref_slice %arg2[%dma_wait3A_119, %dma_wait3A_120] : memref<10000x128xf32, #tpu.memory_space<hbm>> -> memref<128x128xf32, #tpu.memory_space<hbm>>
      tpu.wait_dma2 semaphore(%arg13 : memref<!tpu.dma_semaphore, #tpu.memory_space<semaphore_mem>>) src(%dma_wait3A_121 : memref<128x128xf32, #tpu.memory_space<hbm>>) dst(%arg10 : memref<128x128xf32, #tpu.memory_space<vmem>>)
      "tpu.region"() ({
        %run_scoped3A = tpu.sem_alloc : memref<!tpu.dma_semaphore, #tpu.memory_space<semaphore_mem>>
        %dma_start3A_122 = arith.constant 0 : i32
        %dma_start3A_123 = arith.constant 0 : i32
        %dma_start3A_124 = tpu.memref_slice %arg11[%dma_start3A_122, %dma_start3A_123] : memref<10240x128xf32, #tpu.memory_space<vmem_shared>> -> memref<10240x128xf32, #tpu.memory_space<vmem_shared>>
        tpu.enqueue_indirect_dma source(%arg10 : memref<128x128xf32, #tpu.memory_space<vmem>>) target(%dma_start3A_124 : memref<10240x128xf32, #tpu.memory_space<vmem_shared>>) offsets(%arg8 : memref<128xi32, #tpu.memory_space<vmem>>) semaphore(%run_scoped3A : memref<!tpu.dma_semaphore, #tpu.memory_space<semaphore_mem>>) {add = true}
        %dma_wait3A_125 = arith.constant 0 : i32
        %dma_wait3A_126 = arith.constant 0 : i32
        %dma_wait3A_127 = tpu.memref_slice %arg11[%dma_wait3A_125, %dma_wait3A_126] : memref<10240x128xf32, #tpu.memory_space<vmem_shared>> -> memref<10240x128xf32, #tpu.memory_space<vmem_shared>>
        tpu.wait_indirect_dma semaphore(%run_scoped3A : memref<!tpu.dma_semaphore, #tpu.memory_space<semaphore_mem>>) src(%arg10 : memref<128x128xf32, #tpu.memory_space<vmem>>) dst(%dma_wait3A_127 : memref<10240x128xf32, #tpu.memory_space<vmem_shared>>)
        tpu.yield
      }) : () -> ()
    }
    %barrier3A_67 = arith.constant 0 : index
    tpu.barrier barrier_id(%barrier3A_67)
    %scan3A_68 = arith.constant 0 : i32
    %scan3A_69 = arith.constant 0 : i32
    %scan3A_70 = arith.constant 5 : i32
    %scan3A_71 = arith.addi %scan3A_69, %scan3A_70 : i32
    %scan3A_72 = arith.constant 1 : i32
    scf.for %scan3A_74 = %scan3A_69 to %scan3A_71 step %scan3A_72  : i32 {
      %mul3A_75 = arith.constant 640 : i32
      %mul3A_76 = arith.muli %arg1, %mul3A_75 : i32
      %mul3A_77 = arith.constant 128 : i32
      %mul3A_78 = arith.muli %scan3A_74, %mul3A_77 : i32
      %add3A_79 = arith.addi %mul3A_76, %mul3A_78 : i32
      "tpu.region"() ({
        %run_scoped3A = tpu.sem_alloc : memref<!tpu.dma_semaphore, #tpu.memory_space<semaphore_mem>>
        %dma_start3A_80 = arith.constant 0 : i32
        %dma_start3A_81 = arith.constant 0 : i32
        %dma_start3A_82 = tpu.memref_slice %arg5[%arg0, %dma_start3A_80, %dma_start3A_81] : memref<2x10240x128xf32, #tpu.memory_space<hbm>> -> memref<1x10240x128xf32, #tpu.memory_space<hbm>>
        %dma_start3A_83 = tpu.memref_squeeze %dma_start3A_82 : memref<1x10240x128xf32, #tpu.memory_space<hbm>> -> memref<10240x128xf32, #tpu.memory_space<hbm>>
        %dma_start3A_84 = arith.constant 0 : i32
        %dma_start3A_85 = tpu.memref_slice %dma_start3A_83[%add3A_79, %dma_start3A_84] : memref<10240x128xf32, #tpu.memory_space<hbm>> -> memref<128x128xf32, #tpu.memory_space<hbm>>
        %dma_start3A_86 = arith.constant 0 : i32
        %dma_start3A_87 = tpu.memref_slice %arg11[%add3A_79, %dma_start3A_86] : memref<10240x128xf32, #tpu.memory_space<vmem_shared>> -> memref<128x128xf32, #tpu.memory_space<vmem_shared>>
        tpu.enqueue_dma source(%dma_start3A_87 : memref<128x128xf32, #tpu.memory_space<vmem_shared>>) target(%dma_start3A_85 : memref<128x128xf32, #tpu.memory_space<hbm>>) target_semaphore(%run_scoped3A : memref<!tpu.dma_semaphore, #tpu.memory_space<semaphore_mem>>)
        %dma_wait3A = arith.constant 0 : i32
        %dma_wait3A_88 = arith.constant 0 : i32
        %dma_wait3A_89 = tpu.memref_slice %arg5[%arg0, %dma_wait3A, %dma_wait3A_88] : memref<2x10240x128xf32, #tpu.memory_space<hbm>> -> memref<1x10240x128xf32, #tpu.memory_space<hbm>>
        %dma_wait3A_90 = tpu.memref_squeeze %dma_wait3A_89 : memref<1x10240x128xf32, #tpu.memory_space<hbm>> -> memref<10240x128xf32, #tpu.memory_space<hbm>>
        %dma_wait3A_91 = arith.constant 0 : i32
        %dma_wait3A_92 = tpu.memref_slice %dma_wait3A_90[%add3A_79, %dma_wait3A_91] : memref<10240x128xf32, #tpu.memory_space<hbm>> -> memref<128x128xf32, #tpu.memory_space<hbm>>
        %dma_wait3A_93 = arith.constant 0 : i32
        %dma_wait3A_94 = tpu.memref_slice %arg11[%add3A_79, %dma_wait3A_93] : memref<10240x128xf32, #tpu.memory_space<vmem_shared>> -> memref<128x128xf32, #tpu.memory_space<vmem_shared>>
        tpu.wait_dma2 semaphore(%run_scoped3A : memref<!tpu.dma_semaphore, #tpu.memory_space<semaphore_mem>>) src(%dma_wait3A_94 : memref<128x128xf32, #tpu.memory_space<vmem_shared>>) dst(%dma_wait3A_92 : memref<128x128xf32, #tpu.memory_space<hbm>>)
        tpu.yield
      }) : () -> ()
    }
    %scan3A_73 = arith.constant 5 : i32
    return
  }
}

#map = affine_map<(d0, d1) -> (0, 0)>
#map1 = affine_map<(d0, d1) -> (0, 0, 0)>
module attributes {stable_mosaic.version = 14 : i64} {
  func.func @_seg_body(%arg0: i32, %arg1: i32, %arg2: memref<10000x128xf32, #tpu.memory_space<hbm>>, %arg3: memref<2560x128xi32, #tpu.memory_space<hbm>>, %arg4: memref<2560x128xi32, #tpu.memory_space<hbm>>, %arg5: memref<2x10240x128xf32, #tpu.memory_space<hbm>>, %arg6: memref<120x128xi32, #tpu.memory_space<vmem>>, %arg7: memref<128xi32, #tpu.memory_space<vmem>>, %arg8: memref<128xi32, #tpu.memory_space<vmem>>, %arg9: memref<128x128xf32, #tpu.memory_space<vmem>>, %arg10: memref<128x128xf32, #tpu.memory_space<vmem>>, %arg11: memref<10240x128xf32, #tpu.memory_space<vmem_shared>>, %arg12: memref<!tpu.dma_semaphore, #tpu.memory_space<semaphore_mem>>, %arg13: memref<!tpu.dma_semaphore, #tpu.memory_space<semaphore_mem>>, %arg14: memref<!tpu.dma_semaphore, #tpu.memory_space<semaphore_mem>>, %arg15: memref<!tpu.dma_semaphore, #tpu.memory_space<semaphore_mem>>) attributes {dimension_semantics = [#tpu.dimension_semantics<core_parallel>, #tpu.dimension_semantics<subcore_parallel>], iteration_bounds = array<i64: 2, 16>, scalar_prefetch = 0 : i64, scratch_operands = 10 : i64, tpu.core_type = #tpu.core_type<sc_vector_subcore>, window_params = [{transform_indices = #map}, {transform_indices = #map}, {transform_indices = #map}, {transform_indices = #map1}]} {
    %eq3A = arith.constant 0 : i32
    %eq3A_0 = arith.cmpi eq, %arg0, %eq3A : i32
    %jit3A = arith.constant 120 : i32
    %jit3A_1 = arith.constant 40 : i32
    %select_n3A = arith.select %eq3A_0, %jit3A, %jit3A_1 : i32
    %eq3A_2 = arith.constant 0 : i32
    %eq3A_3 = arith.cmpi eq, %arg0, %eq3A_2 : i32
    %mul3A = arith.constant 120 : i32
    %mul3A_4 = arith.muli %arg1, %mul3A : i32
    %mul3A_5 = arith.constant 40 : i32
    %mul3A_6 = arith.muli %arg1, %mul3A_5 : i32
    %add3A = arith.constant 1920 : i32
    %add3A_7 = arith.addi %add3A, %mul3A_6 : i32
    %select_n3A_8 = arith.select %eq3A_3, %mul3A_4, %add3A_7 : i32
    %eq3A_9 = arith.constant 0 : i32
    %eq3A_10 = arith.cmpi eq, %arg0, %eq3A_9 : i32
    %convert_element_type3A = arith.extui %eq3A_10 : i1 to i32
    %cond3A = arith.constant 0 : i32
    %cond3A_11 = arith.cmpi ne, %convert_element_type3A, %cond3A : i32
    scf.if %cond3A_11 {
      "tpu.region"() ({
        %run_scoped3A = tpu.sem_alloc : memref<!tpu.dma_semaphore, #tpu.memory_space<semaphore_mem>>
        %dma_start3A_74 = arith.constant 0 : i32
        %dma_start3A_75 = tpu.memref_slice %arg3[%select_n3A_8, %dma_start3A_74] : memref<2560x128xi32, #tpu.memory_space<hbm>> -> memref<120x128xi32, #tpu.memory_space<hbm>>
        %dma_start3A_76 = arith.constant 0 : i32
        %dma_start3A_77 = tpu.memref_slice %arg3[%select_n3A_8, %dma_start3A_76] : memref<2560x128xi32, #tpu.memory_space<hbm>> -> memref<120x128xi32, #tpu.memory_space<hbm>>
        tpu.enqueue_dma source(%dma_start3A_77 : memref<120x128xi32, #tpu.memory_space<hbm>>) target(%arg6 : memref<120x128xi32, #tpu.memory_space<vmem>>) target_semaphore(%run_scoped3A : memref<!tpu.dma_semaphore, #tpu.memory_space<semaphore_mem>>)
        %dma_wait3A = arith.constant 0 : i32
        %dma_wait3A_78 = tpu.memref_slice %arg3[%select_n3A_8, %dma_wait3A] : memref<2560x128xi32, #tpu.memory_space<hbm>> -> memref<120x128xi32, #tpu.memory_space<hbm>>
        %dma_wait3A_79 = arith.constant 0 : i32
        %dma_wait3A_80 = tpu.memref_slice %arg3[%select_n3A_8, %dma_wait3A_79] : memref<2560x128xi32, #tpu.memory_space<hbm>> -> memref<120x128xi32, #tpu.memory_space<hbm>>
        tpu.wait_dma2 semaphore(%run_scoped3A : memref<!tpu.dma_semaphore, #tpu.memory_space<semaphore_mem>>) src(%dma_wait3A_80 : memref<120x128xi32, #tpu.memory_space<hbm>>) dst(%arg6 : memref<120x128xi32, #tpu.memory_space<vmem>>)
        tpu.yield
      }) : () -> ()
    } else {
    }
    %ne3A = arith.constant 0 : i32
    %ne3A_12 = arith.cmpi ne, %arg0, %ne3A : i32
    %convert_element_type3A_13 = arith.extui %ne3A_12 : i1 to i32
    %cond3A_14 = arith.constant 0 : i32
    %cond3A_15 = arith.cmpi ne, %convert_element_type3A_13, %cond3A_14 : i32
    scf.if %cond3A_15 {
      "tpu.region"() ({
        %run_scoped3A = tpu.sem_alloc : memref<!tpu.dma_semaphore, #tpu.memory_space<semaphore_mem>>
        %dma_start3A_74 = arith.constant 0 : i32
        %dma_start3A_75 = arith.constant 0 : i32
        %dma_start3A_76 = tpu.memref_slice %arg6[%dma_start3A_74, %dma_start3A_75] : memref<120x128xi32, #tpu.memory_space<vmem>> -> memref<40x128xi32, #tpu.memory_space<vmem>>
        %dma_start3A_77 = arith.constant 0 : i32
        %dma_start3A_78 = tpu.memref_slice %arg3[%select_n3A_8, %dma_start3A_77] : memref<2560x128xi32, #tpu.memory_space<hbm>> -> memref<40x128xi32, #tpu.memory_space<hbm>>
        %dma_start3A_79 = arith.constant 0 : i32
        %dma_start3A_80 = arith.constant 0 : i32
        %dma_start3A_81 = tpu.memref_slice %arg6[%dma_start3A_79, %dma_start3A_80] : memref<120x128xi32, #tpu.memory_space<vmem>> -> memref<40x128xi32, #tpu.memory_space<vmem>>
        %dma_start3A_82 = arith.constant 0 : i32
        %dma_start3A_83 = tpu.memref_slice %arg3[%select_n3A_8, %dma_start3A_82] : memref<2560x128xi32, #tpu.memory_space<hbm>> -> memref<40x128xi32, #tpu.memory_space<hbm>>
        tpu.enqueue_dma source(%dma_start3A_83 : memref<40x128xi32, #tpu.memory_space<hbm>>) target(%dma_start3A_81 : memref<40x128xi32, #tpu.memory_space<vmem>>) target_semaphore(%run_scoped3A : memref<!tpu.dma_semaphore, #tpu.memory_space<semaphore_mem>>)
        %dma_wait3A = arith.constant 0 : i32
        %dma_wait3A_84 = arith.constant 0 : i32
        %dma_wait3A_85 = tpu.memref_slice %arg6[%dma_wait3A, %dma_wait3A_84] : memref<120x128xi32, #tpu.memory_space<vmem>> -> memref<40x128xi32, #tpu.memory_space<vmem>>
        %dma_wait3A_86 = arith.constant 0 : i32
        %dma_wait3A_87 = tpu.memref_slice %arg3[%select_n3A_8, %dma_wait3A_86] : memref<2560x128xi32, #tpu.memory_space<hbm>> -> memref<40x128xi32, #tpu.memory_space<hbm>>
        %dma_wait3A_88 = arith.constant 0 : i32
        %dma_wait3A_89 = arith.constant 0 : i32
        %dma_wait3A_90 = tpu.memref_slice %arg6[%dma_wait3A_88, %dma_wait3A_89] : memref<120x128xi32, #tpu.memory_space<vmem>> -> memref<40x128xi32, #tpu.memory_space<vmem>>
        %dma_wait3A_91 = arith.constant 0 : i32
        %dma_wait3A_92 = tpu.memref_slice %arg3[%select_n3A_8, %dma_wait3A_91] : memref<2560x128xi32, #tpu.memory_space<hbm>> -> memref<40x128xi32, #tpu.memory_space<hbm>>
        tpu.wait_dma2 semaphore(%run_scoped3A : memref<!tpu.dma_semaphore, #tpu.memory_space<semaphore_mem>>) src(%dma_wait3A_92 : memref<40x128xi32, #tpu.memory_space<hbm>>) dst(%dma_wait3A_90 : memref<40x128xi32, #tpu.memory_space<vmem>>)
        tpu.yield
      }) : () -> ()
    } else {
    }
    %scan3A = arith.constant 0 : i32
    %scan3A_16 = arith.constant 0 : i32
    %scan3A_17 = arith.constant 1024 : i32
    %scan3A_18 = arith.addi %scan3A_16, %scan3A_17 : i32
    %scan3A_19 = arith.constant 1 : i32
    scf.for %scan3A_74 = %scan3A_16 to %scan3A_18 step %scan3A_19  : i32 {
      %jit3A_75 = arith.constant 8 : i32
      %div3A_76 = arith.divsi %scan3A_74, %jit3A_75 : i32
      %sign3A_77 = arith.constant 0 : i32
      %sign3A_78 = arith.cmpi sgt, %scan3A_74, %sign3A_77 : i32
      %sign3A_79 = arith.extui %sign3A_78 : i1 to i32
      %sign3A_80 = arith.constant 0 : i32
      %sign3A_81 = arith.cmpi slt, %scan3A_74, %sign3A_80 : i32
      %sign3A_82 = arith.extui %sign3A_81 : i1 to i32
      %sign3A_83 = arith.subi %sign3A_79, %sign3A_82 : i32
      %sign3A_84 = arith.constant 0 : i32
      %sign3A_85 = arith.cmpi sgt, %jit3A_75, %sign3A_84 : i32
      %sign3A_86 = arith.extui %sign3A_85 : i1 to i32
      %sign3A_87 = arith.constant 0 : i32
      %sign3A_88 = arith.cmpi slt, %jit3A_75, %sign3A_87 : i32
      %sign3A_89 = arith.extui %sign3A_88 : i1 to i32
      %sign3A_90 = arith.subi %sign3A_86, %sign3A_89 : i32
      %ne3A_91 = arith.cmpi ne, %sign3A_83, %sign3A_90 : i32
      %rem3A_92 = arith.remsi %scan3A_74, %jit3A_75 : i32
      %ne3A_93 = arith.constant 0 : i32
      %ne3A_94 = arith.cmpi ne, %rem3A_92, %ne3A_93 : i32
      %and3A_95 = arith.andi %ne3A_91, %ne3A_94 : i1
      %sub3A_96 = arith.constant 1 : i32
      %sub3A_97 = arith.subi %div3A_76, %sub3A_96 : i32
      %select_n3A_98 = arith.select %and3A_95, %sub3A_97, %div3A_76 : i32
      %jit3A_99 = arith.constant 8 : i32
      %eq3A_100 = arith.constant 0 : i32
      %eq3A_101 = arith.cmpi eq, %jit3A_99, %eq3A_100 : i32
      %jit3A_102 = arith.constant 1 : i32
      %select_n3A_103 = arith.select %eq3A_101, %jit3A_102, %jit3A_99 : i32
      %rem3A_104 = arith.remsi %scan3A_74, %select_n3A_103 : i32
      %ne3A_105 = arith.constant 0 : i32
      %ne3A_106 = arith.cmpi ne, %rem3A_104, %ne3A_105 : i32
      %lt3A = arith.constant 0 : i32
      %lt3A_107 = arith.cmpi slt, %rem3A_104, %lt3A : i32
      %lt3A_108 = arith.constant 0 : i32
      %lt3A_109 = arith.cmpi slt, %select_n3A_103, %lt3A_108 : i32
      %ne3A_110 = arith.xori %lt3A_107, %lt3A_109 : i1
      %and3A_111 = arith.andi %ne3A_110, %ne3A_106 : i1
      %add3A_112 = arith.addi %rem3A_104, %select_n3A_103 : i32
      %select_n3A_113 = arith.select %and3A_111, %add3A_112, %rem3A_104 : i32
      %broadcast_in_dim3A = arith.constant 0.000000e+00 : f32
      %broadcast_in_dim3A_114 = vector.broadcast %broadcast_in_dim3A : f32 to vector<16xf32>
      %mul3A_115 = arith.constant 16 : i32
      %mul3A_116 = arith.muli %select_n3A_113, %mul3A_115 : i32
      %swap3A = arith.index_cast %select_n3A_98 : i32 to index
      %swap3A_117 = arith.index_cast %mul3A_116 : i32 to index
      %swap3A_118 = tpu.vector_load %arg9[%swap3A, %swap3A_117] {strides = array<i32>} : memref<128x128xf32, #tpu.memory_space<vmem>>, vector<1x16xf32>,
      %swap3A_119 = vector.shape_cast %swap3A_118 : vector<1x16xf32> to vector<16xf32>
      %swap3A_120 = vector.shape_cast %broadcast_in_dim3A_114 : vector<16xf32> to vector<1x16xf32>
      tpu.vector_store %arg9[%swap3A, %swap3A_117], %swap3A_120 {strides = array<i32>} : memref<128x128xf32, #tpu.memory_space<vmem>>, vector<1x16xf32>,
    }
    %scan3A_20 = arith.constant 1024 : i32
    %scan3A_21 = arith.constant 0 : i32
    %scan3A_22 = arith.constant 0 : i32
    %scan3A_23 = arith.constant 5 : i32
    %scan3A_24 = arith.addi %scan3A_22, %scan3A_23 : i32
    %scan3A_25 = arith.constant 1 : i32
    scf.for %scan3A_74 = %scan3A_22 to %scan3A_24 step %scan3A_25  : i32 {
      %mul3A_75 = arith.constant 640 : i32
      %mul3A_76 = arith.muli %arg1, %mul3A_75 : i32
      %mul3A_77 = arith.constant 128 : i32
      %mul3A_78 = arith.muli %scan3A_74, %mul3A_77 : i32
      %add3A_79 = arith.addi %mul3A_76, %mul3A_78 : i32
      "tpu.region"() ({
        %run_scoped3A = tpu.sem_alloc : memref<!tpu.dma_semaphore, #tpu.memory_space<semaphore_mem>>
        %dma_start3A_80 = arith.constant 0 : i32
        %dma_start3A_81 = tpu.memref_slice %arg11[%add3A_79, %dma_start3A_80] : memref<10240x128xf32, #tpu.memory_space<vmem_shared>> -> memref<128x128xf32, #tpu.memory_space<vmem_shared>>
        %dma_start3A_82 = arith.constant 0 : i32
        %dma_start3A_83 = tpu.memref_slice %arg11[%add3A_79, %dma_start3A_82] : memref<10240x128xf32, #tpu.memory_space<vmem_shared>> -> memref<128x128xf32, #tpu.memory_space<vmem_shared>>
        tpu.enqueue_dma source(%arg9 : memref<128x128xf32, #tpu.memory_space<vmem>>) target(%dma_start3A_83 : memref<128x128xf32, #tpu.memory_space<vmem_shared>>) target_semaphore(%run_scoped3A : memref<!tpu.dma_semaphore, #tpu.memory_space<semaphore_mem>>)
        %dma_wait3A = arith.constant 0 : i32
        %dma_wait3A_84 = tpu.memref_slice %arg11[%add3A_79, %dma_wait3A] : memref<10240x128xf32, #tpu.memory_space<vmem_shared>> -> memref<128x128xf32, #tpu.memory_space<vmem_shared>>
        %dma_wait3A_85 = arith.constant 0 : i32
        %dma_wait3A_86 = tpu.memref_slice %arg11[%add3A_79, %dma_wait3A_85] : memref<10240x128xf32, #tpu.memory_space<vmem_shared>> -> memref<128x128xf32, #tpu.memory_space<vmem_shared>>
        tpu.wait_dma2 semaphore(%run_scoped3A : memref<!tpu.dma_semaphore, #tpu.memory_space<semaphore_mem>>) src(%arg9 : memref<128x128xf32, #tpu.memory_space<vmem>>) dst(%dma_wait3A_86 : memref<128x128xf32, #tpu.memory_space<vmem_shared>>)
        tpu.yield
      }) : () -> ()
    }
    %scan3A_26 = arith.constant 5 : i32
    %barrier3A = arith.constant 0 : index
    tpu.barrier barrier_id(%barrier3A)
    %dma_start3A = arith.constant 0 : i32
    %dma_start3A_27 = tpu.memref_slice %arg4[%select_n3A_8, %dma_start3A] : memref<2560x128xi32, #tpu.memory_space<hbm>> -> memref<1x128xi32, #tpu.memory_space<hbm>>
    %dma_start3A_28 = tpu.memref_squeeze %dma_start3A_27 : memref<1x128xi32, #tpu.memory_space<hbm>> -> memref<128xi32, #tpu.memory_space<hbm>>
    %dma_start3A_29 = arith.constant 0 : i32
    %dma_start3A_30 = tpu.memref_slice %arg4[%select_n3A_8, %dma_start3A_29] : memref<2560x128xi32, #tpu.memory_space<hbm>> -> memref<1x128xi32, #tpu.memory_space<hbm>>
    %dma_start3A_31 = tpu.memref_squeeze %dma_start3A_30 : memref<1x128xi32, #tpu.memory_space<hbm>> -> memref<128xi32, #tpu.memory_space<hbm>>
    tpu.enqueue_dma source(%dma_start3A_31 : memref<128xi32, #tpu.memory_space<hbm>>) target(%arg7 : memref<128xi32, #tpu.memory_space<vmem>>) target_semaphore(%arg14 : memref<!tpu.dma_semaphore, #tpu.memory_space<semaphore_mem>>)
    %dma_start3A_32 = arith.constant 0 : i32
    %dma_start3A_33 = arith.constant 0 : i32
    %dma_start3A_34 = tpu.memref_slice %arg6[%dma_start3A_32, %dma_start3A_33] : memref<120x128xi32, #tpu.memory_space<vmem>> -> memref<1x128xi32, #tpu.memory_space<vmem>>
    %dma_start3A_35 = tpu.memref_squeeze %dma_start3A_34 : memref<1x128xi32, #tpu.memory_space<vmem>> -> memref<128xi32, #tpu.memory_space<vmem>>
    %dma_start3A_36 = arith.constant 0 : i32
    %dma_start3A_37 = arith.constant 0 : i32
    %dma_start3A_38 = tpu.memref_slice %arg2[%dma_start3A_36, %dma_start3A_37] : memref<10000x128xf32, #tpu.memory_space<hbm>> -> memref<10000x128xf32, #tpu.memory_space<hbm>>
    tpu.enqueue_indirect_dma source(%dma_start3A_38 : memref<10000x128xf32, #tpu.memory_space<hbm>>) target(%arg9 : memref<128x128xf32, #tpu.memory_space<vmem>>) offsets(%dma_start3A_35 : memref<128xi32, #tpu.memory_space<vmem>>) semaphore(%arg12 : memref<!tpu.dma_semaphore, #tpu.memory_space<semaphore_mem>>)
    %jit3A_39 = arith.constant 2 : i32
    %div3A = arith.divsi %select_n3A, %jit3A_39 : i32
    %sign3A = arith.constant 0 : i32
    %sign3A_40 = arith.cmpi sgt, %select_n3A, %sign3A : i32
    %sign3A_41 = arith.extui %sign3A_40 : i1 to i32
    %sign3A_42 = arith.constant 0 : i32
    %sign3A_43 = arith.cmpi slt, %select_n3A, %sign3A_42 : i32
    %sign3A_44 = arith.extui %sign3A_43 : i1 to i32
    %sign3A_45 = arith.subi %sign3A_41, %sign3A_44 : i32
    %sign3A_46 = arith.constant 0 : i32
    %sign3A_47 = arith.cmpi sgt, %jit3A_39, %sign3A_46 : i32
    %sign3A_48 = arith.extui %sign3A_47 : i1 to i32
    %sign3A_49 = arith.constant 0 : i32
    %sign3A_50 = arith.cmpi slt, %jit3A_39, %sign3A_49 : i32
    %sign3A_51 = arith.extui %sign3A_50 : i1 to i32
    %sign3A_52 = arith.subi %sign3A_48, %sign3A_51 : i32
    %ne3A_53 = arith.cmpi ne, %sign3A_45, %sign3A_52 : i32
    %rem3A = arith.remsi %select_n3A, %jit3A_39 : i32
    %ne3A_54 = arith.constant 0 : i32
    %ne3A_55 = arith.cmpi ne, %rem3A, %ne3A_54 : i32
    %and3A = arith.andi %ne3A_53, %ne3A_55 : i1
    %sub3A = arith.constant 1 : i32
    %sub3A_56 = arith.subi %div3A, %sub3A : i32
    %select_n3A_57 = arith.select %and3A, %sub3A_56, %div3A : i32
    %while3A = arith.constant 0 : i32
    %while3A_58 = arith.constant 0 : i32
    %while3A_59 = arith.subi %select_n3A_57, %while3A_58 : i32
    %while3A_60 = arith.addi %while3A_58, %while3A_59 : i32
    %while3A_61 = arith.constant 1 : i32
    %while3A_62 = arith.divsi %while3A_59, %while3A_61 : i32
    %while3A_63 = arith.muli %while3A_62, %while3A_61 : i32
    %while3A_64 = arith.addi %while3A_58, %while3A_63 : i32
    %while3A_65 = arith.constant 1 : i32
    scf.for %while3A_74 = %while3A_58 to %while3A_64 step %while3A_65  : i32 {
      %mul3A_75 = arith.constant 2 : i32
      %mul3A_76 = arith.muli %while3A_74, %mul3A_75 : i32
      %add3A_77 = arith.addi %select_n3A_8, %mul3A_76 : i32
      %add3A_78 = arith.constant 1 : i32
      %add3A_79 = arith.addi %add3A_77, %add3A_78 : i32
      %dma_start3A_80 = arith.constant 0 : i32
      %dma_start3A_81 = tpu.memref_slice %arg4[%add3A_79, %dma_start3A_80] : memref<2560x128xi32, #tpu.memory_space<hbm>> -> memref<1x128xi32, #tpu.memory_space<hbm>>
      %dma_start3A_82 = tpu.memref_squeeze %dma_start3A_81 : memref<1x128xi32, #tpu.memory_space<hbm>> -> memref<128xi32, #tpu.memory_space<hbm>>
      %dma_start3A_83 = arith.constant 0 : i32
      %dma_start3A_84 = tpu.memref_slice %arg4[%add3A_79, %dma_start3A_83] : memref<2560x128xi32, #tpu.memory_space<hbm>> -> memref<1x128xi32, #tpu.memory_space<hbm>>
      %dma_start3A_85 = tpu.memref_squeeze %dma_start3A_84 : memref<1x128xi32, #tpu.memory_space<hbm>> -> memref<128xi32, #tpu.memory_space<hbm>>
      tpu.enqueue_dma source(%dma_start3A_85 : memref<128xi32, #tpu.memory_space<hbm>>) target(%arg8 : memref<128xi32, #tpu.memory_space<vmem>>) target_semaphore(%arg15 : memref<!tpu.dma_semaphore, #tpu.memory_space<semaphore_mem>>)
      %add3A_86 = arith.constant 1 : i32
      %add3A_87 = arith.addi %mul3A_76, %add3A_86 : i32
      %dma_start3A_88 = arith.constant 0 : i32
      %dma_start3A_89 = tpu.memref_slice %arg6[%add3A_87, %dma_start3A_88] : memref<120x128xi32, #tpu.memory_space<vmem>> -> memref<1x128xi32, #tpu.memory_space<vmem>>
      %dma_start3A_90 = tpu.memref_squeeze %dma_start3A_89 : memref<1x128xi32, #tpu.memory_space<vmem>> -> memref<128xi32, #tpu.memory_space<vmem>>
      %dma_start3A_91 = arith.constant 0 : i32
      %dma_start3A_92 = arith.constant 0 : i32
      %dma_start3A_93 = tpu.memref_slice %arg2[%dma_start3A_91, %dma_start3A_92] : memref<10000x128xf32, #tpu.memory_space<hbm>> -> memref<10000x128xf32, #tpu.memory_space<hbm>>
      tpu.enqueue_indirect_dma source(%dma_start3A_93 : memref<10000x128xf32, #tpu.memory_space<hbm>>) target(%arg10 : memref<128x128xf32, #tpu.memory_space<vmem>>) offsets(%dma_start3A_90 : memref<128xi32, #tpu.memory_space<vmem>>) semaphore(%arg13 : memref<!tpu.dma_semaphore, #tpu.memory_space<semaphore_mem>>)
      %dma_wait3A = arith.constant 0 : i32
      %dma_wait3A_94 = tpu.memref_slice %arg4[%select_n3A_8, %dma_wait3A] : memref<2560x128xi32, #tpu.memory_space<hbm>> -> memref<1x128xi32, #tpu.memory_space<hbm>>
      %dma_wait3A_95 = tpu.memref_squeeze %dma_wait3A_94 : memref<1x128xi32, #tpu.memory_space<hbm>> -> memref<128xi32, #tpu.memory_space<hbm>>
      %dma_wait3A_96 = arith.constant 0 : i32
      %dma_wait3A_97 = tpu.memref_slice %arg4[%select_n3A_8, %dma_wait3A_96] : memref<2560x128xi32, #tpu.memory_space<hbm>> -> memref<1x128xi32, #tpu.memory_space<hbm>>
      %dma_wait3A_98 = tpu.memref_squeeze %dma_wait3A_97 : memref<1x128xi32, #tpu.memory_space<hbm>> -> memref<128xi32, #tpu.memory_space<hbm>>
      tpu.wait_dma2 semaphore(%arg14 : memref<!tpu.dma_semaphore, #tpu.memory_space<semaphore_mem>>) src(%dma_wait3A_98 : memref<128xi32, #tpu.memory_space<hbm>>) dst(%arg7 : memref<128xi32, #tpu.memory_space<vmem>>)
      %dma_wait3A_99 = arith.constant 0 : i32
      %dma_wait3A_100 = arith.constant 0 : i32
      %dma_wait3A_101 = tpu.memref_slice %arg2[%dma_wait3A_99, %dma_wait3A_100] : memref<10000x128xf32, #tpu.memory_space<hbm>> -> memref<128x128xf32, #tpu.memory_space<hbm>>
      %dma_wait3A_102 = arith.constant 0 : i32
      %dma_wait3A_103 = arith.constant 0 : i32
      %dma_wait3A_104 = tpu.memref_slice %arg2[%dma_wait3A_102, %dma_wait3A_103] : memref<10000x128xf32, #tpu.memory_space<hbm>> -> memref<128x128xf32, #tpu.memory_space<hbm>>
      tpu.wait_dma2 semaphore(%arg12 : memref<!tpu.dma_semaphore, #tpu.memory_space<semaphore_mem>>) src(%dma_wait3A_104 : memref<128x128xf32, #tpu.memory_space<hbm>>) dst(%arg9 : memref<128x128xf32, #tpu.memory_space<vmem>>)
      "tpu.region"() ({
        %run_scoped3A = tpu.sem_alloc : memref<!tpu.dma_semaphore, #tpu.memory_space<semaphore_mem>>
        %dma_start3A_122 = arith.constant 0 : i32
        %dma_start3A_123 = arith.constant 0 : i32
        %dma_start3A_124 = tpu.memref_slice %arg11[%dma_start3A_122, %dma_start3A_123] : memref<10240x128xf32, #tpu.memory_space<vmem_shared>> -> memref<10240x128xf32, #tpu.memory_space<vmem_shared>>
        tpu.enqueue_indirect_dma source(%arg9 : memref<128x128xf32, #tpu.memory_space<vmem>>) target(%dma_start3A_124 : memref<10240x128xf32, #tpu.memory_space<vmem_shared>>) offsets(%arg7 : memref<128xi32, #tpu.memory_space<vmem>>) semaphore(%run_scoped3A : memref<!tpu.dma_semaphore, #tpu.memory_space<semaphore_mem>>) {add = true}
        %dma_wait3A_125 = arith.constant 0 : i32
        %dma_wait3A_126 = arith.constant 0 : i32
        %dma_wait3A_127 = tpu.memref_slice %arg11[%dma_wait3A_125, %dma_wait3A_126] : memref<10240x128xf32, #tpu.memory_space<vmem_shared>> -> memref<10240x128xf32, #tpu.memory_space<vmem_shared>>
        tpu.wait_indirect_dma semaphore(%run_scoped3A : memref<!tpu.dma_semaphore, #tpu.memory_space<semaphore_mem>>) src(%arg9 : memref<128x128xf32, #tpu.memory_space<vmem>>) dst(%dma_wait3A_127 : memref<10240x128xf32, #tpu.memory_space<vmem_shared>>)
        tpu.yield
      }) : () -> ()
      %add3A_105 = arith.constant 2 : i32
      %add3A_106 = arith.addi %mul3A_76, %add3A_105 : i32
      %lt3A = arith.cmpi slt, %add3A_106, %select_n3A : i32
      %convert_element_type3A_107 = arith.extui %lt3A : i1 to i32
      %cond3A_108 = arith.constant 0 : i32
      %cond3A_109 = arith.cmpi ne, %convert_element_type3A_107, %cond3A_108 : i32
      scf.if %cond3A_109 {
        %add3A_122 = arith.addi %select_n3A_8, %mul3A_76 : i32
        %add3A_123 = arith.constant 2 : i32
        %add3A_124 = arith.addi %add3A_122, %add3A_123 : i32
        %dma_start3A_125 = arith.constant 0 : i32
        %dma_start3A_126 = tpu.memref_slice %arg4[%add3A_124, %dma_start3A_125] : memref<2560x128xi32, #tpu.memory_space<hbm>> -> memref<1x128xi32, #tpu.memory_space<hbm>>
        %dma_start3A_127 = tpu.memref_squeeze %dma_start3A_126 : memref<1x128xi32, #tpu.memory_space<hbm>> -> memref<128xi32, #tpu.memory_space<hbm>>
        %dma_start3A_128 = arith.constant 0 : i32
        %dma_start3A_129 = tpu.memref_slice %arg4[%add3A_124, %dma_start3A_128] : memref<2560x128xi32, #tpu.memory_space<hbm>> -> memref<1x128xi32, #tpu.memory_space<hbm>>
        %dma_start3A_130 = tpu.memref_squeeze %dma_start3A_129 : memref<1x128xi32, #tpu.memory_space<hbm>> -> memref<128xi32, #tpu.memory_space<hbm>>
        tpu.enqueue_dma source(%dma_start3A_130 : memref<128xi32, #tpu.memory_space<hbm>>) target(%arg7 : memref<128xi32, #tpu.memory_space<vmem>>) target_semaphore(%arg14 : memref<!tpu.dma_semaphore, #tpu.memory_space<semaphore_mem>>)
        %add3A_131 = arith.constant 2 : i32
        %add3A_132 = arith.addi %mul3A_76, %add3A_131 : i32
        %dma_start3A_133 = arith.constant 0 : i32
        %dma_start3A_134 = tpu.memref_slice %arg6[%add3A_132, %dma_start3A_133] : memref<120x128xi32, #tpu.memory_space<vmem>> -> memref<1x128xi32, #tpu.memory_space<vmem>>
        %dma_start3A_135 = tpu.memref_squeeze %dma_start3A_134 : memref<1x128xi32, #tpu.memory_space<vmem>> -> memref<128xi32, #tpu.memory_space<vmem>>
        %dma_start3A_136 = arith.constant 0 : i32
        %dma_start3A_137 = arith.constant 0 : i32
        %dma_start3A_138 = tpu.memref_slice %arg2[%dma_start3A_136, %dma_start3A_137] : memref<10000x128xf32, #tpu.memory_space<hbm>> -> memref<10000x128xf32, #tpu.memory_space<hbm>>
        tpu.enqueue_indirect_dma source(%dma_start3A_138 : memref<10000x128xf32, #tpu.memory_space<hbm>>) target(%arg9 : memref<128x128xf32, #tpu.memory_space<vmem>>) offsets(%dma_start3A_135 : memref<128xi32, #tpu.memory_space<vmem>>) semaphore(%arg12 : memref<!tpu.dma_semaphore, #tpu.memory_space<semaphore_mem>>)
      } else {
      }
      %dma_wait3A_110 = arith.constant 0 : i32
      %dma_wait3A_111 = tpu.memref_slice %arg4[%select_n3A_8, %dma_wait3A_110] : memref<2560x128xi32, #tpu.memory_space<hbm>> -> memref<1x128xi32, #tpu.memory_space<hbm>>
      %dma_wait3A_112 = tpu.memref_squeeze %dma_wait3A_111 : memref<1x128xi32, #tpu.memory_space<hbm>> -> memref<128xi32, #tpu.memory_space<hbm>>
      %dma_wait3A_113 = arith.constant 0 : i32
      %dma_wait3A_114 = tpu.memref_slice %arg4[%select_n3A_8, %dma_wait3A_113] : memref<2560x128xi32, #tpu.memory_space<hbm>> -> memref<1x128xi32, #tpu.memory_space<hbm>>
      %dma_wait3A_115 = tpu.memref_squeeze %dma_wait3A_114 : memref<1x128xi32, #tpu.memory_space<hbm>> -> memref<128xi32, #tpu.memory_space<hbm>>
      tpu.wait_dma2 semaphore(%arg15 : memref<!tpu.dma_semaphore, #tpu.memory_space<semaphore_mem>>) src(%dma_wait3A_115 : memref<128xi32, #tpu.memory_space<hbm>>) dst(%arg8 : memref<128xi32, #tpu.memory_space<vmem>>)
      %dma_wait3A_116 = arith.constant 0 : i32
      %dma_wait3A_117 = arith.constant 0 : i32
      %dma_wait3A_118 = tpu.memref_slice %arg2[%dma_wait3A_116, %dma_wait3A_117] : memref<10000x128xf32, #tpu.memory_space<hbm>> -> memref<128x128xf32, #tpu.memory_space<hbm>>
      %dma_wait3A_119 = arith.constant 0 : i32
      %dma_wait3A_120 = arith.constant 0 : i32
      %dma_wait3A_121 = tpu.memref_slice %arg2[%dma_wait3A_119, %dma_wait3A_120] : memref<10000x128xf32, #tpu.memory_space<hbm>> -> memref<128x128xf32, #tpu.memory_space<hbm>>
      tpu.wait_dma2 semaphore(%arg13 : memref<!tpu.dma_semaphore, #tpu.memory_space<semaphore_mem>>) src(%dma_wait3A_121 : memref<128x128xf32, #tpu.memory_space<hbm>>) dst(%arg10 : memref<128x128xf32, #tpu.memory_space<vmem>>)
      "tpu.region"() ({
        %run_scoped3A = tpu.sem_alloc : memref<!tpu.dma_semaphore, #tpu.memory_space<semaphore_mem>>
        %dma_start3A_122 = arith.constant 0 : i32
        %dma_start3A_123 = arith.constant 0 : i32
        %dma_start3A_124 = tpu.memref_slice %arg11[%dma_start3A_122, %dma_start3A_123] : memref<10240x128xf32, #tpu.memory_space<vmem_shared>> -> memref<10240x128xf32, #tpu.memory_space<vmem_shared>>
        tpu.enqueue_indirect_dma source(%arg10 : memref<128x128xf32, #tpu.memory_space<vmem>>) target(%dma_start3A_124 : memref<10240x128xf32, #tpu.memory_space<vmem_shared>>) offsets(%arg8 : memref<128xi32, #tpu.memory_space<vmem>>) semaphore(%run_scoped3A : memref<!tpu.dma_semaphore, #tpu.memory_space<semaphore_mem>>) {add = true}
        %dma_wait3A_125 = arith.constant 0 : i32
        %dma_wait3A_126 = arith.constant 0 : i32
        %dma_wait3A_127 = tpu.memref_slice %arg11[%dma_wait3A_125, %dma_wait3A_126] : memref<10240x128xf32, #tpu.memory_space<vmem_shared>> -> memref<10240x128xf32, #tpu.memory_space<vmem_shared>>
        tpu.wait_indirect_dma semaphore(%run_scoped3A : memref<!tpu.dma_semaphore, #tpu.memory_space<semaphore_mem>>) src(%arg10 : memref<128x128xf32, #tpu.memory_space<vmem>>) dst(%dma_wait3A_127 : memref<10240x128xf32, #tpu.memory_space<vmem_shared>>)
        tpu.yield
      }) : () -> ()
    }
    %while3A_66 = arith.constant 1 : i32
    scf.for %while3A_74 = %while3A_64 to %while3A_60 step %while3A_66  : i32 {
      %mul3A_75 = arith.constant 2 : i32
      %mul3A_76 = arith.muli %while3A_74, %mul3A_75 : i32
      %add3A_77 = arith.addi %select_n3A_8, %mul3A_76 : i32
      %add3A_78 = arith.constant 1 : i32
      %add3A_79 = arith.addi %add3A_77, %add3A_78 : i32
      %dma_start3A_80 = arith.constant 0 : i32
      %dma_start3A_81 = tpu.memref_slice %arg4[%add3A_79, %dma_start3A_80] : memref<2560x128xi32, #tpu.memory_space<hbm>> -> memref<1x128xi32, #tpu.memory_space<hbm>>
      %dma_start3A_82 = tpu.memref_squeeze %dma_start3A_81 : memref<1x128xi32, #tpu.memory_space<hbm>> -> memref<128xi32, #tpu.memory_space<hbm>>
      %dma_start3A_83 = arith.constant 0 : i32
      %dma_start3A_84 = tpu.memref_slice %arg4[%add3A_79, %dma_start3A_83] : memref<2560x128xi32, #tpu.memory_space<hbm>> -> memref<1x128xi32, #tpu.memory_space<hbm>>
      %dma_start3A_85 = tpu.memref_squeeze %dma_start3A_84 : memref<1x128xi32, #tpu.memory_space<hbm>> -> memref<128xi32, #tpu.memory_space<hbm>>
      tpu.enqueue_dma source(%dma_start3A_85 : memref<128xi32, #tpu.memory_space<hbm>>) target(%arg8 : memref<128xi32, #tpu.memory_space<vmem>>) target_semaphore(%arg15 : memref<!tpu.dma_semaphore, #tpu.memory_space<semaphore_mem>>)
      %add3A_86 = arith.constant 1 : i32
      %add3A_87 = arith.addi %mul3A_76, %add3A_86 : i32
      %dma_start3A_88 = arith.constant 0 : i32
      %dma_start3A_89 = tpu.memref_slice %arg6[%add3A_87, %dma_start3A_88] : memref<120x128xi32, #tpu.memory_space<vmem>> -> memref<1x128xi32, #tpu.memory_space<vmem>>
      %dma_start3A_90 = tpu.memref_squeeze %dma_start3A_89 : memref<1x128xi32, #tpu.memory_space<vmem>> -> memref<128xi32, #tpu.memory_space<vmem>>
      %dma_start3A_91 = arith.constant 0 : i32
      %dma_start3A_92 = arith.constant 0 : i32
      %dma_start3A_93 = tpu.memref_slice %arg2[%dma_start3A_91, %dma_start3A_92] : memref<10000x128xf32, #tpu.memory_space<hbm>> -> memref<10000x128xf32, #tpu.memory_space<hbm>>
      tpu.enqueue_indirect_dma source(%dma_start3A_93 : memref<10000x128xf32, #tpu.memory_space<hbm>>) target(%arg10 : memref<128x128xf32, #tpu.memory_space<vmem>>) offsets(%dma_start3A_90 : memref<128xi32, #tpu.memory_space<vmem>>) semaphore(%arg13 : memref<!tpu.dma_semaphore, #tpu.memory_space<semaphore_mem>>)
      %dma_wait3A = arith.constant 0 : i32
      %dma_wait3A_94 = tpu.memref_slice %arg4[%select_n3A_8, %dma_wait3A] : memref<2560x128xi32, #tpu.memory_space<hbm>> -> memref<1x128xi32, #tpu.memory_space<hbm>>
      %dma_wait3A_95 = tpu.memref_squeeze %dma_wait3A_94 : memref<1x128xi32, #tpu.memory_space<hbm>> -> memref<128xi32, #tpu.memory_space<hbm>>
      %dma_wait3A_96 = arith.constant 0 : i32
      %dma_wait3A_97 = tpu.memref_slice %arg4[%select_n3A_8, %dma_wait3A_96] : memref<2560x128xi32, #tpu.memory_space<hbm>> -> memref<1x128xi32, #tpu.memory_space<hbm>>
      %dma_wait3A_98 = tpu.memref_squeeze %dma_wait3A_97 : memref<1x128xi32, #tpu.memory_space<hbm>> -> memref<128xi32, #tpu.memory_space<hbm>>
      tpu.wait_dma2 semaphore(%arg14 : memref<!tpu.dma_semaphore, #tpu.memory_space<semaphore_mem>>) src(%dma_wait3A_98 : memref<128xi32, #tpu.memory_space<hbm>>) dst(%arg7 : memref<128xi32, #tpu.memory_space<vmem>>)
      %dma_wait3A_99 = arith.constant 0 : i32
      %dma_wait3A_100 = arith.constant 0 : i32
      %dma_wait3A_101 = tpu.memref_slice %arg2[%dma_wait3A_99, %dma_wait3A_100] : memref<10000x128xf32, #tpu.memory_space<hbm>> -> memref<128x128xf32, #tpu.memory_space<hbm>>
      %dma_wait3A_102 = arith.constant 0 : i32
      %dma_wait3A_103 = arith.constant 0 : i32
      %dma_wait3A_104 = tpu.memref_slice %arg2[%dma_wait3A_102, %dma_wait3A_103] : memref<10000x128xf32, #tpu.memory_space<hbm>> -> memref<128x128xf32, #tpu.memory_space<hbm>>
      tpu.wait_dma2 semaphore(%arg12 : memref<!tpu.dma_semaphore, #tpu.memory_space<semaphore_mem>>) src(%dma_wait3A_104 : memref<128x128xf32, #tpu.memory_space<hbm>>) dst(%arg9 : memref<128x128xf32, #tpu.memory_space<vmem>>)
      "tpu.region"() ({
        %run_scoped3A = tpu.sem_alloc : memref<!tpu.dma_semaphore, #tpu.memory_space<semaphore_mem>>
        %dma_start3A_122 = arith.constant 0 : i32
        %dma_start3A_123 = arith.constant 0 : i32
        %dma_start3A_124 = tpu.memref_slice %arg11[%dma_start3A_122, %dma_start3A_123] : memref<10240x128xf32, #tpu.memory_space<vmem_shared>> -> memref<10240x128xf32, #tpu.memory_space<vmem_shared>>
        tpu.enqueue_indirect_dma source(%arg9 : memref<128x128xf32, #tpu.memory_space<vmem>>) target(%dma_start3A_124 : memref<10240x128xf32, #tpu.memory_space<vmem_shared>>) offsets(%arg7 : memref<128xi32, #tpu.memory_space<vmem>>) semaphore(%run_scoped3A : memref<!tpu.dma_semaphore, #tpu.memory_space<semaphore_mem>>) {add = true}
        %dma_wait3A_125 = arith.constant 0 : i32
        %dma_wait3A_126 = arith.constant 0 : i32
        %dma_wait3A_127 = tpu.memref_slice %arg11[%dma_wait3A_125, %dma_wait3A_126] : memref<10240x128xf32, #tpu.memory_space<vmem_shared>> -> memref<10240x128xf32, #tpu.memory_space<vmem_shared>>
        tpu.wait_indirect_dma semaphore(%run_scoped3A : memref<!tpu.dma_semaphore, #tpu.memory_space<semaphore_mem>>) src(%arg9 : memref<128x128xf32, #tpu.memory_space<vmem>>) dst(%dma_wait3A_127 : memref<10240x128xf32, #tpu.memory_space<vmem_shared>>)
        tpu.yield
      }) : () -> ()
      %add3A_105 = arith.constant 2 : i32
      %add3A_106 = arith.addi %mul3A_76, %add3A_105 : i32
      %lt3A = arith.cmpi slt, %add3A_106, %select_n3A : i32
      %convert_element_type3A_107 = arith.extui %lt3A : i1 to i32
      %cond3A_108 = arith.constant 0 : i32
      %cond3A_109 = arith.cmpi ne, %convert_element_type3A_107, %cond3A_108 : i32
      scf.if %cond3A_109 {
        %add3A_122 = arith.addi %select_n3A_8, %mul3A_76 : i32
        %add3A_123 = arith.constant 2 : i32
        %add3A_124 = arith.addi %add3A_122, %add3A_123 : i32
        %dma_start3A_125 = arith.constant 0 : i32
        %dma_start3A_126 = tpu.memref_slice %arg4[%add3A_124, %dma_start3A_125] : memref<2560x128xi32, #tpu.memory_space<hbm>> -> memref<1x128xi32, #tpu.memory_space<hbm>>
        %dma_start3A_127 = tpu.memref_squeeze %dma_start3A_126 : memref<1x128xi32, #tpu.memory_space<hbm>> -> memref<128xi32, #tpu.memory_space<hbm>>
        %dma_start3A_128 = arith.constant 0 : i32
        %dma_start3A_129 = tpu.memref_slice %arg4[%add3A_124, %dma_start3A_128] : memref<2560x128xi32, #tpu.memory_space<hbm>> -> memref<1x128xi32, #tpu.memory_space<hbm>>
        %dma_start3A_130 = tpu.memref_squeeze %dma_start3A_129 : memref<1x128xi32, #tpu.memory_space<hbm>> -> memref<128xi32, #tpu.memory_space<hbm>>
        tpu.enqueue_dma source(%dma_start3A_130 : memref<128xi32, #tpu.memory_space<hbm>>) target(%arg7 : memref<128xi32, #tpu.memory_space<vmem>>) target_semaphore(%arg14 : memref<!tpu.dma_semaphore, #tpu.memory_space<semaphore_mem>>)
        %add3A_131 = arith.constant 2 : i32
        %add3A_132 = arith.addi %mul3A_76, %add3A_131 : i32
        %dma_start3A_133 = arith.constant 0 : i32
        %dma_start3A_134 = tpu.memref_slice %arg6[%add3A_132, %dma_start3A_133] : memref<120x128xi32, #tpu.memory_space<vmem>> -> memref<1x128xi32, #tpu.memory_space<vmem>>
        %dma_start3A_135 = tpu.memref_squeeze %dma_start3A_134 : memref<1x128xi32, #tpu.memory_space<vmem>> -> memref<128xi32, #tpu.memory_space<vmem>>
        %dma_start3A_136 = arith.constant 0 : i32
        %dma_start3A_137 = arith.constant 0 : i32
        %dma_start3A_138 = tpu.memref_slice %arg2[%dma_start3A_136, %dma_start3A_137] : memref<10000x128xf32, #tpu.memory_space<hbm>> -> memref<10000x128xf32, #tpu.memory_space<hbm>>
        tpu.enqueue_indirect_dma source(%dma_start3A_138 : memref<10000x128xf32, #tpu.memory_space<hbm>>) target(%arg9 : memref<128x128xf32, #tpu.memory_space<vmem>>) offsets(%dma_start3A_135 : memref<128xi32, #tpu.memory_space<vmem>>) semaphore(%arg12 : memref<!tpu.dma_semaphore, #tpu.memory_space<semaphore_mem>>)
      } else {
      }
      %dma_wait3A_110 = arith.constant 0 : i32
      %dma_wait3A_111 = tpu.memref_slice %arg4[%select_n3A_8, %dma_wait3A_110] : memref<2560x128xi32, #tpu.memory_space<hbm>> -> memref<1x128xi32, #tpu.memory_space<hbm>>
      %dma_wait3A_112 = tpu.memref_squeeze %dma_wait3A_111 : memref<1x128xi32, #tpu.memory_space<hbm>> -> memref<128xi32, #tpu.memory_space<hbm>>
      %dma_wait3A_113 = arith.constant 0 : i32
      %dma_wait3A_114 = tpu.memref_slice %arg4[%select_n3A_8, %dma_wait3A_113] : memref<2560x128xi32, #tpu.memory_space<hbm>> -> memref<1x128xi32, #tpu.memory_space<hbm>>
      %dma_wait3A_115 = tpu.memref_squeeze %dma_wait3A_114 : memref<1x128xi32, #tpu.memory_space<hbm>> -> memref<128xi32, #tpu.memory_space<hbm>>
      tpu.wait_dma2 semaphore(%arg15 : memref<!tpu.dma_semaphore, #tpu.memory_space<semaphore_mem>>) src(%dma_wait3A_115 : memref<128xi32, #tpu.memory_space<hbm>>) dst(%arg8 : memref<128xi32, #tpu.memory_space<vmem>>)
      %dma_wait3A_116 = arith.constant 0 : i32
      %dma_wait3A_117 = arith.constant 0 : i32
      %dma_wait3A_118 = tpu.memref_slice %arg2[%dma_wait3A_116, %dma_wait3A_117] : memref<10000x128xf32, #tpu.memory_space<hbm>> -> memref<128x128xf32, #tpu.memory_space<hbm>>
      %dma_wait3A_119 = arith.constant 0 : i32
      %dma_wait3A_120 = arith.constant 0 : i32
      %dma_wait3A_121 = tpu.memref_slice %arg2[%dma_wait3A_119, %dma_wait3A_120] : memref<10000x128xf32, #tpu.memory_space<hbm>> -> memref<128x128xf32, #tpu.memory_space<hbm>>
      tpu.wait_dma2 semaphore(%arg13 : memref<!tpu.dma_semaphore, #tpu.memory_space<semaphore_mem>>) src(%dma_wait3A_121 : memref<128x128xf32, #tpu.memory_space<hbm>>) dst(%arg10 : memref<128x128xf32, #tpu.memory_space<vmem>>)
      "tpu.region"() ({
        %run_scoped3A = tpu.sem_alloc : memref<!tpu.dma_semaphore, #tpu.memory_space<semaphore_mem>>
        %dma_start3A_122 = arith.constant 0 : i32
        %dma_start3A_123 = arith.constant 0 : i32
        %dma_start3A_124 = tpu.memref_slice %arg11[%dma_start3A_122, %dma_start3A_123] : memref<10240x128xf32, #tpu.memory_space<vmem_shared>> -> memref<10240x128xf32, #tpu.memory_space<vmem_shared>>
        tpu.enqueue_indirect_dma source(%arg10 : memref<128x128xf32, #tpu.memory_space<vmem>>) target(%dma_start3A_124 : memref<10240x128xf32, #tpu.memory_space<vmem_shared>>) offsets(%arg8 : memref<128xi32, #tpu.memory_space<vmem>>) semaphore(%run_scoped3A : memref<!tpu.dma_semaphore, #tpu.memory_space<semaphore_mem>>) {add = true}
        %dma_wait3A_125 = arith.constant 0 : i32
        %dma_wait3A_126 = arith.constant 0 : i32
        %dma_wait3A_127 = tpu.memref_slice %arg11[%dma_wait3A_125, %dma_wait3A_126] : memref<10240x128xf32, #tpu.memory_space<vmem_shared>> -> memref<10240x128xf32, #tpu.memory_space<vmem_shared>>
        tpu.wait_indirect_dma semaphore(%run_scoped3A : memref<!tpu.dma_semaphore, #tpu.memory_space<semaphore_mem>>) src(%arg10 : memref<128x128xf32, #tpu.memory_space<vmem>>) dst(%dma_wait3A_127 : memref<10240x128xf32, #tpu.memory_space<vmem_shared>>)
        tpu.yield
      }) : () -> ()
    }
    %barrier3A_67 = arith.constant 0 : index
    tpu.barrier barrier_id(%barrier3A_67)
    %scan3A_68 = arith.constant 0 : i32
    %scan3A_69 = arith.constant 0 : i32
    %scan3A_70 = arith.constant 5 : i32
    %scan3A_71 = arith.addi %scan3A_69, %scan3A_70 : i32
    %scan3A_72 = arith.constant 1 : i32
    scf.for %scan3A_74 = %scan3A_69 to %scan3A_71 step %scan3A_72  : i32 {
      %mul3A_75 = arith.constant 640 : i32
      %mul3A_76 = arith.muli %arg1, %mul3A_75 : i32
      %mul3A_77 = arith.constant 128 : i32
      %mul3A_78 = arith.muli %scan3A_74, %mul3A_77 : i32
      %add3A_79 = arith.addi %mul3A_76, %mul3A_78 : i32
      "tpu.region"() ({
        %run_scoped3A = tpu.sem_alloc : memref<!tpu.dma_semaphore, #tpu.memory_space<semaphore_mem>>
        %dma_start3A_80 = arith.constant 0 : i32
        %dma_start3A_81 = arith.constant 0 : i32
        %dma_start3A_82 = tpu.memref_slice %arg5[%arg0, %dma_start3A_80, %dma_start3A_81] : memref<2x10240x128xf32, #tpu.memory_space<hbm>> -> memref<1x10240x128xf32, #tpu.memory_space<hbm>>
        %dma_start3A_83 = tpu.memref_squeeze %dma_start3A_82 : memref<1x10240x128xf32, #tpu.memory_space<hbm>> -> memref<10240x128xf32, #tpu.memory_space<hbm>>
        %dma_start3A_84 = arith.constant 0 : i32
        %dma_start3A_85 = tpu.memref_slice %dma_start3A_83[%add3A_79, %dma_start3A_84] : memref<10240x128xf32, #tpu.memory_space<hbm>> -> memref<128x128xf32, #tpu.memory_space<hbm>>
        %dma_start3A_86 = arith.constant 0 : i32
        %dma_start3A_87 = tpu.memref_slice %arg11[%add3A_79, %dma_start3A_86] : memref<10240x128xf32, #tpu.memory_space<vmem_shared>> -> memref<128x128xf32, #tpu.memory_space<vmem_shared>>
        tpu.enqueue_dma source(%dma_start3A_87 : memref<128x128xf32, #tpu.memory_space<vmem_shared>>) target(%dma_start3A_85 : memref<128x128xf32, #tpu.memory_space<hbm>>) target_semaphore(%run_scoped3A : memref<!tpu.dma_semaphore, #tpu.memory_space<semaphore_mem>>)
        %dma_wait3A = arith.constant 0 : i32
        %dma_wait3A_88 = arith.constant 0 : i32
        %dma_wait3A_89 = tpu.memref_slice %arg5[%arg0, %dma_wait3A, %dma_wait3A_88] : memref<2x10240x128xf32, #tpu.memory_space<hbm>> -> memref<1x10240x128xf32, #tpu.memory_space<hbm>>
        %dma_wait3A_90 = tpu.memref_squeeze %dma_wait3A_89 : memref<1x10240x128xf32, #tpu.memory_space<hbm>> -> memref<10240x128xf32, #tpu.memory_space<hbm>>
        %dma_wait3A_91 = arith.constant 0 : i32
        %dma_wait3A_92 = tpu.memref_slice %dma_wait3A_90[%add3A_79, %dma_wait3A_91] : memref<10240x128xf32, #tpu.memory_space<hbm>> -> memref<128x128xf32, #tpu.memory_space<hbm>>
        %dma_wait3A_93 = arith.constant 0 : i32
        %dma_wait3A_94 = tpu.memref_slice %arg11[%add3A_79, %dma_wait3A_93] : memref<10240x128xf32, #tpu.memory_space<vmem_shared>> -> memref<128x128xf32, #tpu.memory_space<vmem_shared>>
        tpu.wait_dma2 semaphore(%run_scoped3A : memref<!tpu.dma_semaphore, #tpu.memory_space<semaphore_mem>>) src(%dma_wait3A_94 : memref<128x128xf32, #tpu.memory_space<vmem_shared>>) dst(%dma_wait3A_92 : memref<128x128xf32, #tpu.memory_space<hbm>>)
        tpu.yield
      }) : () -> ()
    }
    %scan3A_73 = arith.constant 5 : i32
    return
  }
}

module attributes {stable_mosaic.version = 14 : i64} {
  func.func @_enc1_body(%arg0: memref<10000x128xf32, #tpu.memory_space<vmem>>, %arg1: memref<128x128xf32, #tpu.memory_space<vmem>>, %arg2: memref<10000x2xf32, #tpu.memory_space<vmem>>, %arg3: memref<10000x128xf32, #tpu.memory_space<vmem>>) attributes {dimension_semantics = [], scalar_prefetch = 0 : i64, scratch_operands = 0 : i64, tpu.core_type = #tpu.core_type<tc>} {
    %get3A = arith.constant 0 : index
    %get3A_0 = arith.constant 0 : index
    %get3A_1 = vector.load %arg0[%get3A, %get3A_0] : memref<10000x128xf32, #tpu.memory_space<vmem>>, vector<10000x128xf32>
    %get3A_2 = arith.constant 0 : index
    %get3A_3 = arith.constant 0 : index
    %get3A_4 = vector.load %arg1[%get3A_2, %get3A_3] : memref<128x128xf32, #tpu.memory_space<vmem>>, vector<128x128xf32>
    %dot_general3A = arith.constant dense<0.000000e+00> : vector<10000x128xf32>
    %dot_general3A_5 = tpu.matmul %get3A_1, %get3A_4, %dot_general3A {dimension_numbers = #tpu.dot_dimension_numbers<[1], [0], [0], [1], [0, 0, 1, 1], [], []>, transpose_lhs_hint = false} : vector<10000x128xf32>, vector<128x128xf32>, vector<10000x128xf32> -> vector<10000x128xf32>
    %get3A_6 = arith.constant 0 : index
    %get3A_7 = arith.constant 0 : index
    %get3A_8 = vector.load %arg2[%get3A_6, %get3A_7] : memref<10000x2xf32, #tpu.memory_space<vmem>>, vector<10000x1xf32>
    %get3A_9 = arith.constant 0 : index
    %get3A_10 = arith.constant 1 : index
    %get3A_11 = vector.load %arg2[%get3A_9, %get3A_10] : memref<10000x2xf32, #tpu.memory_space<vmem>>, vector<10000x1xf32>
    %add3A = arith.addf %get3A_8, %get3A_11 : vector<10000x1xf32>
    %max3A = arith.constant 1.000000e+00 : f32
    %max3A_12 = vector.broadcast %max3A : f32 to vector<10000x1xf32>
    %max3A_13 = arith.maximumf %add3A, %max3A_12 : vector<10000x1xf32>
    %rsqrt3A = math.rsqrt %max3A_13 : vector<10000x1xf32>
    %mul3A = vector.broadcast %rsqrt3A : vector<10000x1xf32> to vector<10000x128xf32>
    %mul3A_14 = arith.mulf %dot_general3A_5, %mul3A : vector<10000x128xf32>
    %swap3A = arith.constant 0 : index
    %swap3A_15 = arith.constant 0 : index
    %swap3A_16 = vector.load %arg3[%swap3A, %swap3A_15] : memref<10000x128xf32, #tpu.memory_space<vmem>>, vector<10000x128xf32>
    tpu.vector_store %arg3[%swap3A, %swap3A_15], %mul3A_14 {strides = array<i32>} : memref<10000x128xf32, #tpu.memory_space<vmem>>, vector<10000x128xf32>,
    return
  }
}

module attributes {stable_mosaic.version = 14 : i64} {
  func.func @_enc2_body(%arg0: memref<2x10240x128xf32, #tpu.memory_space<vmem>>, %arg1: memref<128x64xf32, #tpu.memory_space<vmem>>, %arg2: memref<10000x2xf32, #tpu.memory_space<vmem>>, %arg3: memref<10000x128xf32, #tpu.memory_space<vmem>>) attributes {dimension_semantics = [], scalar_prefetch = 0 : i64, scratch_operands = 0 : i64, tpu.core_type = #tpu.core_type<tc>} {
    %get3A = arith.constant 0 : index
    %get3A_0 = arith.constant 0 : index
    %get3A_1 = vector.load %arg2[%get3A, %get3A_0] : memref<10000x2xf32, #tpu.memory_space<vmem>>, vector<10000x1xf32>
    %get3A_2 = arith.constant 0 : index
    %get3A_3 = arith.constant 1 : index
    %get3A_4 = vector.load %arg2[%get3A_2, %get3A_3] : memref<10000x2xf32, #tpu.memory_space<vmem>>, vector<10000x1xf32>
    %add3A = arith.addf %get3A_1, %get3A_4 : vector<10000x1xf32>
    %max3A = arith.constant 1.000000e+00 : f32
    %max3A_5 = vector.broadcast %max3A : f32 to vector<10000x1xf32>
    %max3A_6 = arith.maximumf %add3A, %max3A_5 : vector<10000x1xf32>
    %rsqrt3A = math.rsqrt %max3A_6 : vector<10000x1xf32>
    %get3A_7 = arith.constant 0 : index
    %get3A_8 = arith.constant 0 : index
    %get3A_9 = arith.constant 0 : index
    %get3A_10 = vector.load %arg0[%get3A_7, %get3A_8, %get3A_9] : memref<2x10240x128xf32, #tpu.memory_space<vmem>>, vector<1x10000x128xf32>
    %get3A_11 = vector.shape_cast %get3A_10 : vector<1x10000x128xf32> to vector<10000x128xf32>
    %get3A_12 = arith.constant 1 : index
    %get3A_13 = arith.constant 0 : index
    %get3A_14 = arith.constant 0 : index
    %get3A_15 = vector.load %arg0[%get3A_12, %get3A_13, %get3A_14] : memref<2x10240x128xf32, #tpu.memory_space<vmem>>, vector<1x10000x128xf32>
    %get3A_16 = vector.shape_cast %get3A_15 : vector<1x10000x128xf32> to vector<10000x128xf32>
    %add3A_17 = arith.addf %get3A_11, %get3A_16 : vector<10000x128xf32>
    %mul3A = vector.broadcast %rsqrt3A : vector<10000x1xf32> to vector<10000x128xf32>
    %mul3A_18 = arith.mulf %add3A_17, %mul3A : vector<10000x128xf32>
    %max3A_19 = arith.constant 0.000000e+00 : f32
    %max3A_20 = vector.broadcast %max3A_19 : f32 to vector<10000x128xf32>
    %max3A_21 = arith.maximumf %mul3A_18, %max3A_20 : vector<10000x128xf32>
    %get3A_22 = arith.constant 0 : index
    %get3A_23 = arith.constant 0 : index
    %get3A_24 = vector.load %arg1[%get3A_22, %get3A_23] : memref<128x64xf32, #tpu.memory_space<vmem>>, vector<128x64xf32>
    %dot_general3A = arith.constant dense<0.000000e+00> : vector<10000x64xf32>
    %dot_general3A_25 = tpu.matmul %max3A_21, %get3A_24, %dot_general3A {dimension_numbers = #tpu.dot_dimension_numbers<[1], [0], [0], [1], [0, 0, 1, 1], [], []>, transpose_lhs_hint = false} : vector<10000x128xf32>, vector<128x64xf32>, vector<10000x64xf32> -> vector<10000x64xf32>
    %mul3A_26 = vector.broadcast %rsqrt3A : vector<10000x1xf32> to vector<10000x64xf32>
    %mul3A_27 = arith.mulf %dot_general3A_25, %mul3A_26 : vector<10000x64xf32>
    %swap3A = arith.constant 0 : index
    %swap3A_28 = arith.constant 0 : index
    %swap3A_29 = vector.load %arg3[%swap3A, %swap3A_28] : memref<10000x128xf32, #tpu.memory_space<vmem>>, vector<10000x64xf32>
    tpu.vector_store %arg3[%swap3A, %swap3A_28], %mul3A_27 {strides = array<i32>} : memref<10000x128xf32, #tpu.memory_space<vmem>>, vector<10000x64xf32>,
    %broadcast_in_dim3A = arith.constant 0.000000e+00 : f32
    %broadcast_in_dim3A_30 = vector.broadcast %broadcast_in_dim3A : f32 to vector<10000x64xf32>
    %swap3A_31 = arith.constant 0 : index
    %swap3A_32 = arith.constant 64 : index
    %swap3A_33 = vector.load %arg3[%swap3A_31, %swap3A_32] : memref<10000x128xf32, #tpu.memory_space<vmem>>, vector<10000x64xf32>
    tpu.vector_store %arg3[%swap3A_31, %swap3A_32], %broadcast_in_dim3A_30 {strides = array<i32>} : memref<10000x128xf32, #tpu.memory_space<vmem>>, vector<10000x64xf32>,
    return
  }
}

module attributes {stable_mosaic.version = 14 : i64} {
  func.func @_fin_body(%arg0: memref<2x10240x128xf32, #tpu.memory_space<vmem>>, %arg1: memref<10000x2xf32, #tpu.memory_space<vmem>>, %arg2: memref<10000x128xf32, #tpu.memory_space<vmem>>) attributes {dimension_semantics = [], scalar_prefetch = 0 : i64, scratch_operands = 0 : i64, tpu.core_type = #tpu.core_type<tc>} {
    %get3A = arith.constant 0 : index
    %get3A_0 = arith.constant 0 : index
    %get3A_1 = vector.load %arg1[%get3A, %get3A_0] : memref<10000x2xf32, #tpu.memory_space<vmem>>, vector<10000x1xf32>
    %get3A_2 = arith.constant 0 : index
    %get3A_3 = arith.constant 1 : index
    %get3A_4 = vector.load %arg1[%get3A_2, %get3A_3] : memref<10000x2xf32, #tpu.memory_space<vmem>>, vector<10000x1xf32>
    %add3A = arith.addf %get3A_1, %get3A_4 : vector<10000x1xf32>
    %max3A = arith.constant 1.000000e+00 : f32
    %max3A_5 = vector.broadcast %max3A : f32 to vector<10000x1xf32>
    %max3A_6 = arith.maximumf %add3A, %max3A_5 : vector<10000x1xf32>
    %rsqrt3A = math.rsqrt %max3A_6 : vector<10000x1xf32>
    %get3A_7 = arith.constant 0 : index
    %get3A_8 = arith.constant 0 : index
    %get3A_9 = arith.constant 0 : index
    %get3A_10 = vector.load %arg0[%get3A_7, %get3A_8, %get3A_9] : memref<2x10240x128xf32, #tpu.memory_space<vmem>>, vector<1x10000x128xf32>
    %get3A_11 = vector.shape_cast %get3A_10 : vector<1x10000x128xf32> to vector<10000x128xf32>
    %get3A_12 = arith.constant 1 : index
    %get3A_13 = arith.constant 0 : index
    %get3A_14 = arith.constant 0 : index
    %get3A_15 = vector.load %arg0[%get3A_12, %get3A_13, %get3A_14] : memref<2x10240x128xf32, #tpu.memory_space<vmem>>, vector<1x10000x128xf32>
    %get3A_16 = vector.shape_cast %get3A_15 : vector<1x10000x128xf32> to vector<10000x128xf32>
    %add3A_17 = arith.addf %get3A_11, %get3A_16 : vector<10000x128xf32>
    %mul3A = vector.broadcast %rsqrt3A : vector<10000x1xf32> to vector<10000x128xf32>
    %mul3A_18 = arith.mulf %add3A_17, %mul3A : vector<10000x128xf32>
    %max3A_19 = arith.constant 0.000000e+00 : f32
    %max3A_20 = vector.broadcast %max3A_19 : f32 to vector<10000x128xf32>
    %max3A_21 = arith.maximumf %mul3A_18, %max3A_20 : vector<10000x128xf32>
    %swap3A = arith.constant 0 : index
    %swap3A_22 = arith.constant 0 : index
    %swap3A_23 = vector.load %arg2[%swap3A, %swap3A_22] : memref<10000x128xf32, #tpu.memory_space<vmem>>, vector<10000x128xf32>
    tpu.vector_store %arg2[%swap3A, %swap3A_22], %max3A_21 {strides = array<i32>} : memref<10000x128xf32, #tpu.memory_space<vmem>>, vector<10000x128xf32>,
    return
  }
}

module attributes {stable_mosaic.version = 14 : i64} {
  func.func @_loss_body(%arg0: i32, %arg1: memref<2048x128xf32, #tpu.memory_space<vmem>>, %arg2: memref<2048x128xf32, #tpu.memory_space<vmem>>, %arg3: memref<2048x128xf32, #tpu.memory_space<vmem>>, %arg4: memref<2048x128xf32, #tpu.memory_space<vmem>>, %arg5: memref<2048x128xf32, #tpu.memory_space<vmem>>, %arg6: memref<2048x128xf32, #tpu.memory_space<vmem>>, %arg7: memref<2048x128xf32, #tpu.memory_space<vmem>>, %arg8: memref<1x1xf32, #tpu.memory_space<smem>>) attributes {dimension_semantics = [#tpu.dimension_semantics<arbitrary>], iteration_bounds = array<i64: 16>, scalar_prefetch = 0 : i64, scratch_operands = 0 : i64, tpu.core_type = #tpu.core_type<tc>, window_params = [{transform_indices = @transform_0, window_bounds = array<i64: 2048, 128>}, {transform_indices = @transform_1, window_bounds = array<i64: 2048, 128>}, {transform_indices = @transform_2, window_bounds = array<i64: 2048, 128>}, {transform_indices = @transform_3, window_bounds = array<i64: 2048, 128>}, {transform_indices = @transform_4, window_bounds = array<i64: 2048, 128>}, {transform_indices = @transform_5, window_bounds = array<i64: 2048, 128>}, {transform_indices = @transform_6, window_bounds = array<i64: 2048, 128>}, {transform_indices = @transform_7, window_bounds = array<i64: 1, 1>}]} {
    %eq3A = arith.constant 0 : i32
    %eq3A_0 = arith.cmpi eq, %arg0, %eq3A : i32
    %convert_element_type3A = arith.extui %eq3A_0 : i1 to i32
    %cond3A = arith.constant 0 : i32
    %cond3A_1 = arith.cmpi ne, %convert_element_type3A, %cond3A : i32
    scf.if %cond3A_1 {
      %swap3A_273 = arith.constant 0.000000e+00 : f32
      %swap3A_274 = arith.constant 0 : index
      %swap3A_275 = arith.constant 0 : index
      %swap3A_276 = memref.load %arg8[%swap3A_274, %swap3A_275] : memref<1x1xf32, #tpu.memory_space<smem>>
      memref.store %swap3A_273, %arg8[%swap3A_274, %swap3A_275] : memref<1x1xf32, #tpu.memory_space<smem>>
    } else {
    }
    %get3A = arith.constant 0 : index
    %get3A_2 = arith.constant 0 : index
    %get3A_3 = vector.load %arg6[%get3A, %get3A_2] : memref<2048x128xf32, #tpu.memory_space<vmem>>, vector<2048x128xf32>
    %get3A_4 = arith.constant 0 : index
    %get3A_5 = arith.constant 0 : index
    %get3A_6 = vector.load %arg7[%get3A_4, %get3A_5] : memref<2048x128xf32, #tpu.memory_space<vmem>>, vector<2048x128xf32>
    %mul3A = arith.mulf %get3A_3, %get3A_6 : vector<2048x128xf32>
    %reduce_sum3A = arith.constant dense<0.000000e+00> : vector<2048xf32>
    %reduce_sum3A_7 = vector.multi_reduction <add>, %mul3A, %reduce_sum3A [1] : vector<2048x128xf32> to vector<2048xf32>
    %broadcast_in_dim3A = vector.shape_cast %reduce_sum3A_7 : vector<2048xf32> to vector<2048x1xf32>
    %abs3A = math.absf %broadcast_in_dim3A : vector<2048x1xf32>
    %neg3A = arith.constant 0.000000e+00 : f32
    %neg3A_8 = vector.broadcast %neg3A : f32 to vector<2048x1xf32>
    %neg3A_9 = arith.subf %neg3A_8, %abs3A : vector<2048x1xf32>
    %exp3A = math.exp %neg3A_9 : vector<2048x1xf32>
    %add3A = arith.constant 1.000000e+00 : f32
    %add3A_10 = vector.broadcast %add3A : f32 to vector<2048x1xf32>
    %add3A_11 = arith.addf %add3A_10, %exp3A : vector<2048x1xf32>
    %log3A = math.log %add3A_11 : vector<2048x1xf32>
    %neg3A_12 = arith.constant 0.000000e+00 : f32
    %neg3A_13 = vector.broadcast %neg3A_12 : f32 to vector<2048x1xf32>
    %neg3A_14 = arith.subf %neg3A_13, %broadcast_in_dim3A : vector<2048x1xf32>
    %max3A = arith.constant 0.000000e+00 : f32
    %max3A_15 = vector.broadcast %max3A : f32 to vector<2048x1xf32>
    %max3A_16 = arith.maximumf %neg3A_14, %max3A_15 : vector<2048x1xf32>
    %add3A_17 = arith.addf %log3A, %max3A_16 : vector<2048x1xf32>
    %mul3A_18 = arith.constant 1.000000e+01 : f32
    %mul3A_19 = vector.broadcast %mul3A_18 : f32 to vector<2048x1xf32>
    %mul3A_20 = arith.mulf %mul3A_19, %add3A_17 : vector<2048x1xf32>
    %get3A_21 = arith.constant 0 : index
    %get3A_22 = arith.constant 0 : index
    %get3A_23 = vector.load %arg1[%get3A_21, %get3A_22] : memref<2048x128xf32, #tpu.memory_space<vmem>>, vector<2048x128xf32>
    %mul3A_24 = arith.mulf %get3A_3, %get3A_23 : vector<2048x128xf32>
    %reduce_sum3A_25 = arith.constant dense<0.000000e+00> : vector<2048xf32>
    %reduce_sum3A_26 = vector.multi_reduction <add>, %mul3A_24, %reduce_sum3A_25 [1] : vector<2048x128xf32> to vector<2048xf32>
    %broadcast_in_dim3A_27 = vector.shape_cast %reduce_sum3A_26 : vector<2048xf32> to vector<2048x1xf32>
    %mul3A_28 = arith.mulf %get3A_6, %get3A_23 : vector<2048x128xf32>
    %reduce_sum3A_29 = arith.constant dense<0.000000e+00> : vector<2048xf32>
    %reduce_sum3A_30 = vector.multi_reduction <add>, %mul3A_28, %reduce_sum3A_29 [1] : vector<2048x128xf32> to vector<2048xf32>
    %broadcast_in_dim3A_31 = vector.shape_cast %reduce_sum3A_30 : vector<2048xf32> to vector<2048x1xf32>
    %abs3A_32 = math.absf %broadcast_in_dim3A_27 : vector<2048x1xf32>
    %neg3A_33 = arith.constant 0.000000e+00 : f32
    %neg3A_34 = vector.broadcast %neg3A_33 : f32 to vector<2048x1xf32>
    %neg3A_35 = arith.subf %neg3A_34, %abs3A_32 : vector<2048x1xf32>
    %exp3A_36 = math.exp %neg3A_35 : vector<2048x1xf32>
    %add3A_37 = arith.constant 1.000000e+00 : f32
    %add3A_38 = vector.broadcast %add3A_37 : f32 to vector<2048x1xf32>
    %add3A_39 = arith.addf %add3A_38, %exp3A_36 : vector<2048x1xf32>
    %log3A_40 = math.log %add3A_39 : vector<2048x1xf32>
    %neg3A_41 = arith.constant 0.000000e+00 : f32
    %neg3A_42 = vector.broadcast %neg3A_41 : f32 to vector<2048x1xf32>
    %neg3A_43 = arith.subf %neg3A_42, %broadcast_in_dim3A_27 : vector<2048x1xf32>
    %max3A_44 = arith.constant 0.000000e+00 : f32
    %max3A_45 = vector.broadcast %max3A_44 : f32 to vector<2048x1xf32>
    %max3A_46 = arith.maximumf %neg3A_43, %max3A_45 : vector<2048x1xf32>
    %add3A_47 = arith.addf %log3A_40, %max3A_46 : vector<2048x1xf32>
    %add3A_48 = arith.addf %broadcast_in_dim3A_27, %add3A_47 : vector<2048x1xf32>
    %add3A_49 = arith.addf %mul3A_20, %add3A_48 : vector<2048x1xf32>
    %abs3A_50 = math.absf %broadcast_in_dim3A_31 : vector<2048x1xf32>
    %neg3A_51 = arith.constant 0.000000e+00 : f32
    %neg3A_52 = vector.broadcast %neg3A_51 : f32 to vector<2048x1xf32>
    %neg3A_53 = arith.subf %neg3A_52, %abs3A_50 : vector<2048x1xf32>
    %exp3A_54 = math.exp %neg3A_53 : vector<2048x1xf32>
    %add3A_55 = arith.constant 1.000000e+00 : f32
    %add3A_56 = vector.broadcast %add3A_55 : f32 to vector<2048x1xf32>
    %add3A_57 = arith.addf %add3A_56, %exp3A_54 : vector<2048x1xf32>
    %log3A_58 = math.log %add3A_57 : vector<2048x1xf32>
    %neg3A_59 = arith.constant 0.000000e+00 : f32
    %neg3A_60 = vector.broadcast %neg3A_59 : f32 to vector<2048x1xf32>
    %neg3A_61 = arith.subf %neg3A_60, %broadcast_in_dim3A_31 : vector<2048x1xf32>
    %max3A_62 = arith.constant 0.000000e+00 : f32
    %max3A_63 = vector.broadcast %max3A_62 : f32 to vector<2048x1xf32>
    %max3A_64 = arith.maximumf %neg3A_61, %max3A_63 : vector<2048x1xf32>
    %add3A_65 = arith.addf %log3A_58, %max3A_64 : vector<2048x1xf32>
    %add3A_66 = arith.addf %broadcast_in_dim3A_31, %add3A_65 : vector<2048x1xf32>
    %add3A_67 = arith.addf %add3A_49, %add3A_66 : vector<2048x1xf32>
    %get3A_68 = arith.constant 0 : index
    %get3A_69 = arith.constant 0 : index
    %get3A_70 = vector.load %arg2[%get3A_68, %get3A_69] : memref<2048x128xf32, #tpu.memory_space<vmem>>, vector<2048x128xf32>
    %mul3A_71 = arith.mulf %get3A_3, %get3A_70 : vector<2048x128xf32>
    %reduce_sum3A_72 = arith.constant dense<0.000000e+00> : vector<2048xf32>
    %reduce_sum3A_73 = vector.multi_reduction <add>, %mul3A_71, %reduce_sum3A_72 [1] : vector<2048x128xf32> to vector<2048xf32>
    %broadcast_in_dim3A_74 = vector.shape_cast %reduce_sum3A_73 : vector<2048xf32> to vector<2048x1xf32>
    %mul3A_75 = arith.mulf %get3A_6, %get3A_70 : vector<2048x128xf32>
    %reduce_sum3A_76 = arith.constant dense<0.000000e+00> : vector<2048xf32>
    %reduce_sum3A_77 = vector.multi_reduction <add>, %mul3A_75, %reduce_sum3A_76 [1] : vector<2048x128xf32> to vector<2048xf32>
    %broadcast_in_dim3A_78 = vector.shape_cast %reduce_sum3A_77 : vector<2048xf32> to vector<2048x1xf32>
    %abs3A_79 = math.absf %broadcast_in_dim3A_74 : vector<2048x1xf32>
    %neg3A_80 = arith.constant 0.000000e+00 : f32
    %neg3A_81 = vector.broadcast %neg3A_80 : f32 to vector<2048x1xf32>
    %neg3A_82 = arith.subf %neg3A_81, %abs3A_79 : vector<2048x1xf32>
    %exp3A_83 = math.exp %neg3A_82 : vector<2048x1xf32>
    %add3A_84 = arith.constant 1.000000e+00 : f32
    %add3A_85 = vector.broadcast %add3A_84 : f32 to vector<2048x1xf32>
    %add3A_86 = arith.addf %add3A_85, %exp3A_83 : vector<2048x1xf32>
    %log3A_87 = math.log %add3A_86 : vector<2048x1xf32>
    %neg3A_88 = arith.constant 0.000000e+00 : f32
    %neg3A_89 = vector.broadcast %neg3A_88 : f32 to vector<2048x1xf32>
    %neg3A_90 = arith.subf %neg3A_89, %broadcast_in_dim3A_74 : vector<2048x1xf32>
    %max3A_91 = arith.constant 0.000000e+00 : f32
    %max3A_92 = vector.broadcast %max3A_91 : f32 to vector<2048x1xf32>
    %max3A_93 = arith.maximumf %neg3A_90, %max3A_92 : vector<2048x1xf32>
    %add3A_94 = arith.addf %log3A_87, %max3A_93 : vector<2048x1xf32>
    %add3A_95 = arith.addf %broadcast_in_dim3A_74, %add3A_94 : vector<2048x1xf32>
    %add3A_96 = arith.addf %add3A_67, %add3A_95 : vector<2048x1xf32>
    %abs3A_97 = math.absf %broadcast_in_dim3A_78 : vector<2048x1xf32>
    %neg3A_98 = arith.constant 0.000000e+00 : f32
    %neg3A_99 = vector.broadcast %neg3A_98 : f32 to vector<2048x1xf32>
    %neg3A_100 = arith.subf %neg3A_99, %abs3A_97 : vector<2048x1xf32>
    %exp3A_101 = math.exp %neg3A_100 : vector<2048x1xf32>
    %add3A_102 = arith.constant 1.000000e+00 : f32
    %add3A_103 = vector.broadcast %add3A_102 : f32 to vector<2048x1xf32>
    %add3A_104 = arith.addf %add3A_103, %exp3A_101 : vector<2048x1xf32>
    %log3A_105 = math.log %add3A_104 : vector<2048x1xf32>
    %neg3A_106 = arith.constant 0.000000e+00 : f32
    %neg3A_107 = vector.broadcast %neg3A_106 : f32 to vector<2048x1xf32>
    %neg3A_108 = arith.subf %neg3A_107, %broadcast_in_dim3A_78 : vector<2048x1xf32>
    %max3A_109 = arith.constant 0.000000e+00 : f32
    %max3A_110 = vector.broadcast %max3A_109 : f32 to vector<2048x1xf32>
    %max3A_111 = arith.maximumf %neg3A_108, %max3A_110 : vector<2048x1xf32>
    %add3A_112 = arith.addf %log3A_105, %max3A_111 : vector<2048x1xf32>
    %add3A_113 = arith.addf %broadcast_in_dim3A_78, %add3A_112 : vector<2048x1xf32>
    %add3A_114 = arith.addf %add3A_96, %add3A_113 : vector<2048x1xf32>
    %get3A_115 = arith.constant 0 : index
    %get3A_116 = arith.constant 0 : index
    %get3A_117 = vector.load %arg3[%get3A_115, %get3A_116] : memref<2048x128xf32, #tpu.memory_space<vmem>>, vector<2048x128xf32>
    %mul3A_118 = arith.mulf %get3A_3, %get3A_117 : vector<2048x128xf32>
    %reduce_sum3A_119 = arith.constant dense<0.000000e+00> : vector<2048xf32>
    %reduce_sum3A_120 = vector.multi_reduction <add>, %mul3A_118, %reduce_sum3A_119 [1] : vector<2048x128xf32> to vector<2048xf32>
    %broadcast_in_dim3A_121 = vector.shape_cast %reduce_sum3A_120 : vector<2048xf32> to vector<2048x1xf32>
    %mul3A_122 = arith.mulf %get3A_6, %get3A_117 : vector<2048x128xf32>
    %reduce_sum3A_123 = arith.constant dense<0.000000e+00> : vector<2048xf32>
    %reduce_sum3A_124 = vector.multi_reduction <add>, %mul3A_122, %reduce_sum3A_123 [1] : vector<2048x128xf32> to vector<2048xf32>
    %broadcast_in_dim3A_125 = vector.shape_cast %reduce_sum3A_124 : vector<2048xf32> to vector<2048x1xf32>
    %abs3A_126 = math.absf %broadcast_in_dim3A_121 : vector<2048x1xf32>
    %neg3A_127 = arith.constant 0.000000e+00 : f32
    %neg3A_128 = vector.broadcast %neg3A_127 : f32 to vector<2048x1xf32>
    %neg3A_129 = arith.subf %neg3A_128, %abs3A_126 : vector<2048x1xf32>
    %exp3A_130 = math.exp %neg3A_129 : vector<2048x1xf32>
    %add3A_131 = arith.constant 1.000000e+00 : f32
    %add3A_132 = vector.broadcast %add3A_131 : f32 to vector<2048x1xf32>
    %add3A_133 = arith.addf %add3A_132, %exp3A_130 : vector<2048x1xf32>
    %log3A_134 = math.log %add3A_133 : vector<2048x1xf32>
    %neg3A_135 = arith.constant 0.000000e+00 : f32
    %neg3A_136 = vector.broadcast %neg3A_135 : f32 to vector<2048x1xf32>
    %neg3A_137 = arith.subf %neg3A_136, %broadcast_in_dim3A_121 : vector<2048x1xf32>
    %max3A_138 = arith.constant 0.000000e+00 : f32
    %max3A_139 = vector.broadcast %max3A_138 : f32 to vector<2048x1xf32>
    %max3A_140 = arith.maximumf %neg3A_137, %max3A_139 : vector<2048x1xf32>
    %add3A_141 = arith.addf %log3A_134, %max3A_140 : vector<2048x1xf32>
    %add3A_142 = arith.addf %broadcast_in_dim3A_121, %add3A_141 : vector<2048x1xf32>
    %add3A_143 = arith.addf %add3A_114, %add3A_142 : vector<2048x1xf32>
    %abs3A_144 = math.absf %broadcast_in_dim3A_125 : vector<2048x1xf32>
    %neg3A_145 = arith.constant 0.000000e+00 : f32
    %neg3A_146 = vector.broadcast %neg3A_145 : f32 to vector<2048x1xf32>
    %neg3A_147 = arith.subf %neg3A_146, %abs3A_144 : vector<2048x1xf32>
    %exp3A_148 = math.exp %neg3A_147 : vector<2048x1xf32>
    %add3A_149 = arith.constant 1.000000e+00 : f32
    %add3A_150 = vector.broadcast %add3A_149 : f32 to vector<2048x1xf32>
    %add3A_151 = arith.addf %add3A_150, %exp3A_148 : vector<2048x1xf32>
    %log3A_152 = math.log %add3A_151 : vector<2048x1xf32>
    %neg3A_153 = arith.constant 0.000000e+00 : f32
    %neg3A_154 = vector.broadcast %neg3A_153 : f32 to vector<2048x1xf32>
    %neg3A_155 = arith.subf %neg3A_154, %broadcast_in_dim3A_125 : vector<2048x1xf32>
    %max3A_156 = arith.constant 0.000000e+00 : f32
    %max3A_157 = vector.broadcast %max3A_156 : f32 to vector<2048x1xf32>
    %max3A_158 = arith.maximumf %neg3A_155, %max3A_157 : vector<2048x1xf32>
    %add3A_159 = arith.addf %log3A_152, %max3A_158 : vector<2048x1xf32>
    %add3A_160 = arith.addf %broadcast_in_dim3A_125, %add3A_159 : vector<2048x1xf32>
    %add3A_161 = arith.addf %add3A_143, %add3A_160 : vector<2048x1xf32>
    %get3A_162 = arith.constant 0 : index
    %get3A_163 = arith.constant 0 : index
    %get3A_164 = vector.load %arg4[%get3A_162, %get3A_163] : memref<2048x128xf32, #tpu.memory_space<vmem>>, vector<2048x128xf32>
    %mul3A_165 = arith.mulf %get3A_3, %get3A_164 : vector<2048x128xf32>
    %reduce_sum3A_166 = arith.constant dense<0.000000e+00> : vector<2048xf32>
    %reduce_sum3A_167 = vector.multi_reduction <add>, %mul3A_165, %reduce_sum3A_166 [1] : vector<2048x128xf32> to vector<2048xf32>
    %broadcast_in_dim3A_168 = vector.shape_cast %reduce_sum3A_167 : vector<2048xf32> to vector<2048x1xf32>
    %mul3A_169 = arith.mulf %get3A_6, %get3A_164 : vector<2048x128xf32>
    %reduce_sum3A_170 = arith.constant dense<0.000000e+00> : vector<2048xf32>
    %reduce_sum3A_171 = vector.multi_reduction <add>, %mul3A_169, %reduce_sum3A_170 [1] : vector<2048x128xf32> to vector<2048xf32>
    %broadcast_in_dim3A_172 = vector.shape_cast %reduce_sum3A_171 : vector<2048xf32> to vector<2048x1xf32>
    %abs3A_173 = math.absf %broadcast_in_dim3A_168 : vector<2048x1xf32>
    %neg3A_174 = arith.constant 0.000000e+00 : f32
    %neg3A_175 = vector.broadcast %neg3A_174 : f32 to vector<2048x1xf32>
    %neg3A_176 = arith.subf %neg3A_175, %abs3A_173 : vector<2048x1xf32>
    %exp3A_177 = math.exp %neg3A_176 : vector<2048x1xf32>
    %add3A_178 = arith.constant 1.000000e+00 : f32
    %add3A_179 = vector.broadcast %add3A_178 : f32 to vector<2048x1xf32>
    %add3A_180 = arith.addf %add3A_179, %exp3A_177 : vector<2048x1xf32>
    %log3A_181 = math.log %add3A_180 : vector<2048x1xf32>
    %neg3A_182 = arith.constant 0.000000e+00 : f32
    %neg3A_183 = vector.broadcast %neg3A_182 : f32 to vector<2048x1xf32>
    %neg3A_184 = arith.subf %neg3A_183, %broadcast_in_dim3A_168 : vector<2048x1xf32>
    %max3A_185 = arith.constant 0.000000e+00 : f32
    %max3A_186 = vector.broadcast %max3A_185 : f32 to vector<2048x1xf32>
    %max3A_187 = arith.maximumf %neg3A_184, %max3A_186 : vector<2048x1xf32>
    %add3A_188 = arith.addf %log3A_181, %max3A_187 : vector<2048x1xf32>
    %add3A_189 = arith.addf %broadcast_in_dim3A_168, %add3A_188 : vector<2048x1xf32>
    %add3A_190 = arith.addf %add3A_161, %add3A_189 : vector<2048x1xf32>
    %abs3A_191 = math.absf %broadcast_in_dim3A_172 : vector<2048x1xf32>
    %neg3A_192 = arith.constant 0.000000e+00 : f32
    %neg3A_193 = vector.broadcast %neg3A_192 : f32 to vector<2048x1xf32>
    %neg3A_194 = arith.subf %neg3A_193, %abs3A_191 : vector<2048x1xf32>
    %exp3A_195 = math.exp %neg3A_194 : vector<2048x1xf32>
    %add3A_196 = arith.constant 1.000000e+00 : f32
    %add3A_197 = vector.broadcast %add3A_196 : f32 to vector<2048x1xf32>
    %add3A_198 = arith.addf %add3A_197, %exp3A_195 : vector<2048x1xf32>
    %log3A_199 = math.log %add3A_198 : vector<2048x1xf32>
    %neg3A_200 = arith.constant 0.000000e+00 : f32
    %neg3A_201 = vector.broadcast %neg3A_200 : f32 to vector<2048x1xf32>
    %neg3A_202 = arith.subf %neg3A_201, %broadcast_in_dim3A_172 : vector<2048x1xf32>
    %max3A_203 = arith.constant 0.000000e+00 : f32
    %max3A_204 = vector.broadcast %max3A_203 : f32 to vector<2048x1xf32>
    %max3A_205 = arith.maximumf %neg3A_202, %max3A_204 : vector<2048x1xf32>
    %add3A_206 = arith.addf %log3A_199, %max3A_205 : vector<2048x1xf32>
    %add3A_207 = arith.addf %broadcast_in_dim3A_172, %add3A_206 : vector<2048x1xf32>
    %add3A_208 = arith.addf %add3A_190, %add3A_207 : vector<2048x1xf32>
    %get3A_209 = arith.constant 0 : index
    %get3A_210 = arith.constant 0 : index
    %get3A_211 = vector.load %arg5[%get3A_209, %get3A_210] : memref<2048x128xf32, #tpu.memory_space<vmem>>, vector<2048x128xf32>
    %mul3A_212 = arith.mulf %get3A_3, %get3A_211 : vector<2048x128xf32>
    %reduce_sum3A_213 = arith.constant dense<0.000000e+00> : vector<2048xf32>
    %reduce_sum3A_214 = vector.multi_reduction <add>, %mul3A_212, %reduce_sum3A_213 [1] : vector<2048x128xf32> to vector<2048xf32>
    %broadcast_in_dim3A_215 = vector.shape_cast %reduce_sum3A_214 : vector<2048xf32> to vector<2048x1xf32>
    %mul3A_216 = arith.mulf %get3A_6, %get3A_211 : vector<2048x128xf32>
    %reduce_sum3A_217 = arith.constant dense<0.000000e+00> : vector<2048xf32>
    %reduce_sum3A_218 = vector.multi_reduction <add>, %mul3A_216, %reduce_sum3A_217 [1] : vector<2048x128xf32> to vector<2048xf32>
    %broadcast_in_dim3A_219 = vector.shape_cast %reduce_sum3A_218 : vector<2048xf32> to vector<2048x1xf32>
    %abs3A_220 = math.absf %broadcast_in_dim3A_215 : vector<2048x1xf32>
    %neg3A_221 = arith.constant 0.000000e+00 : f32
    %neg3A_222 = vector.broadcast %neg3A_221 : f32 to vector<2048x1xf32>
    %neg3A_223 = arith.subf %neg3A_222, %abs3A_220 : vector<2048x1xf32>
    %exp3A_224 = math.exp %neg3A_223 : vector<2048x1xf32>
    %add3A_225 = arith.constant 1.000000e+00 : f32
    %add3A_226 = vector.broadcast %add3A_225 : f32 to vector<2048x1xf32>
    %add3A_227 = arith.addf %add3A_226, %exp3A_224 : vector<2048x1xf32>
    %log3A_228 = math.log %add3A_227 : vector<2048x1xf32>
    %neg3A_229 = arith.constant 0.000000e+00 : f32
    %neg3A_230 = vector.broadcast %neg3A_229 : f32 to vector<2048x1xf32>
    %neg3A_231 = arith.subf %neg3A_230, %broadcast_in_dim3A_215 : vector<2048x1xf32>
    %max3A_232 = arith.constant 0.000000e+00 : f32
    %max3A_233 = vector.broadcast %max3A_232 : f32 to vector<2048x1xf32>
    %max3A_234 = arith.maximumf %neg3A_231, %max3A_233 : vector<2048x1xf32>
    %add3A_235 = arith.addf %log3A_228, %max3A_234 : vector<2048x1xf32>
    %add3A_236 = arith.addf %broadcast_in_dim3A_215, %add3A_235 : vector<2048x1xf32>
    %add3A_237 = arith.addf %add3A_208, %add3A_236 : vector<2048x1xf32>
    %abs3A_238 = math.absf %broadcast_in_dim3A_219 : vector<2048x1xf32>
    %neg3A_239 = arith.constant 0.000000e+00 : f32
    %neg3A_240 = vector.broadcast %neg3A_239 : f32 to vector<2048x1xf32>
    %neg3A_241 = arith.subf %neg3A_240, %abs3A_238 : vector<2048x1xf32>
    %exp3A_242 = math.exp %neg3A_241 : vector<2048x1xf32>
    %add3A_243 = arith.constant 1.000000e+00 : f32
    %add3A_244 = vector.broadcast %add3A_243 : f32 to vector<2048x1xf32>
    %add3A_245 = arith.addf %add3A_244, %exp3A_242 : vector<2048x1xf32>
    %log3A_246 = math.log %add3A_245 : vector<2048x1xf32>
    %neg3A_247 = arith.constant 0.000000e+00 : f32
    %neg3A_248 = vector.broadcast %neg3A_247 : f32 to vector<2048x1xf32>
    %neg3A_249 = arith.subf %neg3A_248, %broadcast_in_dim3A_219 : vector<2048x1xf32>
    %max3A_250 = arith.constant 0.000000e+00 : f32
    %max3A_251 = vector.broadcast %max3A_250 : f32 to vector<2048x1xf32>
    %max3A_252 = arith.maximumf %neg3A_249, %max3A_251 : vector<2048x1xf32>
    %add3A_253 = arith.addf %log3A_246, %max3A_252 : vector<2048x1xf32>
    %add3A_254 = arith.addf %broadcast_in_dim3A_219, %add3A_253 : vector<2048x1xf32>
    %add3A_255 = arith.addf %add3A_237, %add3A_254 : vector<2048x1xf32>
    %get3A_256 = arith.constant 0 : index
    %get3A_257 = arith.constant 0 : index
    %get3A_258 = memref.load %arg8[%get3A_256, %get3A_257] : memref<1x1xf32, #tpu.memory_space<smem>>
    %reduce_sum3A_259 = vector.shape_cast %add3A_255 : vector<2048x1xf32> to vector<1x2048x1xf32>
    %reduce_sum3A_260 = arith.constant dense<0.000000e+00> : vector<1xf32>
    %reduce_sum3A_261 = vector.multi_reduction <add>, %reduce_sum3A_259, %reduce_sum3A_260 [1, 2] : vector<1x2048x1xf32> to vector<1xf32>
    %reduce_sum3A_262 = vector.shape_cast %reduce_sum3A_261 : vector<1xf32> to vector<1x1x1xf32>
    %reduce_sum3A_263 = vector.extract %reduce_sum3A_262[0, 0, 0] : f32 from vector<1x1x1xf32>
    %div3A = arith.constant 1.100000e+01 : f32
    %div3A_264 = arith.divf %reduce_sum3A_263, %div3A : f32
    %add3A_265 = arith.addf %get3A_258, %div3A_264 : f32
    %swap3A = arith.constant 0 : index
    %swap3A_266 = arith.constant 0 : index
    %swap3A_267 = memref.load %arg8[%swap3A, %swap3A_266] : memref<1x1xf32, #tpu.memory_space<smem>>
    memref.store %add3A_265, %arg8[%swap3A, %swap3A_266] : memref<1x1xf32, #tpu.memory_space<smem>>
    %eq3A_268 = arith.constant 15 : i32
    %eq3A_269 = arith.cmpi eq, %arg0, %eq3A_268 : i32
    %convert_element_type3A_270 = arith.extui %eq3A_269 : i1 to i32
    %cond3A_271 = arith.constant 0 : i32
    %cond3A_272 = arith.cmpi ne, %convert_element_type3A_270, %cond3A_271 : i32
    scf.if %cond3A_272 {
      %get3A_273 = arith.constant 0 : index
      %get3A_274 = arith.constant 0 : index
      %get3A_275 = memref.load %arg8[%get3A_273, %get3A_274] : memref<1x1xf32, #tpu.memory_space<smem>>
      %div3A_276 = arith.constant 3.276800e+04 : f32
      %div3A_277 = arith.divf %get3A_275, %div3A_276 : f32
      %swap3A_278 = arith.constant 0 : index
      %swap3A_279 = arith.constant 0 : index
      %swap3A_280 = memref.load %arg8[%swap3A_278, %swap3A_279] : memref<1x1xf32, #tpu.memory_space<smem>>
      memref.store %div3A_277, %arg8[%swap3A_278, %swap3A_279] : memref<1x1xf32, #tpu.memory_space<smem>>
    } else {
    }
    return
  }
  func.func @transform_0(%arg0: i32) -> (i32, i32) {
    %add3A = arith.constant 0 : i32
    %add3A_0 = arith.addi %add3A, %arg0 : i32
    %c0_i32 = arith.constant 0 : i32
    %c0_i32_1 = arith.constant 0 : i32
    return %add3A_0, %c0_i32 : i32, i32
  }
  func.func @transform_1(%arg0: i32) -> (i32, i32) {
    %add3A = arith.constant 16 : i32
    %add3A_0 = arith.addi %add3A, %arg0 : i32
    %c0_i32 = arith.constant 0 : i32
    %c0_i32_1 = arith.constant 0 : i32
    return %add3A_0, %c0_i32 : i32, i32
  }
  func.func @transform_2(%arg0: i32) -> (i32, i32) {
    %add3A = arith.constant 32 : i32
    %add3A_0 = arith.addi %add3A, %arg0 : i32
    %c0_i32 = arith.constant 0 : i32
    %c0_i32_1 = arith.constant 0 : i32
    return %add3A_0, %c0_i32 : i32, i32
  }
  func.func @transform_3(%arg0: i32) -> (i32, i32) {
    %add3A = arith.constant 48 : i32
    %add3A_0 = arith.addi %add3A, %arg0 : i32
    %c0_i32 = arith.constant 0 : i32
    %c0_i32_1 = arith.constant 0 : i32
    return %add3A_0, %c0_i32 : i32, i32
  }
  func.func @transform_4(%arg0: i32) -> (i32, i32) {
    %add3A = arith.constant 64 : i32
    %add3A_0 = arith.addi %add3A, %arg0 : i32
    %c0_i32 = arith.constant 0 : i32
    %c0_i32_1 = arith.constant 0 : i32
    return %add3A_0, %c0_i32 : i32, i32
  }
  func.func @transform_5(%arg0: i32) -> (i32, i32) {
    %add3A = arith.constant 80 : i32
    %add3A_0 = arith.addi %add3A, %arg0 : i32
    %c0_i32 = arith.constant 0 : i32
    %c0_i32_1 = arith.constant 0 : i32
    return %add3A_0, %c0_i32 : i32, i32
  }
  func.func @transform_6(%arg0: i32) -> (i32, i32) {
    %add3A = arith.constant 96 : i32
    %add3A_0 = arith.addi %add3A, %arg0 : i32
    %c0_i32 = arith.constant 0 : i32
    %c0_i32_1 = arith.constant 0 : i32
    return %add3A_0, %c0_i32 : i32, i32
  }
  func.func @transform_7(%arg0: i32) -> (i32, i32) {
    %c0_i32 = arith.constant 0 : i32
    %c0_i32_0 = arith.constant 0 : i32
    %c0_i32_1 = arith.constant 0 : i32
    return %c0_i32, %c0_i32_0 : i32, i32
  }
}

</mosaic_0001>

<sc_bundles>
// kernel: run.10.cloned.1.call-start
scs
__scs_entry_jumppad:
0x0: {  	(pc) =	sbr.rel $0x88, $3  }
0x1: {  	(tag) =	ssettag $0x0;
	lr =	simm.s32 $0x1  }
0x2: {  	[smem:$0x3F9A] =	sst lr;
	_ =	strace $0xD0000000  }
0x3: {  	_ = 	snop  }
0x4: {  	_ = 	snop  }
0x5: {  	_ = 	snop  }
0x6: {  	_ = 	snop  }
0x7: {  	_ = 	snop  }
__scs_overlays_trampoline_lowered:
0x8: {  	[smem:$0x3FA9] =	sst s0  }
0x9: {  	[smem:$0x3FAA] =	sst s1  }
0xa: {  	[smem:$0x3FAB] =	sst s2  }
0xb: {  	[smem:$0x3FAC] =	sst s3  }
0xc: {  	[smem:$0x3FAD] =	sst s4  }
0xd: {  	[smem:$0x3FAE] =	sst s5  }
0xe: {  	[smem:$0x3FAF] =	sst s6  }
0xf: {  	[smem:$0x3FB0] =	sst s7  }
0x10: {  	[smem:$0x3FB1] =	sst s8  }
0x11: {  	[smem:$0x3FB2] =	sst s9;
	s0 =	simm.s32 @!p0 $0x0  }
0x12: {  	s1 =	sld [smem:$0x3F98];
	s0 =	simm.s32 @p0 $0x1  }
0x13: {  	[smem:$0x3FB3] =	sst s0;
	s0 =	simm.s32 @!p1 $0x0  }
0x14: {  	s2 =	sld [smem:$0x3F97];
	s0 =	simm.s32 @p1 $0x1  }
0x15: {  	[smem:$0x3FB4] =	sst s0;
	s0 =	simm.s32 @!p2 $0x0  }
0x16: {  	s3 =	sld [smem:$0x3FDB];
	s0 =	simm.s32 @p2 $0x1  }
0x17: {  	s4 =	simm.s32 $0x1BF5;
	[smem:$0x3FB6] =	sst s0  }
0x18: {  	s0 =	sld [smem:$0x3F99];
	_ =	swait.ge [sflag:s4], $0x0  }
0x19: {  	s7 =	sld [smem:$0x3F9A]  }
0x1a: {  	s8 =	sadd.s32 $0xFFFFE003, lr  }
0x1b: {  	s9 =	sadd.s32 $0xFFFFFEF7, lr;
	s5 =	simm.s32 $0xFFFFFFFF;
	p2 =	slt.u32 s8, $0xFFFFF086  }
0x1c: {  	p1 =	slt.u32 s9, $0xF7A;
	s5 =	simm.s32 @!p2 $0x0  }
0x1d: {  	s5 =	simm.s32 @p1 $0x1;
	p0 =	seq.s32 s7, s2  }
0x1e: {  	s7 =	smul.u32 @!p0 $0xF7A, s2;
	p2 =	seq.s32 @!p0 s5, $0x0  }
0x1f: {  	s9 =	smul.u32 $0xF7A, s1;
	s8 =	simm.s32 @!p0 $0x1BF5;
	p2 =	por !p2, p0  }
0x20: {  	[sflag:s8] =	ssyncset.s32 @!p0 $0xFFFFF086;
	s6 =	sadd.s32 @!p0 s3, s7;
	s7 =	simm.s32 @!p0 $0x108  }
0x21: {  	s3 =	sadd.s32 s3, s9;
	s6 =	sadd.s32 @!p0 $0x88, s6;
	s7 =	simm.s32 @p2 $0x1082  }
0x22: {  	[simem:s7], [sflag:s8] =	dma.local @!p0 [hbm:s6], $0xF7A  }
0x23: {  	s9 =	sor.u32 $0xD0000000, s2;
	s6 =	simm.s32 $0x108;
	_ =	swait.ge @!p0 [sflag:s8], $0x0  }
0x24: {  	s3 =	sadd.s32 $0x88, s3;
	s6 =	simm.s32 @!p1 $0x1082;
	[sflag:s4] =	ssyncset.s32 $0xFFFFF086  }
0x25: {  	[simem:s6], [sflag:s4] =	dma.local [hbm:s3], $0xF7A  }
0x26: {  	[smem:$0x3F9A] =	sst s1;
	(tag) =	ssettag s2;
	_ =	strace s9  }
0x27: {  	s1 =	sld [smem:$0x3FAA]  }
0x28: {  	s2 =	sld [smem:$0x3FAB]  }
0x29: {  	s4 =	sld [smem:$0x3FAD]  }
0x2a: {  	p0 =	seq.s32 s5, $0x0;
	s5 =	sld [smem:$0x3FAE]  }
0x2b: {  	s6 =	sld [smem:$0x3FAF]  }
0x2c: {  	s7 =	sld [smem:$0x3FB0]  }
0x2d: {  	s3 =	simm.s32 $0x108;
	s8 =	sld [smem:$0x3FB1]  }
0x2e: {  	s3 =	simm.s32 @!p0 $0x1082;
	s9 =	sld [smem:$0x3FB2]  }
0x2f: {  	lr =	sadd.s32 s0, s3;
	s0 =	sld [smem:$0x3FA9]  }
0x30: {  	s3 =	sld [smem:$0x3FAC]  }
0x31: {  	[smem:$0x3FB5] =	sst s10  }
0x32: {  	s10 =	sld [smem:$0x3FB3];
	_ =	sdelay $0x3  }
0x33: {  	p0 =	seq.s32 s10, $0x1;
	s10 =	sld [smem:$0x3FB5];
	_ =	sdelay $0x3  }
0x34: {  	[smem:$0x3FB5] =	sst s10  }
0x35: {  	s10 =	sld [smem:$0x3FB4];
	_ =	sdelay $0x3  }
0x36: {  	p1 =	seq.s32 s10, $0x1;
	s10 =	sld [smem:$0x3FB5];
	_ =	sdelay $0x3  }
0x37: {  	[smem:$0x3FB5] =	sst s10  }
0x38: {  	s10 =	sld [smem:$0x3FB6]  }
0x39: {  	_ = 	snop;
	(pc) =	sbr.ind lr, $3  }
0x3a: {  	_ = 	snop  }
0x3b: {  	_ = 	snop  }
0x3c: {  	p2 =	seq.s32 s10, $0x1;
	s10 =	sld [smem:$0x3FB5]  }
0x3d: {  	_ =	shalt  }
0x3e: {  	_ =	shalt  }
0x3f: {  	_ =	shalt  }
0x40: {  	_ =	shalt  }
0x41: {  	_ =	shalt  }
0x42: {  	_ =	shalt  }
0x43: {  	_ =	shalt  }
0x44: {  	_ =	shalt  }
0x45: {  	_ =	shalt  }
0x46: {  	_ =	shalt  }
0x47: {  	_ =	shalt  }
0x48: {  	_ =	shalt  }
0x49: {  	_ =	shalt  }
0x4a: {  	_ =	shalt  }
0x4b: {  	_ =	shalt  }
0x4c: {  	_ =	shalt  }
0x4d: {  	_ =	shalt  }
0x4e: {  	_ =	shalt  }
0x4f: {  	_ =	shalt  }
0x50: {  	_ =	shalt  }
0x51: {  	_ =	shalt  }
0x52: {  	_ =	shalt  }
0x53: {  	_ =	shalt  }
0x54: {  	_ =	shalt  }
0x55: {  	_ =	shalt  }
0x56: {  	_ =	shalt  }
0x57: {  	_ =	shalt  }
0x58: {  	_ =	shalt  }
0x59: {  	_ =	shalt  }
0x5a: {  	_ =	shalt  }
0x5b: {  	_ =	shalt  }
0x5c: {  	_ =	shalt  }
0x5d: {  	_ =	shalt  }
0x5e: {  	_ =	shalt  }
0x5f: {  	_ =	shalt  }
0x60: {  	_ =	shalt  }
0x61: {  	_ =	shalt  }
0x62: {  	_ =	shalt  }
0x63: {  	_ =	shalt  }
0x64: {  	_ =	shalt  }
0x65: {  	_ =	shalt  }
0x66: {  	_ =	shalt  }
0x67: {  	_ =	shalt  }
0x68: {  	_ =	shalt  }
0x69: {  	_ =	shalt  }
0x6a: {  	_ =	shalt  }
0x6b: {  	_ =	shalt  }
0x6c: {  	_ =	shalt  }
0x6d: {  	_ =	shalt  }
0x6e: {  	_ =	shalt  }
0x6f: {  	_ =	shalt  }
0x70: {  	_ =	shalt  }
0x71: {  	_ =	shalt  }
0x72: {  	_ =	shalt  }
0x73: {  	_ =	shalt  }
0x74: {  	_ =	shalt  }
0x75: {  	_ =	shalt  }
0x76: {  	_ =	shalt  }
0x77: {  	_ =	shalt  }
0x78: {  	_ =	shalt  }
0x79: {  	_ =	shalt  }
0x7a: {  	_ =	shalt  }
0x7b: {  	_ =	shalt  }
0x7c: {  	_ =	shalt  }
0x7d: {  	_ =	shalt  }
0x7e: {  	_ =	shalt  }
0x7f: {  	_ =	shalt  }
0x80: {  	_ =	shalt  }
0x81: {  	_ =	shalt  }
0x82: {  	_ =	shalt  }
0x83: {  	_ =	shalt  }
0x84: {  	_ =	shalt  }
0x85: {  	_ =	shalt  }
0x86: {  	_ =	shalt  }
0x87: {  	_ =	shalt  }
.Lfunc_end0:
.L_simem_size_0:
called_computation_lowered:
.L_overlay_start_0:
0x88: {  	s2 =	sld [smem:$0x3FD9]  }
0x89: {  	s3 =	sld [smem:$0x3FFE];
	_ =	sdelay $0x1  }
0x8a: {  	s1 =	srdreg.scid  }
0x8b: {  	s0 =	sand.u32 $0x1, s1  }
0x8c: {  	s16 =	sshll.u32 s0, $0xA;
	s2 =	sadd.s32 s3, s2  }
0x8d: {  	s2 =	sadd.s32 s2, s16  }
0x8e: {  	[smem:$0x3FC1] =	sst s2  }
0x8f: {  	_ = 	snop  }
0x90: {  	(tm) =	ssettm $0x1  }
0x91: {  	s17 =	sld [smem:$0x3FFB];
	_ =	sdelay $0x3  }
0x92: {  	_ =	strace s17  }
0x93: {  	s2 =	sld [smem:$0x3FFC];
	_ =	sdelay $0x3  }
0x94: {  	_ =	strace s2  }
0x95: {  	s2 =	sld [smem:$0x3FFD];
	_ =	sdelay $0x3  }
0x96: {  	_ =	strace s2  }
0x97: {  	_ =	strace $0x8FFFFFFF  }
0x98: {  	s18 =	sld [smem:$0x3FDB];
	_ =	sdelay $0x1  }
0x99: {  	s19 =	simm.s32 $_scs_section_size  }
0x9a: {  	s4 =	simm.s32 $_size__tile_overlayer_lowered;
	s5 =	simm.s32 $_tile_overlayer_lowered  }
0x9b: {  	s22 =	simm.s32 $0x1BFF;
	s21 =	sshll.u32 s5, $0x1;
	s2 =	sadd.s32 s19, s18  }
0x9c: {  	s6 =	simm.s32 $0x0;
	s20 =	sshll.u32 s4, $0x1;
	s4 =	sadd.s32 s21, s2  }
0x9d: {  	[timem:s6], [sflag:s22] =	dma.local [hbm:s4], s20  }
0x9e: {  	_ =	swait.ge [sflag:s22], s20  }
0x9f: {  	s3 =	ssub.s32 $0x0, s20;
	[sflag:s22] =	ssyncset.done $0x0  }
0xa0: {  	[sflag:s22] =	ssyncadd.s32 s3;
	_ =	sdelay $0x1  }
0xa1: {  	s23 =	simm.s32 $0x1B8B  }
0xa2: {  	_ =	swait.ge [sflag:s23], $0x1  }
0xa3: {  	[sflag:s23] =	ssyncset.done $0x0  }
0xa4: {  	s25 =	simm.s32 $0x1B8E;
	s24 =	sld [smem:$0x3FFE];
	[sflag:s23] =	ssyncadd.s32 $0xFFFFFFFF  }
0xa5: {  	s26 =	simm.s32 $execute0_lowered;
	[smem:$0x3FD2] =	sst s25  }
0xa6: {  	s4 =	sshll.u32 s26, $0x1;
	_ =	strace $0x80000046;
	[dreg:$0x1] =	wrdreg $0xFFFFFFFF  }
0xa7: {  	s28 =	simm.s32 $_size_execute0_lowered;
	s2 =	sadd.s32 s2, s4;
	[dreg:$0x0] =	wrdreg $0x0  }
0xa8: {  	s4 =	sshll.u32 s28, $0x1;
	[dreg:$0x2] =	wrdreg s2  }
0xa9: {  	[dreg:$0x3] =	wrdreg s4  }
0xaa: {  	[dreg:$0x4] =	wrdreg $0xC0  }
0xab: {  	_ =	task [dreg:s6], $0x5FFFF  }
0xac: {  	[dreg:$0x1] =	wrdreg $0xFFFFFFFF  }
0xad: {  	[dreg:$0x0] =	wrdreg $0x60  }
0xae: {  	[dreg:$0x2] =	wrdreg s24  }
0xaf: {  	[dreg:$0x3] =	wrdreg $0x29000  }
0xb0: {  	[dreg:$0x4] =	wrdreg $0x9  }
0xb1: {  	_ =	task.clear_ibuf [dreg:s6], $0x5FFFF;
	_ =	strace $0x90000046  }
0xb2: {  	s29 =	simm.s32 $0x9;
	_ =	strace $0x80000048  }
0xb3: {  	_ =	swait.ge [sflag:s29], $0x1  }
0xb4: {  	[sflag:s29] =	ssyncadd.s32 $0xFFFFFFFF  }
0xb5: {  	_ =	strace $0x90000048  }
0xb6: {  	_ =	sfence  }
0xb7: {  	s30 =	sld [smem:$0x0];
	_ =	sdelay $0x2  }
0xb8: {  	s31 =	sshll.u32 s1, $0xD;
	s1 =	sshrl.u32 s1, $0x2  }
0xb9: {  	s3 =	sand.u32 $0x4000, s31;
	s1 =	sadd.s32 s1, s30  }
0xba: {  	s0 =	sor.u32 s3, s0;
	s1 =	sshll.u32 s1, $0x11  }
0xbb: {  	s0 =	sor.u32 s1, s0  }
0xbc: {  	s0 =	sadd.s32 $0x8F2B, s0  }
0xbd: {  	[sflag:s0] =	ssyncadd.remote.s32 $0x1  }
0xbe: {  	_ =	sfence.sel $0xFFFF  }
0xbf: {  	[dreg:$0x0] =	wrdreg $0xFFFFFFFF;
	(pc) =	sbr.abs _section_cstart, $3  }
0xc0: {  	[dreg:$0x1] =	wrdreg $0xFFFFFFFF  }
0xc1: {  	_ =	task.clear_ibuf [dreg:s6], $0x2FFFF;
	_ =	strace $0x9FFFFFFF  }
0xc2: {  	(tm) =	ssettm $0x7FFFFFFF  }
0xc3: {  	_ =	shalt  }
tec
execute0_lowered:
.L_overlay_start_1:
0x0: {  	(tag) =	ssettag $0x1  }
0x1: {  	s0 =	srdreg.scid  }
0x2: {  	s4 =	rddreg [dreg:$0x0];
	s1 =	stileid.u32  }
0x3: {  	s2 =	rddreg [dreg:$0x1];
	s3 =	simm.s32 $0x0;
	s8 =	smul.u32 $0xA00, s1  }
0x4: {  	s5 =	sand.u32 $0x1, s0;
	s0 =	rddreg [dreg:$0x2];
	s9 =	smul.u32 $0x5, s1  }
0x5: {  	[smem:$0x7FF] =	sst s3;
	s15 =	smul.u32 $0xA0, s1;
	s6 =	sshll.u32 s5, $0x4  }
0x6: {  	_ =	strace $0x80000047;
	s5 =	ssub.s32 $0x2, s5;
	s7 =	sor.u32 s1, s6  }
0x7: {  	s6 =	sadd.s32 s6, s4;
	s25 =	sshrl.u32 s5, $0x1;
	s26 =	sshrl.u32 s8, $0x2  }
0x8: {  	s11 =	sadd.s32 $0x1, s9;
	s12 =	sadd.s32 $0x2, s9;
	s13 =	sadd.s32 $0x3, s9  }
0x9: {  	s14 =	sadd.s32 $0x4, s9;
	s7 =	smul.u32 $0x500, s7;
	s10 =	ssub.s32 s5, s25  }
0xa: {  	s19 =	sadd.s32 $0xC800, s6;
	s5 =	sadd.s32 s26, s2;
	s28 =	sshll.u32 s11, $0x7  }
0xb: {  	s29 =	sshll.u32 s12, $0x7;
	s30 =	sshll.u32 s13, $0x7;
	s31 =	sshll.u32 s14, $0x7  }
0xc: {  	s16 =	sshll.u32 s11, $0x5;
	s17 =	sshll.u32 s12, $0x5;
	s18 =	sshll.u32 s13, $0x5  }
0xd: {  	s20 =	sshll.u32 s14, $0x5;
	s11 =	simm.s32 $0x1;
	s12 =	simm.s32 $0x2880  }
0xe: {  	s13 =	simm.s32 $0x80;
	s14 =	simm.s32 $0x2800;
	s6 =	smax.u32 s10, $0x1  }
0xf: {  	s8 =	sadd.s32 s29, s2;
	s9 =	sadd.s32 s30, s2;
	s10 =	sadd.s32 s31, s2  }
0x10: {  	s15 =	sadd.s32 s15, s19;
	s16 =	sadd.s32 s16, s19;
	s17 =	sadd.s32 s17, s19  }
0x11: {  	s18 =	sadd.s32 s18, s19;
	s19 =	sadd.s32 s20, s19;
	s7 =	sadd.s32 s7, s4  }
0x12: {  	v0 =	vimm.f32 $1.000000000e+00;
	v1 =	vimm.f32 $0.0e+00;
	s20 =	simm.s32 $0x0;
	s4 =	sadd.s32 $0x2800, s7;
	s7 =	sadd.s32 s28, s2  }
.LBB2_1:
0x13: {  	[tilespmem:s3], [sflag:$0x1] =	stream.linear.gather [hbm4b:s4+s3], $0x2800, $0x38;
	[tilespmem:$0x2B80] =	vst v63  }
0x14: {  	_ =	swait.ge [sflag:s11], $0x2800  }
0x15: {  	[sflag:s11] =	ssyncset.done $0x0  }
0x16: {  	[sflag:s11] =	ssyncadd.s32 $0xFFFFD800  }
0x17: {  	[tilespmem:$0x2800] =	vst v0  }
0x18: {  	[tilespmem:$0x2880] =	vst v1  }
0x19: {  	[tilespmem:$0x2810] =	vst v0  }
0x1a: {  	[tilespmem:$0x2890] =	vst v1  }
0x1b: {  	[tilespmem:$0x2820] =	vst v0  }
0x1c: {  	[tilespmem:$0x28A0] =	vst v1  }
0x1d: {  	[tilespmem:$0x2830] =	vst v0  }
0x1e: {  	[tilespmem:$0x28B0] =	vst v1  }
0x1f: {  	[tilespmem:$0x2840] =	vst v0  }
0x20: {  	[tilespmem:$0x28C0] =	vst v1  }
0x21: {  	[tilespmem:$0x2850] =	vst v0  }
0x22: {  	[tilespmem:$0x28D0] =	vst v1  }
0x23: {  	[tilespmem:$0x2860] =	vst v0  }
0x24: {  	[tilespmem:$0x28E0] =	vst v1  }
0x25: {  	[tilespmem:$0x2870] =	vst v0  }
0x26: {  	[tilespmem:$0x28F0] =	vst v1  }
0x27: {  	[spmem:s5] =	stream.linear.scatter [tilespmem:s12], [sflag:$0x1], $0x80, $0x38;
	[tilespmem:$0x2B80] =	vst v63  }
0x28: {  	_ =	swait.ge [sflag:s11], $0x80  }
0x29: {  	[sflag:s11] =	ssyncset.done $0x0  }
0x2a: {  	[sflag:s11] =	ssyncadd.s32 $0xFFFFFF80  }
0x2b: {  	[spmem:s7] =	stream.linear.scatter [tilespmem:s12], [sflag:$0x1], $0x80, $0x38;
	[tilespmem:$0x2B80] =	vst v63  }
0x2c: {  	_ =	swait.ge [sflag:s11], $0x80  }
0x2d: {  	[sflag:s11] =	ssyncset.done $0x0  }
0x2e: {  	[sflag:s11] =	ssyncadd.s32 $0xFFFFFF80  }
0x2f: {  	[spmem:s8] =	stream.linear.scatter [tilespmem:s12], [sflag:$0x1], $0x80, $0x38;
	[tilespmem:$0x2B80] =	vst v63  }
0x30: {  	_ =	swait.ge [sflag:s11], $0x80  }
0x31: {  	[sflag:s11] =	ssyncset.done $0x0  }
0x32: {  	[sflag:s11] =	ssyncadd.s32 $0xFFFFFF80  }
0x33: {  	[spmem:s9] =	stream.linear.scatter [tilespmem:s12], [sflag:$0x1], $0x80, $0x38;
	[tilespmem:$0x2B80] =	vst v63  }
0x34: {  	_ =	swait.ge [sflag:s11], $0x80  }
0x35: {  	[sflag:s11] =	ssyncset.done $0x0  }
0x36: {  	[sflag:s11] =	ssyncadd.s32 $0xFFFFFF80  }
0x37: {  	[spmem:s10] =	stream.linear.scatter [tilespmem:s12], [sflag:$0x1], $0x80, $0x38;
	[tilespmem:$0x2B80] =	vst v63  }
0x38: {  	_ =	swait.ge [sflag:s11], $0x80  }
0x39: {  	[sflag:s11] =	ssyncset.done $0x0  }
0x3a: {  	[sflag:s11] =	ssyncadd.s32 $0xFFFFFF80  }
0x3b: {  	s21 =	simm.s32 $0x0;
	[bflag:$0x0] =	sbarrier.arrive $0xFFFF  }
0x3c: {  	[spmem:s2] =	stream.indirect.scatter.add.f32 [tilespmem:s14], [sflag:$0x1], $0x1, s21, s13, $0xb8;
	[tilespmem:$0x2B80] =	vst v63  }
0x3d: {  	_ =	swait.ge [sflag:s11], $0x80  }
0x3e: {  	s21 =	simm.s32 $0x200;
	[sflag:s11] =	ssyncset.done $0x0  }
.LBB2_2:
0x3f: {  	s22 =	sshra.s32 s21, $0x2;
	[sflag:s11] =	ssyncadd.s32 $0xFFFFFF80;
	p0 =	sne.s32 s21, $0x9E00  }
0x40: {  	[spmem:s2] =	stream.indirect.scatter.add.f32 [tilespmem:s14], [sflag:$0x1], $0x1, s22, s13, $0xb8;
	[tilespmem:$0x2B80] =	vst v63  }
.Ltmp0:
0x41: {  	_ = 	snop;
	(pc) =	sbr.rel @p0 .LBB2_2-.Ltmp0, $4  }
0x42: {  	_ = 	snop  }
0x43: {  	s21 =	sadd.s32 $0x200, s21  }
0x44: {  	_ =	swait.ge [sflag:s11], $0x80  }
0x45: {  	[sflag:s11] =	ssyncset.done $0x0  }
0x46: {  	[sflag:s11] =	ssyncadd.s32 $0xFFFFFF80;
	s21 =	sshll.u32 s1, $0x6  }
0x47: {  	s22 =	sshrl.u32 s5, $0x3;
	[bflag:$0x0] =	sbarrier.arrive $0xFFFF;
	s21 =	sor.u32 $0x1C01, s21  }
0x48: {  	[hbm:s15], [sflag:s21] =	dma.local [spmem:s22], $0x10  }
0x49: {  	_ =	swait.ge [sflag:s11], $0x10  }
0x4a: {  	[sflag:s11] =	ssyncset.done $0x0  }
0x4b: {  	s28 =	sshrl.u32 s7, $0x3;
	[sflag:s11] =	ssyncadd.s32 $0xFFFFFFF0  }
0x4c: {  	[hbm:s16], [sflag:s21] =	dma.local [spmem:s28], $0x10  }
0x4d: {  	_ =	swait.ge [sflag:s11], $0x10  }
0x4e: {  	[sflag:s11] =	ssyncset.done $0x0  }
0x4f: {  	s29 =	sshrl.u32 s8, $0x3;
	[sflag:s11] =	ssyncadd.s32 $0xFFFFFFF0  }
0x50: {  	[hbm:s17], [sflag:s21] =	dma.local [spmem:s29], $0x10  }
0x51: {  	_ =	swait.ge [sflag:s11], $0x10  }
0x52: {  	[sflag:s11] =	ssyncset.done $0x0  }
0x53: {  	s30 =	sshrl.u32 s9, $0x3;
	[sflag:s11] =	ssyncadd.s32 $0xFFFFFFF0  }
0x54: {  	[hbm:s18], [sflag:s21] =	dma.local [spmem:s30], $0x10  }
0x55: {  	s20 =	sadd.s32 $0x1, s20;
	_ =	swait.ge [sflag:s11], $0x10  }
0x56: {  	p0 =	sne.s32 s20, s6;
	[sflag:s11] =	ssyncset.done $0x0  }
.Ltmp1:
0x57: {  	s31 =	sshrl.u32 s10, $0x3;
	[sflag:s11] =	ssyncadd.s32 $0xFFFFFFF0;
	(pc) =	sbr.rel @p0 .LBB2_1-.Ltmp1, $4  }
0x58: {  	[hbm:s19], [sflag:s21] =	dma.local [spmem:s31], $0x10  }
0x59: {  	_ =	swait.ge [sflag:s11], $0x10  }
0x5a: {  	[sflag:s11] =	ssyncset.done $0x0  }
0x5b: {  	[sflag:s11] =	ssyncadd.s32 $0xFFFFFFF0  }
0x5c: {  	_ =	sfence.sel $0x180000  }
0x5d: {  	[bflag:$0x0] =	sbarrier.arrive $0xFFFF  }
0x5e: {  	p0 =	sne.s32 s1, $0x0;
	_ =	strace $0x90000047  }
0x5f: {  	s0 =	sadd.s32 @!p0 $0x100000, s0;
	[bflag:$0x2] =	sbarrier.arrive $0xFFFF  }
0x60: {  	[sflag:s0] =	ssyncadd.tile.s32 @!p0 $0x1;
	_ =	shalt  }
.Lfunc_end2:
_tile_overlayer_lowered:
.L_overlay_start_2:
0x61: {  	(tag) =	ssettag $0x2  }
0x62: {  	s0 =	rddreg [dreg:$0x0];
	s2 =	stileid.u32  }
0x63: {  	s1 =	rddreg [dreg:$0x1];
	p0 =	sne.s32 s2, $0x0  }
0x64: {  	s3 =	rddreg [dreg:$0x2];
	[bflag:$0x3] =	sbarrier.arrive $0xFFFF;
	s2 =	simm.s32 @!p0 $0x1C01  }
0x65: {  	[timem:s3], [sflag:s2] =	dma.local @!p0 [hbm:s0], s1  }
0x66: {  	s0 =	simm.s32 @!p0 $0x1  }
0x67: {  	_ =	swait.ge @!p0 [sflag:s0], s1  }
0x68: {  	s1 =	ssub.s32 @!p0 $0x0, s1;
	[sflag:s0] =	ssyncset.done @!p0 $0x0  }
0x69: {  	[sflag:s0] =	ssyncadd.s32 @!p0 s1  }
0x6a: {  	[bflag:$0x3] =	sbarrier.arrive $0xFFFF  }
0x6b: {  	_ =	shalt  }

// kernel: run.13.cloned.1.call-start
scs
__scs_entry_jumppad:
0x0: {  	(pc) =	sbr.rel $0x88, $3  }
0x1: {  	(tag) =	ssettag $0x0;
	lr =	simm.s32 $0x1  }
0x2: {  	[smem:$0x3F9A] =	sst lr;
	_ =	strace $0xD0000000  }
0x3: {  	_ = 	snop  }
0x4: {  	_ = 	snop  }
0x5: {  	_ = 	snop  }
0x6: {  	_ = 	snop  }
0x7: {  	_ = 	snop  }
__scs_overlays_trampoline_lowered:
0x8: {  	[smem:$0x3FA9] =	sst s0  }
0x9: {  	[smem:$0x3FAA] =	sst s1  }
0xa: {  	[smem:$0x3FAB] =	sst s2  }
0xb: {  	[smem:$0x3FAC] =	sst s3  }
0xc: {  	[smem:$0x3FAD] =	sst s4  }
0xd: {  	[smem:$0x3FAE] =	sst s5  }
0xe: {  	[smem:$0x3FAF] =	sst s6  }
0xf: {  	[smem:$0x3FB0] =	sst s7  }
0x10: {  	[smem:$0x3FB1] =	sst s8  }
0x11: {  	[smem:$0x3FB2] =	sst s9;
	s0 =	simm.s32 @!p0 $0x0  }
0x12: {  	s1 =	sld [smem:$0x3F98];
	s0 =	simm.s32 @p0 $0x1  }
0x13: {  	[smem:$0x3FB3] =	sst s0;
	s0 =	simm.s32 @!p1 $0x0  }
0x14: {  	s2 =	sld [smem:$0x3F97];
	s0 =	simm.s32 @p1 $0x1  }
0x15: {  	[smem:$0x3FB4] =	sst s0;
	s0 =	simm.s32 @!p2 $0x0  }
0x16: {  	s3 =	sld [smem:$0x3FDB];
	s0 =	simm.s32 @p2 $0x1  }
0x17: {  	s4 =	simm.s32 $0x1BF5;
	[smem:$0x3FB6] =	sst s0  }
0x18: {  	s0 =	sld [smem:$0x3F99];
	_ =	swait.ge [sflag:s4], $0x0  }
0x19: {  	s7 =	sld [smem:$0x3F9A]  }
0x1a: {  	s8 =	sadd.s32 $0xFFFFE003, lr  }
0x1b: {  	s9 =	sadd.s32 $0xFFFFFEF7, lr;
	s5 =	simm.s32 $0xFFFFFFFF;
	p2 =	slt.u32 s8, $0xFFFFF086  }
0x1c: {  	p1 =	slt.u32 s9, $0xF7A;
	s5 =	simm.s32 @!p2 $0x0  }
0x1d: {  	s5 =	simm.s32 @p1 $0x1;
	p0 =	seq.s32 s7, s2  }
0x1e: {  	s7 =	smul.u32 @!p0 $0xF7A, s2;
	p2 =	seq.s32 @!p0 s5, $0x0  }
0x1f: {  	s9 =	smul.u32 $0xF7A, s1;
	s8 =	simm.s32 @!p0 $0x1BF5;
	p2 =	por !p2, p0  }
0x20: {  	[sflag:s8] =	ssyncset.s32 @!p0 $0xFFFFF086;
	s6 =	sadd.s32 @!p0 s3, s7;
	s7 =	simm.s32 @!p0 $0x108  }
0x21: {  	s3 =	sadd.s32 s3, s9;
	s6 =	sadd.s32 @!p0 $0x88, s6;
	s7 =	simm.s32 @p2 $0x1082  }
0x22: {  	[simem:s7], [sflag:s8] =	dma.local @!p0 [hbm:s6], $0xF7A  }
0x23: {  	s9 =	sor.u32 $0xD0000000, s2;
	s6 =	simm.s32 $0x108;
	_ =	swait.ge @!p0 [sflag:s8], $0x0  }
0x24: {  	s3 =	sadd.s32 $0x88, s3;
	s6 =	simm.s32 @!p1 $0x1082;
	[sflag:s4] =	ssyncset.s32 $0xFFFFF086  }
0x25: {  	[simem:s6], [sflag:s4] =	dma.local [hbm:s3], $0xF7A  }
0x26: {  	[smem:$0x3F9A] =	sst s1;
	(tag) =	ssettag s2;
	_ =	strace s9  }
0x27: {  	s1 =	sld [smem:$0x3FAA]  }
0x28: {  	s2 =	sld [smem:$0x3FAB]  }
0x29: {  	s4 =	sld [smem:$0x3FAD]  }
0x2a: {  	p0 =	seq.s32 s5, $0x0;
	s5 =	sld [smem:$0x3FAE]  }
0x2b: {  	s6 =	sld [smem:$0x3FAF]  }
0x2c: {  	s7 =	sld [smem:$0x3FB0]  }
0x2d: {  	s3 =	simm.s32 $0x108;
	s8 =	sld [smem:$0x3FB1]  }
0x2e: {  	s3 =	simm.s32 @!p0 $0x1082;
	s9 =	sld [smem:$0x3FB2]  }
0x2f: {  	lr =	sadd.s32 s0, s3;
	s0 =	sld [smem:$0x3FA9]  }
0x30: {  	s3 =	sld [smem:$0x3FAC]  }
0x31: {  	[smem:$0x3FB5] =	sst s10  }
0x32: {  	s10 =	sld [smem:$0x3FB3];
	_ =	sdelay $0x3  }
0x33: {  	p0 =	seq.s32 s10, $0x1;
	s10 =	sld [smem:$0x3FB5];
	_ =	sdelay $0x3  }
0x34: {  	[smem:$0x3FB5] =	sst s10  }
0x35: {  	s10 =	sld [smem:$0x3FB4];
	_ =	sdelay $0x3  }
0x36: {  	p1 =	seq.s32 s10, $0x1;
	s10 =	sld [smem:$0x3FB5];
	_ =	sdelay $0x3  }
0x37: {  	[smem:$0x3FB5] =	sst s10  }
0x38: {  	s10 =	sld [smem:$0x3FB6]  }
0x39: {  	_ = 	snop;
	(pc) =	sbr.ind lr, $3  }
0x3a: {  	_ = 	snop  }
0x3b: {  	_ = 	snop  }
0x3c: {  	p2 =	seq.s32 s10, $0x1;
	s10 =	sld [smem:$0x3FB5]  }
0x3d: {  	_ =	shalt  }
0x3e: {  	_ =	shalt  }
0x3f: {  	_ =	shalt  }
0x40: {  	_ =	shalt  }
0x41: {  	_ =	shalt  }
0x42: {  	_ =	shalt  }
0x43: {  	_ =	shalt  }
0x44: {  	_ =	shalt  }
0x45: {  	_ =	shalt  }
0x46: {  	_ =	shalt  }
0x47: {  	_ =	shalt  }
0x48: {  	_ =	shalt  }
0x49: {  	_ =	shalt  }
0x4a: {  	_ =	shalt  }
0x4b: {  	_ =	shalt  }
0x4c: {  	_ =	shalt  }
0x4d: {  	_ =	shalt  }
0x4e: {  	_ =	shalt  }
0x4f: {  	_ =	shalt  }
0x50: {  	_ =	shalt  }
0x51: {  	_ =	shalt  }
0x52: {  	_ =	shalt  }
0x53: {  	_ =	shalt  }
0x54: {  	_ =	shalt  }
0x55: {  	_ =	shalt  }
0x56: {  	_ =	shalt  }
0x57: {  	_ =	shalt  }
0x58: {  	_ =	shalt  }
0x59: {  	_ =	shalt  }
0x5a: {  	_ =	shalt  }
0x5b: {  	_ =	shalt  }
0x5c: {  	_ =	shalt  }
0x5d: {  	_ =	shalt  }
0x5e: {  	_ =	shalt  }
0x5f: {  	_ =	shalt  }
0x60: {  	_ =	shalt  }
0x61: {  	_ =	shalt  }
0x62: {  	_ =	shalt  }
0x63: {  	_ =	shalt  }
0x64: {  	_ =	shalt  }
0x65: {  	_ =	shalt  }
0x66: {  	_ =	shalt  }
0x67: {  	_ =	shalt  }
0x68: {  	_ =	shalt  }
0x69: {  	_ =	shalt  }
0x6a: {  	_ =	shalt  }
0x6b: {  	_ =	shalt  }
0x6c: {  	_ =	shalt  }
0x6d: {  	_ =	shalt  }
0x6e: {  	_ =	shalt  }
0x6f: {  	_ =	shalt  }
0x70: {  	_ =	shalt  }
0x71: {  	_ =	shalt  }
0x72: {  	_ =	shalt  }
0x73: {  	_ =	shalt  }
0x74: {  	_ =	shalt  }
0x75: {  	_ =	shalt  }
0x76: {  	_ =	shalt  }
0x77: {  	_ =	shalt  }
0x78: {  	_ =	shalt  }
0x79: {  	_ =	shalt  }
0x7a: {  	_ =	shalt  }
0x7b: {  	_ =	shalt  }
0x7c: {  	_ =	shalt  }
0x7d: {  	_ =	shalt  }
0x7e: {  	_ =	shalt  }
0x7f: {  	_ =	shalt  }
0x80: {  	_ =	shalt  }
0x81: {  	_ =	shalt  }
0x82: {  	_ =	shalt  }
0x83: {  	_ =	shalt  }
0x84: {  	_ =	shalt  }
0x85: {  	_ =	shalt  }
0x86: {  	_ =	shalt  }
0x87: {  	_ =	shalt  }
.Lfunc_end0:
.L_simem_size_0:
called_computation.1_lowered:
.L_overlay_start_0:
0x88: {  	s2 =	sld [smem:$0x3FD9]  }
0x89: {  	s3 =	sld [smem:$0x3FFE];
	_ =	sdelay $0x1  }
0x8a: {  	s1 =	srdreg.scid  }
0x8b: {  	s0 =	sand.u32 $0x1, s1  }
0x8c: {  	s14 =	sshll.u32 s0, $0xA;
	s2 =	sadd.s32 s3, s2  }
0x8d: {  	s2 =	sadd.s32 s2, s14  }
0x8e: {  	[smem:$0x3FC1] =	sst s2  }
0x8f: {  	_ = 	snop  }
0x90: {  	s2 =	sld [smem:$0x3FD0];
	_ =	sdelay $0x2  }
0x91: {  	s15 =	simm.s32 $0xA;
	s4 =	simm.s32 $0x10  }
0x92: {  	[smem:s4], [sflag:s15] =	dma.local [hbm:s2], $0x1  }
0x93: {  	_ =	swait.eq [sflag:s15], $0x1  }
0x94: {  	[sflag:s15] =	ssyncset.done $0x0  }
0x95: {  	[sflag:s15] =	ssyncadd.s32 $0xFFFFFFFF  }
0x96: {  	s16 =	sld [smem:$0x11];
	(tm) =	ssettm $0x1  }
0x97: {  	s17 =	sld [smem:$0x3FFB];
	_ =	sdelay $0x3  }
0x98: {  	_ =	strace s17  }
0x99: {  	s3 =	sld [smem:$0x3FFC];
	_ =	sdelay $0x3  }
0x9a: {  	_ =	strace s3  }
0x9b: {  	s3 =	sld [smem:$0x3FFD];
	_ =	sdelay $0x3  }
0x9c: {  	_ =	strace s3  }
0x9d: {  	_ =	strace $0x8FFFFFFF  }
0x9e: {  	s18 =	sld [smem:$0x3FDB];
	_ =	sdelay $0x1  }
0x9f: {  	s19 =	simm.s32 $_scs_section_size  }
0xa0: {  	s5 =	simm.s32 $_size__tile_overlayer_lowered;
	s6 =	simm.s32 $_tile_overlayer_lowered  }
0xa1: {  	s22 =	simm.s32 $0x1BFF;
	s21 =	sshll.u32 s6, $0x1;
	s3 =	sadd.s32 s19, s18  }
0xa2: {  	s7 =	simm.s32 $0x0;
	s20 =	sshll.u32 s5, $0x1;
	s5 =	sadd.s32 s21, s3  }
0xa3: {  	[timem:s7], [sflag:s22] =	dma.local [hbm:s5], s20  }
0xa4: {  	_ =	swait.ge [sflag:s22], s20  }
0xa5: {  	s4 =	ssub.s32 $0x0, s20;
	[sflag:s22] =	ssyncset.done $0x0  }
0xa6: {  	[sflag:s22] =	ssyncadd.s32 s4;
	_ =	sdelay $0x1  }
0xa7: {  	s23 =	simm.s32 $0x1B8B  }
0xa8: {  	_ =	swait.ge [sflag:s23], $0x1  }
0xa9: {  	[sflag:s23] =	ssyncset.done $0x0  }
0xaa: {  	s25 =	simm.s32 $0x1B8E;
	s24 =	sld [smem:$0x3FFE];
	[sflag:s23] =	ssyncadd.s32 $0xFFFFFFFF  }
0xab: {  	s26 =	simm.s32 $execute0_lowered;
	[smem:$0x3FD2] =	sst s25  }
0xac: {  	s5 =	sshll.u32 s26, $0x1;
	_ =	strace $0x80000049;
	[dreg:$0x1] =	wrdreg $0xFFFFFFFF  }
0xad: {  	s28 =	simm.s32 $_size_execute0_lowered;
	s3 =	sadd.s32 s3, s5;
	[dreg:$0x0] =	wrdreg $0x0  }
0xae: {  	s5 =	sshll.u32 s28, $0x1;
	[dreg:$0x2] =	wrdreg s3  }
0xaf: {  	[dreg:$0x3] =	wrdreg s5  }
0xb0: {  	[dreg:$0x4] =	wrdreg $0xC0  }
0xb1: {  	_ =	task [dreg:s7], $0x5FFFF  }
0xb2: {  	[dreg:$0x1] =	wrdreg $0xFFFFFFFF  }
0xb3: {  	[dreg:$0x0] =	wrdreg $0x60  }
0xb4: {  	[dreg:$0x2] =	wrdreg s24  }
0xb5: {  	[dreg:$0x3] =	wrdreg s16  }
0xb6: {  	[dreg:$0x4] =	wrdreg $0xBD000  }
0xb7: {  	[dreg:$0x5] =	wrdreg $0x9  }
0xb8: {  	_ =	task.clear_ibuf [dreg:s7], $0x6FFFF;
	_ =	strace $0x90000049  }
0xb9: {  	s29 =	simm.s32 $0x9;
	_ =	strace $0x8000004B  }
0xba: {  	_ =	swait.ge [sflag:s29], $0x1  }
0xbb: {  	[sflag:s29] =	ssyncadd.s32 $0xFFFFFFFF  }
0xbc: {  	_ =	strace $0x9000004B  }
0xbd: {  	_ =	sfence  }
0xbe: {  	s30 =	sld [smem:$0x0];
	_ =	sdelay $0x2  }
0xbf: {  	s31 =	sshll.u32 s1, $0xD;
	s1 =	sshrl.u32 s1, $0x2  }
0xc0: {  	s3 =	sand.u32 $0x4000, s31;
	s1 =	sadd.s32 s1, s30  }
0xc1: {  	s0 =	sor.u32 s3, s0;
	s1 =	sshll.u32 s1, $0x11  }
0xc2: {  	s0 =	sor.u32 s1, s0  }
0xc3: {  	s0 =	sadd.s32 $0x8F2B, s0  }
0xc4: {  	[sflag:s0] =	ssyncadd.remote.s32 $0x1  }
0xc5: {  	_ =	sfence.sel $0xFFFF  }
0xc6: {  	[dreg:$0x0] =	wrdreg $0xFFFFFFFF;
	(pc) =	sbr.abs _section_cstart, $3  }
0xc7: {  	[dreg:$0x1] =	wrdreg $0xFFFFFFFF  }
0xc8: {  	_ =	task.clear_ibuf [dreg:s7], $0x2FFFF;
	_ =	strace $0x9FFFFFFF  }
0xc9: {  	(tm) =	ssettm $0x7FFFFFFF  }
tec
execute0_lowered:
.L_overlay_start_1:
0x0: {  	(tag) =	ssettag $0x1  }
0x1: {  	s0 =	rddreg [dreg:$0x0]  }
0x2: {  	s3 =	rddreg [dreg:$0x1]  }
0x3: {  	s1 =	rddreg [dreg:$0x2];
	s2 =	simm.s32 $0x0  }
0x4: {  	s4 =	srdreg.scid;
	s14 =	stileid.u32;
	s28 =	simm.s32 $0x3D00  }
0x5: {  	s29 =	simm.s32 $0x5;
	s30 =	simm.s32 $0x3C00;
	s9 =	smul.u32 $0x28, s14  }
0x6: {  	s31 =	simm.s32 $0x80;
	[smem:$0x7FF] =	sst s2;
	s10 =	smul.u32 $0x78, s14  }
0x7: {  	s7 =	sand.u32 $0x1, s4;
	s4 =	sadd.s32 $0xC800, s0;
	s25 =	smul.u32 $0x50000, s14  }
0x8: {  	s5 =	sadd.s32 $0x2800, s0;
	s13 =	smul.u32 $0x780, s14;
	_ =	strace $0x8000004A  }
0x9: {  	s6 =	smul.u32 $0x28000, s7;
	s8 =	ssub.s32 $0x2, s7;
	p0 =	seq.s32 s7, $0x0  }
0xa: {  	s24 =	sshrl.u32 s8, $0x1;
	s11 =	sadd.s32 $0x780, s9;
	s9 =	sshrl.u32 s25, $0x2  }
0xb: {  	s0 =	sadd.s32 s6, s0;
	s8 =	ssub.s32 s8, s24;
	s6 =	simm.s32 $0x78  }
0xc: {  	s12 =	sshll.u32 s11, $0x4;
	s11 =	smov.u32 @p0 s10;
	s9 =	sadd.s32 s9, s1  }
0xd: {  	s6 =	simm.s32 @!p0 $0x28;
	s26 =	sadd.s32 s3, s12;
	s3 =	sadd.s32 s3, s13  }
0xe: {  	s10 =	sshll.u32 s11, $0x4;
	s12 =	smul.u32 $0x280, s14;
	[dreg:$0x5] =	wrdreg s26  }
0xf: {  	s0 =	sadd.s32 $0x33A00, s0;
	s8 =	smax.u32 s8, $0x1;
	[dreg:$0x6] =	wrdreg s3  }
0x10: {  	s13 =	smul.u32 $0x2800, s14;
	s21 =	sadd.s32 $0x4000, s9;
	[dreg:$0x7] =	wrdreg s8  }
0x11: {  	s22 =	sadd.s32 $0x8000, s9;
	s23 =	sadd.s32 $0xC000, s9;
	[dreg:$0x8] =	wrdreg s21  }
0x12: {  	p0 =	sne.s32 s7, $0x0;
	s17 =	sadd.s32 s5, s10;
	[dreg:$0x9] =	wrdreg s22  }
0x13: {  	[dreg:$0xa] =	wrdreg s23;
	s18 =	sshll.u32 s6, $0x7;
	s24 =	sadd.s32 $0x80, s12  }
0x14: {  	s26 =	sadd.s32 $0x100, s12;
	s16 =	sadd.s32 $0x180, s12;
	s14 =	sadd.s32 $0xFFFFFF00, s18  }
0x15: {  	s3 =	sadd.s32 $0x200, s12;
	s10 =	sadd.s32 s13, s0;
	s12 =	simm.s32 $0x2  }
0x16: {  	s13 =	simm.s32 $0x0;
	s25 =	sshll.u32 s24, $0x4;
	s15 =	sshll.u32 s26, $0x4  }
0x17: {  	[dreg:$0x4] =	wrdreg s14;
	s19 =	sshll.u32 s16, $0x4;
	s20 =	sshll.u32 s3, $0x4  }
0x18: {  	[dreg:$0xb] =	wrdreg s10;
	s24 =	sshll.u32 s24, $0x7;
	s3 =	sshll.u32 s3, $0x7  }
0x19: {  	s14 =	sadd.s32 $0x20, s17;
	s21 =	sadd.s32 s25, s0;
	s22 =	sadd.s32 s15, s0  }
0x1a: {  	s23 =	sadd.s32 s19, s0;
	s0 =	sadd.s32 s20, s0;
	[dreg:$0xc] =	wrdreg s21  }
0x1b: {  	s20 =	sadd.s32 $0x10000, s9;
	s25 =	sshll.u32 s26, $0x7;
	[dreg:$0xd] =	wrdreg s22  }
0x1c: {  	s26 =	sshll.u32 s16, $0x7;
	s3 =	sadd.s32 s3, s1;
	[dreg:$0xe] =	wrdreg s23  }
0x1d: {  	s19 =	smov.u32 s17;
	[dreg:$0xf] =	wrdreg s0;
	s0 =	sadd.s32 s24, s1  }
0x1e: {  	s7 =	sadd.s32 s25, s1;
	s8 =	sadd.s32 s26, s1;
	s21 =	sshll.u32 s11, $0x7  }
0x1f: {  	s25 =	sshrl.u32 s3, $0x3;
	s3 =	simm.s32 $0x7D00;
	s11 =	simm.s32 $0x4  }
0x20: {  	s22 =	sshrl.u32 s0, $0x3;
	s23 =	sshrl.u32 s7, $0x3;
	s24 =	sshrl.u32 s8, $0x3  }
0x21: {  	v0 =	vimm.f32 $0.0e+00;
	s0 =	simm.s32 $0x3C80;
	s7 =	simm.s32 $0x3;
	s8 =	simm.s32 $0x1  }
.LBB2_1:
0x22: {  	s10 =	simm.s32 @p0 $0x0;
	s15 =	rddreg [dreg:$0x5]  }
0x23: {  	[tilespmem:s10], [sflag:$0x5] =	stream.linear.gather @p0 [hbm4b:s15+s10], $0x1400, $0x38;
	[tilespmem:$0x1FD00] =	vst v63  }
0x24: {  	s10 =	simm.s32 @p0 $0x5  }
0x25: {  	_ =	swait.ge @p0 [sflag:s10], $0x1400  }
0x26: {  	s16 =	simm.s32 @!p0 $0x5;
	[sflag:s10] =	ssyncset.done @p0 $0x0  }
0x27: {  	s15 =	rddreg [dreg:$0x6];
	[sflag:s10] =	ssyncadd.s32 @p0 $0xFFFFEC00;
	s10 =	simm.s32 @!p0 $0x0  }
0x28: {  	[tilespmem:s10], [sflag:$0x5] =	stream.linear.gather @!p0 [hbm4b:s15+s10], $0x3C00, $0x38;
	[tilespmem:$0x1FD00] =	vst v63  }
0x29: {  	_ =	swait.ge @!p0 [sflag:s16], $0x3C00  }
0x2a: {  	s15 =	simm.s32 @!p0 $0x0;
	[sflag:s16] =	ssyncset.done @!p0 $0x0  }
0x2b: {  	s10 =	simm.s32 @p0 $0x0;
	s15 =	simm.s32 @p0 $0x0;
	[sflag:s16] =	ssyncadd.s32 @!p0 $0xFFFFC400  }
.LBB2_2:
0x2c: {  	p1 =	seq.s32 s10, $0xFFC0  }
.Ltmp0:
0x2d: {  	_ = 	snop;
	(pc) =	sbr.rel @!p1 .LBB2_2-.Ltmp0, $4  }
0x2e: {  	s16 =	sand.u32 $0xFE00, s10  }
0x2f: {  	s17 =	sand.u32 $0x70, s15;
	s16 =	sshrl.u32 s16, $0x2  }
0x30: {  	s16 =	sor.u32 s17, s16  }
0x31: {  	s15 =	sadd.s32 $0x10, s15;
	s10 =	sadd.s32 $0x40, s10;
	[tilespmem:s16+$0x3D00] =	vst v0  }
0x32: {  	[spmem:s9] =	stream.linear.scatter [tilespmem:s28], [sflag:$0x5], $0x4000, $0x38;
	[tilespmem:$0x1FD00] =	vst v63  }
0x33: {  	_ =	swait.ge [sflag:s29], $0x4000  }
0x34: {  	[sflag:s29] =	ssyncset.done $0x0  }
0x35: {  	s10 =	rddreg [dreg:$0x8];
	[sflag:s29] =	ssyncadd.s32 $0xFFFFC000  }
0x36: {  	[spmem:s10] =	stream.linear.scatter [tilespmem:s28], [sflag:$0x5], $0x4000, $0x38;
	[tilespmem:$0x1FD00] =	vst v63  }
0x37: {  	_ =	swait.ge [sflag:s29], $0x4000  }
0x38: {  	[sflag:s29] =	ssyncset.done $0x0  }
0x39: {  	s18 =	rddreg [dreg:$0x9];
	[sflag:s29] =	ssyncadd.s32 $0xFFFFC000  }
0x3a: {  	[spmem:s18] =	stream.linear.scatter [tilespmem:s28], [sflag:$0x5], $0x4000, $0x38;
	[tilespmem:$0x1FD00] =	vst v63  }
0x3b: {  	_ =	swait.ge [sflag:s29], $0x4000  }
0x3c: {  	[sflag:s29] =	ssyncset.done $0x0  }
0x3d: {  	s26 =	rddreg [dreg:$0xa];
	[sflag:s29] =	ssyncadd.s32 $0xFFFFC000  }
0x3e: {  	[spmem:s26] =	stream.linear.scatter [tilespmem:s28], [sflag:$0x5], $0x4000, $0x38;
	[tilespmem:$0x1FD00] =	vst v63  }
0x3f: {  	_ =	swait.ge [sflag:s29], $0x4000  }
0x40: {  	[sflag:s29] =	ssyncset.done $0x0  }
0x41: {  	[sflag:s29] =	ssyncadd.s32 $0xFFFFC000  }
0x42: {  	[spmem:s20] =	stream.linear.scatter [tilespmem:s28], [sflag:$0x5], $0x4000, $0x38;
	[tilespmem:$0x1FD00] =	vst v63  }
0x43: {  	_ =	swait.ge [sflag:s29], $0x4000  }
0x44: {  	[sflag:s29] =	ssyncset.done $0x0  }
0x45: {  	[sflag:s29] =	ssyncadd.s32 $0xFFFFC000  }
0x46: {  	s15 =	simm.s32 $0x0;
	[bflag:$0x0] =	sbarrier.arrive $0xFFFF  }
0x47: {  	[tilespmem:s30], [sflag:$0x3] =	stream.linear.gather [hbm4b:s19+s15], $0x80, $0x38;
	[tilespmem:$0x1FD00] =	vst v63  }
0x48: {  	s17 =	simm.s32 $0x100;
	s10 =	simm.s32 $0x2;
	s26 =	smov.u32 s14  }
0x49: {  	[tilespmem:s28], [sflag:$0x1] =	stream.indirect.gather [hbm4b:s4+s31], $0x80, s15, s31, $0xb8;
	[tilespmem:$0x1FD00] =	vst v63  }
.LBB2_4:
0x4a: {  	s16 =	sadd.s32 s15, s21  }
0x4b: {  	s18 =	sand.u32 $0x300, s15;
	s16 =	sand.u32 $0xFFFFFC00, s16  }
0x4c: {  	s16 =	sor.u32 s16, s18  }
0x4d: {  	s16 =	sshrl.u32 s16, $0x3  }
0x4e: {  	s16 =	sadd.s32 s16, s5  }
0x4f: {  	s18 =	sadd.s32 $0x10, s16  }
0x50: {  	[tilespmem:s0], [sflag:$0x4] =	stream.linear.gather [hbm4b:s18+s2], $0x80, $0x38;
	[tilespmem:$0x1FD00] =	vst v63  }
0x51: {  	s18 =	sadd.s32 $0xFFFFFF80, s17  }
0x52: {  	[tilespmem:s3], [sflag:$0x2] =	stream.indirect.gather [hbm4b:s4+s31], $0x80, s18, s31, $0xb8;
	[tilespmem:$0x1FD00] =	vst v63  }
0x53: {  	_ =	swait.ge [sflag:s7], $0x80  }
0x54: {  	[sflag:s7] =	ssyncset.done $0x0  }
0x55: {  	[sflag:s7] =	ssyncadd.s32 $0xFFFFFF80  }
0x56: {  	_ =	swait.ge [sflag:s8], $0x4000  }
0x57: {  	[sflag:s8] =	ssyncset.done $0x0  }
0x58: {  	[sflag:s8] =	ssyncadd.s32 $0xFFFFC000  }
0x59: {  	[spmem:s1] =	stream.indirect.scatter.add.f32 [tilespmem:s28], [sflag:$0x5], $0x80, s30, s31, $0xb8;
	[tilespmem:$0x1FD00] =	vst v63  }
0x5a: {  	_ =	swait.ge [sflag:s29], $0x4000  }
0x5b: {  	p1 =	sge.u32 s10, s6;
	s16 =	smov.u32 s17;
	[sflag:s29] =	ssyncset.done $0x0  }
0x5c: {  	s17 =	simm.s32 @!p1 $0x0;
	s18 =	simm.s32 @!p1 $0x3C00;
	[sflag:s29] =	ssyncadd.s32 $0xFFFFC000  }
0x5d: {  	[tilespmem:s18], [sflag:$0x3] =	stream.linear.gather @!p1 [hbm4b:s26+s17], $0x80, $0x38;
	[tilespmem:$0x1FD00] =	vst v63  }
0x5e: {  	s17 =	simm.s32 @!p1 $0x80;
	s18 =	simm.s32 @!p1 $0x3D00  }
0x5f: {  	[tilespmem:s18], [sflag:$0x1] =	stream.indirect.gather @!p1 [hbm4b:s4+s17], $0x80, s16, s17, $0xb8;
	[tilespmem:$0x1FD00] =	vst v63  }
0x60: {  	_ =	swait.ge [sflag:s11], $0x80  }
0x61: {  	[sflag:s11] =	ssyncset.done $0x0  }
0x62: {  	[sflag:s11] =	ssyncadd.s32 $0xFFFFFF80  }
0x63: {  	_ =	swait.ge [sflag:s12], $0x4000  }
0x64: {  	[sflag:s12] =	ssyncset.done $0x0  }
0x65: {  	[sflag:s12] =	ssyncadd.s32 $0xFFFFC000  }
0x66: {  	[spmem:s1] =	stream.indirect.scatter.add.f32 [tilespmem:s3], [sflag:$0x5], $0x80, s0, s31, $0xb8;
	[tilespmem:$0x1FD00] =	vst v63  }
0x67: {  	_ =	swait.ge [sflag:s29], $0x4000  }
0x68: {  	s15 =	sadd.s32 $0x100, s15;
	s18 =	rddreg [dreg:$0x4]  }
0x69: {  	p1 =	sne.s32 s18, s15  }
.Ltmp1:
0x6a: {  	_ = 	snop;
	(pc) =	sbr.rel @p1 .LBB2_4-.Ltmp1, $3  }
0x6b: {  	_ =	sdelay $0x1  }
0x6c: {  	s10 =	sadd.s32 $0x2, s10;
	[sflag:s29] =	ssyncset.done $0x0  }
0x6d: {  	s26 =	sadd.s32 $0x20, s26;
	s17 =	sadd.s32 $0x100, s16;
	[sflag:s29] =	ssyncadd.s32 $0xFFFFC000  }
0x6e: {  	s18 =	sadd.s32 s15, s21  }
0x6f: {  	s15 =	sand.u32 $0x300, s15;
	s18 =	sand.u32 $0x7FFFFC00, s18  }
0x70: {  	s15 =	sor.u32 s18, s15  }
0x71: {  	s15 =	sshrl.u32 s15, $0x3  }
0x72: {  	s15 =	sadd.s32 s15, s5  }
0x73: {  	s15 =	sadd.s32 $0x10, s15  }
0x74: {  	[tilespmem:s0], [sflag:$0x4] =	stream.linear.gather [hbm4b:s15+s2], $0x80, $0x38;
	[tilespmem:$0x1FD00] =	vst v63  }
0x75: {  	s18 =	sadd.s32 $0x80, s16  }
0x76: {  	[tilespmem:s3], [sflag:$0x2] =	stream.indirect.gather [hbm4b:s4+s31], $0x80, s18, s31, $0xb8;
	[tilespmem:$0x1FD00] =	vst v63  }
0x77: {  	_ =	swait.ge [sflag:s7], $0x80  }
0x78: {  	[sflag:s7] =	ssyncset.done $0x0  }
0x79: {  	[sflag:s7] =	ssyncadd.s32 $0xFFFFFF80  }
0x7a: {  	_ =	swait.ge [sflag:s8], $0x4000  }
0x7b: {  	[sflag:s8] =	ssyncset.done $0x0  }
0x7c: {  	[sflag:s8] =	ssyncadd.s32 $0xFFFFC000  }
0x7d: {  	[spmem:s1] =	stream.indirect.scatter.add.f32 [tilespmem:s28], [sflag:$0x5], $0x80, s30, s31, $0xb8;
	[tilespmem:$0x1FD00] =	vst v63  }
0x7e: {  	_ =	swait.ge [sflag:s29], $0x4000  }
0x7f: {  	p1 =	sge.u32 s10, s6;
	[sflag:s29] =	ssyncset.done $0x0  }
0x80: {  	s10 =	simm.s32 @!p1 $0x0;
	s15 =	simm.s32 @!p1 $0x3C00;
	[sflag:s29] =	ssyncadd.s32 $0xFFFFC000  }
0x81: {  	[tilespmem:s15], [sflag:$0x3] =	stream.linear.gather @!p1 [hbm4b:s26+s10], $0x80, $0x38;
	[tilespmem:$0x1FD00] =	vst v63  }
0x82: {  	s10 =	simm.s32 @!p1 $0x80;
	s15 =	simm.s32 @!p1 $0x3D00  }
0x83: {  	[tilespmem:s15], [sflag:$0x1] =	stream.indirect.gather @!p1 [hbm4b:s4+s10], $0x80, s17, s10, $0xb8;
	[tilespmem:$0x1FD00] =	vst v63  }
0x84: {  	_ =	swait.ge [sflag:s11], $0x80  }
0x85: {  	[sflag:s11] =	ssyncset.done $0x0  }
0x86: {  	[sflag:s11] =	ssyncadd.s32 $0xFFFFFF80  }
0x87: {  	_ =	swait.ge [sflag:s12], $0x4000  }
0x88: {  	[sflag:s12] =	ssyncset.done $0x0  }
0x89: {  	[sflag:s12] =	ssyncadd.s32 $0xFFFFC000  }
0x8a: {  	[spmem:s1] =	stream.indirect.scatter.add.f32 [tilespmem:s3], [sflag:$0x5], $0x80, s0, s31, $0xb8;
	[tilespmem:$0x1FD00] =	vst v63  }
0x8b: {  	_ =	swait.ge [sflag:s29], $0x4000  }
0x8c: {  	[sflag:s29] =	ssyncset.done $0x0  }
0x8d: {  	s16 =	stileid.u32;
	[sflag:s29] =	ssyncadd.s32 $0xFFFFC000  }
0x8e: {  	s10 =	sshll.u32 s16, $0x6;
	[bflag:$0x0] =	sbarrier.arrive $0xFFFF  }
0x8f: {  	s17 =	sshrl.u32 s9, $0x3;
	s10 =	sor.u32 $0x1C05, s10;
	s18 =	rddreg [dreg:$0xb]  }
0x90: {  	[hbm:s18], [sflag:s10] =	dma.local [spmem:s17], $0x800  }
0x91: {  	_ =	swait.ge [sflag:s29], $0x800  }
0x92: {  	[sflag:s29] =	ssyncset.done $0x0  }
0x93: {  	s26 =	rddreg [dreg:$0xc];
	[sflag:s29] =	ssyncadd.s32 $0xFFFFF800  }
0x94: {  	[hbm:s26], [sflag:s10] =	dma.local [spmem:s22], $0x800  }
0x95: {  	_ =	swait.ge [sflag:s29], $0x800  }
0x96: {  	[sflag:s29] =	ssyncset.done $0x0  }
0x97: {  	s16 =	rddreg [dreg:$0xd];
	[sflag:s29] =	ssyncadd.s32 $0xFFFFF800  }
0x98: {  	[hbm:s16], [sflag:s10] =	dma.local [spmem:s23], $0x800  }
0x99: {  	_ =	swait.ge [sflag:s29], $0x800  }
0x9a: {  	[sflag:s29] =	ssyncset.done $0x0  }
0x9b: {  	s17 =	rddreg [dreg:$0xe];
	[sflag:s29] =	ssyncadd.s32 $0xFFFFF800  }
0x9c: {  	[hbm:s17], [sflag:s10] =	dma.local [spmem:s24], $0x800  }
0x9d: {  	_ =	swait.ge [sflag:s29], $0x800  }
0x9e: {  	[sflag:s29] =	ssyncset.done $0x0  }
0x9f: {  	s18 =	rddreg [dreg:$0xf];
	[sflag:s29] =	ssyncadd.s32 $0xFFFFF800  }
0xa0: {  	[hbm:s18], [sflag:s10] =	dma.local [spmem:s25], $0x800  }
0xa1: {  	_ =	swait.ge [sflag:s29], $0x800  }
0xa2: {  	s13 =	sadd.s32 $0x1, s13;
	s26 =	rddreg [dreg:$0x7]  }
0xa3: {  	p1 =	sne.s32 s13, s26  }
.Ltmp2:
0xa4: {  	_ = 	snop;
	(pc) =	sbr.rel @p1 .LBB2_1-.Ltmp2, $3  }
0xa5: {  	_ =	sdelay $0x1  }
0xa6: {  	[sflag:s29] =	ssyncset.done $0x0  }
0xa7: {  	[sflag:s29] =	ssyncadd.s32 $0xFFFFF800  }
0xa8: {  	_ =	sfence.sel $0x180000  }
0xa9: {  	[bflag:$0x0] =	sbarrier.arrive $0xFFFF  }
0xaa: {  	_ =	strace $0x9000004A  }
0xab: {  	s0 =	stileid.u32;
	[bflag:$0x2] =	sbarrier.arrive $0xFFFF  }
0xac: {  	p0 =	sne.s32 s0, $0x0;
	s0 =	rddreg [dreg:$0x3]  }
0xad: {  	s0 =	sadd.s32 @!p0 $0x100000, s0  }
0xae: {  	[sflag:s0] =	ssyncadd.tile.s32 @!p0 $0x1;
	_ =	shalt  }
.Lfunc_end2:
_tile_overlayer_lowered:
.L_overlay_start_2:
0xaf: {  	(tag) =	ssettag $0x2  }
0xb0: {  	s0 =	rddreg [dreg:$0x0];
	s2 =	stileid.u32  }
0xb1: {  	s1 =	rddreg [dreg:$0x1];
	p0 =	sne.s32 s2, $0x0  }
0xb2: {  	s3 =	rddreg [dreg:$0x2];
	[bflag:$0x3] =	sbarrier.arrive $0xFFFF;
	s2 =	simm.s32 @!p0 $0x1C05  }
0xb3: {  	[timem:s3], [sflag:s2] =	dma.local @!p0 [hbm:s0], s1  }
0xb4: {  	s0 =	simm.s32 @!p0 $0x5  }
0xb5: {  	_ =	swait.ge @!p0 [sflag:s0], s1  }
0xb6: {  	s1 =	ssub.s32 @!p0 $0x0, s1;
	[sflag:s0] =	ssyncset.done @!p0 $0x0  }
0xb7: {  	[sflag:s0] =	ssyncadd.s32 @!p0 s1  }
0xb8: {  	[bflag:$0x3] =	sbarrier.arrive $0xFFFF  }
0xb9: {  	_ =	shalt  }

// kernel: run.16.cloned.1.call-start
scs
__scs_entry_jumppad:
0x0: {  	(pc) =	sbr.rel $0x88, $3  }
0x1: {  	(tag) =	ssettag $0x0;
	lr =	simm.s32 $0x1  }
0x2: {  	[smem:$0x3F9A] =	sst lr;
	_ =	strace $0xD0000000  }
0x3: {  	_ = 	snop  }
0x4: {  	_ = 	snop  }
0x5: {  	_ = 	snop  }
0x6: {  	_ = 	snop  }
0x7: {  	_ = 	snop  }
__scs_overlays_trampoline_lowered:
0x8: {  	[smem:$0x3FA9] =	sst s0  }
0x9: {  	[smem:$0x3FAA] =	sst s1  }
0xa: {  	[smem:$0x3FAB] =	sst s2  }
0xb: {  	[smem:$0x3FAC] =	sst s3  }
0xc: {  	[smem:$0x3FAD] =	sst s4  }
0xd: {  	[smem:$0x3FAE] =	sst s5  }
0xe: {  	[smem:$0x3FAF] =	sst s6  }
0xf: {  	[smem:$0x3FB0] =	sst s7  }
0x10: {  	[smem:$0x3FB1] =	sst s8  }
0x11: {  	[smem:$0x3FB2] =	sst s9;
	s0 =	simm.s32 @!p0 $0x0  }
0x12: {  	s1 =	sld [smem:$0x3F98];
	s0 =	simm.s32 @p0 $0x1  }
0x13: {  	[smem:$0x3FB3] =	sst s0;
	s0 =	simm.s32 @!p1 $0x0  }
0x14: {  	s2 =	sld [smem:$0x3F97];
	s0 =	simm.s32 @p1 $0x1  }
0x15: {  	[smem:$0x3FB4] =	sst s0;
	s0 =	simm.s32 @!p2 $0x0  }
0x16: {  	s3 =	sld [smem:$0x3FDB];
	s0 =	simm.s32 @p2 $0x1  }
0x17: {  	s4 =	simm.s32 $0x1BF5;
	[smem:$0x3FB6] =	sst s0  }
0x18: {  	s0 =	sld [smem:$0x3F99];
	_ =	swait.ge [sflag:s4], $0x0  }
0x19: {  	s7 =	sld [smem:$0x3F9A]  }
0x1a: {  	s8 =	sadd.s32 $0xFFFFE003, lr  }
0x1b: {  	s9 =	sadd.s32 $0xFFFFFEF7, lr;
	s5 =	simm.s32 $0xFFFFFFFF;
	p2 =	slt.u32 s8, $0xFFFFF086  }
0x1c: {  	p1 =	slt.u32 s9, $0xF7A;
	s5 =	simm.s32 @!p2 $0x0  }
0x1d: {  	s5 =	simm.s32 @p1 $0x1;
	p0 =	seq.s32 s7, s2  }
0x1e: {  	s7 =	smul.u32 @!p0 $0xF7A, s2;
	p2 =	seq.s32 @!p0 s5, $0x0  }
0x1f: {  	s9 =	smul.u32 $0xF7A, s1;
	s8 =	simm.s32 @!p0 $0x1BF5;
	p2 =	por !p2, p0  }
0x20: {  	[sflag:s8] =	ssyncset.s32 @!p0 $0xFFFFF086;
	s6 =	sadd.s32 @!p0 s3, s7;
	s7 =	simm.s32 @!p0 $0x108  }
0x21: {  	s3 =	sadd.s32 s3, s9;
	s6 =	sadd.s32 @!p0 $0x88, s6;
	s7 =	simm.s32 @p2 $0x1082  }
0x22: {  	[simem:s7], [sflag:s8] =	dma.local @!p0 [hbm:s6], $0xF7A  }
0x23: {  	s9 =	sor.u32 $0xD0000000, s2;
	s6 =	simm.s32 $0x108;
	_ =	swait.ge @!p0 [sflag:s8], $0x0  }
0x24: {  	s3 =	sadd.s32 $0x88, s3;
	s6 =	simm.s32 @!p1 $0x1082;
	[sflag:s4] =	ssyncset.s32 $0xFFFFF086  }
0x25: {  	[simem:s6], [sflag:s4] =	dma.local [hbm:s3], $0xF7A  }
0x26: {  	[smem:$0x3F9A] =	sst s1;
	(tag) =	ssettag s2;
	_ =	strace s9  }
0x27: {  	s1 =	sld [smem:$0x3FAA]  }
0x28: {  	s2 =	sld [smem:$0x3FAB]  }
0x29: {  	s4 =	sld [smem:$0x3FAD]  }
0x2a: {  	p0 =	seq.s32 s5, $0x0;
	s5 =	sld [smem:$0x3FAE]  }
0x2b: {  	s6 =	sld [smem:$0x3FAF]  }
0x2c: {  	s7 =	sld [smem:$0x3FB0]  }
0x2d: {  	s3 =	simm.s32 $0x108;
	s8 =	sld [smem:$0x3FB1]  }
0x2e: {  	s3 =	simm.s32 @!p0 $0x1082;
	s9 =	sld [smem:$0x3FB2]  }
0x2f: {  	lr =	sadd.s32 s0, s3;
	s0 =	sld [smem:$0x3FA9]  }
0x30: {  	s3 =	sld [smem:$0x3FAC]  }
0x31: {  	[smem:$0x3FB5] =	sst s10  }
0x32: {  	s10 =	sld [smem:$0x3FB3];
	_ =	sdelay $0x3  }
0x33: {  	p0 =	seq.s32 s10, $0x1;
	s10 =	sld [smem:$0x3FB5];
	_ =	sdelay $0x3  }
0x34: {  	[smem:$0x3FB5] =	sst s10  }
0x35: {  	s10 =	sld [smem:$0x3FB4];
	_ =	sdelay $0x3  }
0x36: {  	p1 =	seq.s32 s10, $0x1;
	s10 =	sld [smem:$0x3FB5];
	_ =	sdelay $0x3  }
0x37: {  	[smem:$0x3FB5] =	sst s10  }
0x38: {  	s10 =	sld [smem:$0x3FB6]  }
0x39: {  	_ = 	snop;
	(pc) =	sbr.ind lr, $3  }
0x3a: {  	_ = 	snop  }
0x3b: {  	_ = 	snop  }
0x3c: {  	p2 =	seq.s32 s10, $0x1;
	s10 =	sld [smem:$0x3FB5]  }
0x3d: {  	_ =	shalt  }
0x3e: {  	_ =	shalt  }
0x3f: {  	_ =	shalt  }
0x40: {  	_ =	shalt  }
0x41: {  	_ =	shalt  }
0x42: {  	_ =	shalt  }
0x43: {  	_ =	shalt  }
0x44: {  	_ =	shalt  }
0x45: {  	_ =	shalt  }
0x46: {  	_ =	shalt  }
0x47: {  	_ =	shalt  }
0x48: {  	_ =	shalt  }
0x49: {  	_ =	shalt  }
0x4a: {  	_ =	shalt  }
0x4b: {  	_ =	shalt  }
0x4c: {  	_ =	shalt  }
0x4d: {  	_ =	shalt  }
0x4e: {  	_ =	shalt  }
0x4f: {  	_ =	shalt  }
0x50: {  	_ =	shalt  }
0x51: {  	_ =	shalt  }
0x52: {  	_ =	shalt  }
0x53: {  	_ =	shalt  }
0x54: {  	_ =	shalt  }
0x55: {  	_ =	shalt  }
0x56: {  	_ =	shalt  }
0x57: {  	_ =	shalt  }
0x58: {  	_ =	shalt  }
0x59: {  	_ =	shalt  }
0x5a: {  	_ =	shalt  }
0x5b: {  	_ =	shalt  }
0x5c: {  	_ =	shalt  }
0x5d: {  	_ =	shalt  }
0x5e: {  	_ =	shalt  }
0x5f: {  	_ =	shalt  }
0x60: {  	_ =	shalt  }
0x61: {  	_ =	shalt  }
0x62: {  	_ =	shalt  }
0x63: {  	_ =	shalt  }
0x64: {  	_ =	shalt  }
0x65: {  	_ =	shalt  }
0x66: {  	_ =	shalt  }
0x67: {  	_ =	shalt  }
0x68: {  	_ =	shalt  }
0x69: {  	_ =	shalt  }
0x6a: {  	_ =	shalt  }
0x6b: {  	_ =	shalt  }
0x6c: {  	_ =	shalt  }
0x6d: {  	_ =	shalt  }
0x6e: {  	_ =	shalt  }
0x6f: {  	_ =	shalt  }
0x70: {  	_ =	shalt  }
0x71: {  	_ =	shalt  }
0x72: {  	_ =	shalt  }
0x73: {  	_ =	shalt  }
0x74: {  	_ =	shalt  }
0x75: {  	_ =	shalt  }
0x76: {  	_ =	shalt  }
0x77: {  	_ =	shalt  }
0x78: {  	_ =	shalt  }
0x79: {  	_ =	shalt  }
0x7a: {  	_ =	shalt  }
0x7b: {  	_ =	shalt  }
0x7c: {  	_ =	shalt  }
0x7d: {  	_ =	shalt  }
0x7e: {  	_ =	shalt  }
0x7f: {  	_ =	shalt  }
0x80: {  	_ =	shalt  }
0x81: {  	_ =	shalt  }
0x82: {  	_ =	shalt  }
0x83: {  	_ =	shalt  }
0x84: {  	_ =	shalt  }
0x85: {  	_ =	shalt  }
0x86: {  	_ =	shalt  }
0x87: {  	_ =	shalt  }
.Lfunc_end0:
.L_simem_size_0:
called_computation.2_lowered:
.L_overlay_start_0:
0x88: {  	s2 =	sld [smem:$0x3FD9]  }
0x89: {  	s3 =	sld [smem:$0x3FFE];
	_ =	sdelay $0x1  }
0x8a: {  	s1 =	srdreg.scid  }
0x8b: {  	s0 =	sand.u32 $0x1, s1  }
0x8c: {  	s14 =	sshll.u32 s0, $0xA;
	s2 =	sadd.s32 s3, s2  }
0x8d: {  	s2 =	sadd.s32 s2, s14  }
0x8e: {  	[smem:$0x3FC1] =	sst s2  }
0x8f: {  	_ = 	snop  }
0x90: {  	s2 =	sld [smem:$0x3FD0];
	_ =	sdelay $0x2  }
0x91: {  	s15 =	simm.s32 $0xA;
	s4 =	simm.s32 $0x10  }
0x92: {  	[smem:s4], [sflag:s15] =	dma.local [hbm:s2], $0x1  }
0x93: {  	_ =	swait.eq [sflag:s15], $0x1  }
0x94: {  	[sflag:s15] =	ssyncset.done $0x0  }
0x95: {  	[sflag:s15] =	ssyncadd.s32 $0xFFFFFFFF  }
0x96: {  	s16 =	sld [smem:$0x11];
	(tm) =	ssettm $0x1  }
0x97: {  	s17 =	sld [smem:$0x3FFB];
	_ =	sdelay $0x3  }
0x98: {  	_ =	strace s17  }
0x99: {  	s3 =	sld [smem:$0x3FFC];
	_ =	sdelay $0x3  }
0x9a: {  	_ =	strace s3  }
0x9b: {  	s3 =	sld [smem:$0x3FFD];
	_ =	sdelay $0x3  }
0x9c: {  	_ =	strace s3  }
0x9d: {  	_ =	strace $0x8FFFFFFF  }
0x9e: {  	s18 =	sld [smem:$0x3FDB];
	_ =	sdelay $0x1  }
0x9f: {  	s19 =	simm.s32 $_scs_section_size  }
0xa0: {  	s5 =	simm.s32 $_size__tile_overlayer_lowered;
	s6 =	simm.s32 $_tile_overlayer_lowered  }
0xa1: {  	s22 =	simm.s32 $0x1BFF;
	s21 =	sshll.u32 s6, $0x1;
	s3 =	sadd.s32 s19, s18  }
0xa2: {  	s7 =	simm.s32 $0x0;
	s20 =	sshll.u32 s5, $0x1;
	s5 =	sadd.s32 s21, s3  }
0xa3: {  	[timem:s7], [sflag:s22] =	dma.local [hbm:s5], s20  }
0xa4: {  	_ =	swait.ge [sflag:s22], s20  }
0xa5: {  	s4 =	ssub.s32 $0x0, s20;
	[sflag:s22] =	ssyncset.done $0x0  }
0xa6: {  	[sflag:s22] =	ssyncadd.s32 s4;
	_ =	sdelay $0x1  }
0xa7: {  	s23 =	simm.s32 $0x1B8B  }
0xa8: {  	_ =	swait.ge [sflag:s23], $0x1  }
0xa9: {  	[sflag:s23] =	ssyncset.done $0x0  }
0xaa: {  	s25 =	simm.s32 $0x1B8E;
	s24 =	sld [smem:$0x3FFE];
	[sflag:s23] =	ssyncadd.s32 $0xFFFFFFFF  }
0xab: {  	s26 =	simm.s32 $execute0_lowered;
	[smem:$0x3FD2] =	sst s25  }
0xac: {  	s5 =	sshll.u32 s26, $0x1;
	_ =	strace $0x8000004C;
	[dreg:$0x1] =	wrdreg $0xFFFFFFFF  }
0xad: {  	s28 =	simm.s32 $_size_execute0_lowered;
	s3 =	sadd.s32 s3, s5;
	[dreg:$0x0] =	wrdreg $0x0  }
0xae: {  	s5 =	sshll.u32 s28, $0x1;
	[dreg:$0x2] =	wrdreg s3  }
0xaf: {  	[dreg:$0x3] =	wrdreg s5  }
0xb0: {  	[dreg:$0x4] =	wrdreg $0xC0  }
0xb1: {  	_ =	task [dreg:s7], $0x5FFFF  }
0xb2: {  	[dreg:$0x1] =	wrdreg $0xFFFFFFFF  }
0xb3: {  	[dreg:$0x0] =	wrdreg $0x60  }
0xb4: {  	[dreg:$0x2] =	wrdreg s24  }
0xb5: {  	[dreg:$0x3] =	wrdreg s16  }
0xb6: {  	[dreg:$0x4] =	wrdreg $0xBD000  }
0xb7: {  	[dreg:$0x5] =	wrdreg $0x9  }
0xb8: {  	_ =	task.clear_ibuf [dreg:s7], $0x6FFFF;
	_ =	strace $0x9000004C  }
0xb9: {  	s29 =	simm.s32 $0x9;
	_ =	strace $0x8000004E  }
0xba: {  	_ =	swait.ge [sflag:s29], $0x1  }
0xbb: {  	[sflag:s29] =	ssyncadd.s32 $0xFFFFFFFF  }
0xbc: {  	_ =	strace $0x9000004E  }
0xbd: {  	_ =	sfence  }
0xbe: {  	s30 =	sld [smem:$0x0];
	_ =	sdelay $0x2  }
0xbf: {  	s31 =	sshll.u32 s1, $0xD;
	s1 =	sshrl.u32 s1, $0x2  }
0xc0: {  	s3 =	sand.u32 $0x4000, s31;
	s1 =	sadd.s32 s1, s30  }
0xc1: {  	s0 =	sor.u32 s3, s0;
	s1 =	sshll.u32 s1, $0x11  }
0xc2: {  	s0 =	sor.u32 s1, s0  }
0xc3: {  	s0 =	sadd.s32 $0x8F2B, s0  }
0xc4: {  	[sflag:s0] =	ssyncadd.remote.s32 $0x1  }
0xc5: {  	_ =	sfence.sel $0xFFFF  }
0xc6: {  	[dreg:$0x0] =	wrdreg $0xFFFFFFFF;
	(pc) =	sbr.abs _section_cstart, $3  }
0xc7: {  	[dreg:$0x1] =	wrdreg $0xFFFFFFFF  }
0xc8: {  	_ =	task.clear_ibuf [dreg:s7], $0x2FFFF;
	_ =	strace $0x9FFFFFFF  }
0xc9: {  	(tm) =	ssettm $0x7FFFFFFF  }
tec
execute0_lowered:
.L_overlay_start_1:
0x0: {  	(tag) =	ssettag $0x1  }
0x1: {  	s0 =	rddreg [dreg:$0x0]  }
0x2: {  	s3 =	rddreg [dreg:$0x1]  }
0x3: {  	s1 =	rddreg [dreg:$0x2];
	s2 =	simm.s32 $0x0  }
0x4: {  	s4 =	srdreg.scid;
	s14 =	stileid.u32;
	s28 =	simm.s32 $0x3D00  }
0x5: {  	s29 =	simm.s32 $0x5;
	s30 =	simm.s32 $0x3C00;
	s9 =	smul.u32 $0x28, s14  }
0x6: {  	s31 =	simm.s32 $0x80;
	[smem:$0x7FF] =	sst s2;
	s10 =	smul.u32 $0x78, s14  }
0x7: {  	s7 =	sand.u32 $0x1, s4;
	s4 =	sadd.s32 $0xC800, s0;
	s25 =	smul.u32 $0x50000, s14  }
0x8: {  	s5 =	sadd.s32 $0x2800, s0;
	s13 =	smul.u32 $0x780, s14;
	_ =	strace $0x8000004D  }
0x9: {  	s6 =	smul.u32 $0x28000, s7;
	s8 =	ssub.s32 $0x2, s7;
	p0 =	seq.s32 s7, $0x0  }
0xa: {  	s24 =	sshrl.u32 s8, $0x1;
	s11 =	sadd.s32 $0x780, s9;
	s9 =	sshrl.u32 s25, $0x2  }
0xb: {  	s0 =	sadd.s32 s6, s0;
	s8 =	ssub.s32 s8, s24;
	s6 =	simm.s32 $0x78  }
0xc: {  	s12 =	sshll.u32 s11, $0x4;
	s11 =	smov.u32 @p0 s10;
	s9 =	sadd.s32 s9, s1  }
0xd: {  	s6 =	simm.s32 @!p0 $0x28;
	s26 =	sadd.s32 s3, s12;
	s3 =	sadd.s32 s3, s13  }
0xe: {  	s10 =	sshll.u32 s11, $0x4;
	s12 =	smul.u32 $0x280, s14;
	[dreg:$0x5] =	wrdreg s26  }
0xf: {  	s0 =	sadd.s32 $0x33A00, s0;
	s8 =	smax.u32 s8, $0x1;
	[dreg:$0x6] =	wrdreg s3  }
0x10: {  	s13 =	smul.u32 $0x2800, s14;
	s21 =	sadd.s32 $0x4000, s9;
	[dreg:$0x7] =	wrdreg s8  }
0x11: {  	s22 =	sadd.s32 $0x8000, s9;
	s23 =	sadd.s32 $0xC000, s9;
	[dreg:$0x8] =	wrdreg s21  }
0x12: {  	p0 =	sne.s32 s7, $0x0;
	s17 =	sadd.s32 s5, s10;
	[dreg:$0x9] =	wrdreg s22  }
0x13: {  	[dreg:$0xa] =	wrdreg s23;
	s18 =	sshll.u32 s6, $0x7;
	s24 =	sadd.s32 $0x80, s12  }
0x14: {  	s26 =	sadd.s32 $0x100, s12;
	s16 =	sadd.s32 $0x180, s12;
	s14 =	sadd.s32 $0xFFFFFF00, s18  }
0x15: {  	s3 =	sadd.s32 $0x200, s12;
	s10 =	sadd.s32 s13, s0;
	s12 =	simm.s32 $0x2  }
0x16: {  	s13 =	simm.s32 $0x0;
	s25 =	sshll.u32 s24, $0x4;
	s15 =	sshll.u32 s26, $0x4  }
0x17: {  	[dreg:$0x4] =	wrdreg s14;
	s19 =	sshll.u32 s16, $0x4;
	s20 =	sshll.u32 s3, $0x4  }
0x18: {  	[dreg:$0xb] =	wrdreg s10;
	s24 =	sshll.u32 s24, $0x7;
	s3 =	sshll.u32 s3, $0x7  }
0x19: {  	s14 =	sadd.s32 $0x20, s17;
	s21 =	sadd.s32 s25, s0;
	s22 =	sadd.s32 s15, s0  }
0x1a: {  	s23 =	sadd.s32 s19, s0;
	s0 =	sadd.s32 s20, s0;
	[dreg:$0xc] =	wrdreg s21  }
0x1b: {  	s20 =	sadd.s32 $0x10000, s9;
	s25 =	sshll.u32 s26, $0x7;
	[dreg:$0xd] =	wrdreg s22  }
0x1c: {  	s26 =	sshll.u32 s16, $0x7;
	s3 =	sadd.s32 s3, s1;
	[dreg:$0xe] =	wrdreg s23  }
0x1d: {  	s19 =	smov.u32 s17;
	[dreg:$0xf] =	wrdreg s0;
	s0 =	sadd.s32 s24, s1  }
0x1e: {  	s7 =	sadd.s32 s25, s1;
	s8 =	sadd.s32 s26, s1;
	s21 =	sshll.u32 s11, $0x7  }
0x1f: {  	s25 =	sshrl.u32 s3, $0x3;
	s3 =	simm.s32 $0x7D00;
	s11 =	simm.s32 $0x4  }
0x20: {  	s22 =	sshrl.u32 s0, $0x3;
	s23 =	sshrl.u32 s7, $0x3;
	s24 =	sshrl.u32 s8, $0x3  }
0x21: {  	v0 =	vimm.f32 $0.0e+00;
	s0 =	simm.s32 $0x3C80;
	s7 =	simm.s32 $0x3;
	s8 =	simm.s32 $0x1  }
.LBB2_1:
0x22: {  	s10 =	simm.s32 @p0 $0x0;
	s15 =	rddreg [dreg:$0x5]  }
0x23: {  	[tilespmem:s10], [sflag:$0x5] =	stream.linear.gather @p0 [hbm4b:s15+s10], $0x1400, $0x38;
	[tilespmem:$0x1FD00] =	vst v63  }
0x24: {  	s10 =	simm.s32 @p0 $0x5  }
0x25: {  	_ =	swait.ge @p0 [sflag:s10], $0x1400  }
0x26: {  	s16 =	simm.s32 @!p0 $0x5;
	[sflag:s10] =	ssyncset.done @p0 $0x0  }
0x27: {  	s15 =	rddreg [dreg:$0x6];
	[sflag:s10] =	ssyncadd.s32 @p0 $0xFFFFEC00;
	s10 =	simm.s32 @!p0 $0x0  }
0x28: {  	[tilespmem:s10], [sflag:$0x5] =	stream.linear.gather @!p0 [hbm4b:s15+s10], $0x3C00, $0x38;
	[tilespmem:$0x1FD00] =	vst v63  }
0x29: {  	_ =	swait.ge @!p0 [sflag:s16], $0x3C00  }
0x2a: {  	s15 =	simm.s32 @!p0 $0x0;
	[sflag:s16] =	ssyncset.done @!p0 $0x0  }
0x2b: {  	s10 =	simm.s32 @p0 $0x0;
	s15 =	simm.s32 @p0 $0x0;
	[sflag:s16] =	ssyncadd.s32 @!p0 $0xFFFFC400  }
.LBB2_2:
0x2c: {  	p1 =	seq.s32 s10, $0xFFC0  }
.Ltmp0:
0x2d: {  	_ = 	snop;
	(pc) =	sbr.rel @!p1 .LBB2_2-.Ltmp0, $4  }
0x2e: {  	s16 =	sand.u32 $0xFE00, s10  }
0x2f: {  	s17 =	sand.u32 $0x70, s15;
	s16 =	sshrl.u32 s16, $0x2  }
0x30: {  	s16 =	sor.u32 s17, s16  }
0x31: {  	s15 =	sadd.s32 $0x10, s15;
	s10 =	sadd.s32 $0x40, s10;
	[tilespmem:s16+$0x3D00] =	vst v0  }
0x32: {  	[spmem:s9] =	stream.linear.scatter [tilespmem:s28], [sflag:$0x5], $0x4000, $0x38;
	[tilespmem:$0x1FD00] =	vst v63  }
0x33: {  	_ =	swait.ge [sflag:s29], $0x4000  }
0x34: {  	[sflag:s29] =	ssyncset.done $0x0  }
0x35: {  	s10 =	rddreg [dreg:$0x8];
	[sflag:s29] =	ssyncadd.s32 $0xFFFFC000  }
0x36: {  	[spmem:s10] =	stream.linear.scatter [tilespmem:s28], [sflag:$0x5], $0x4000, $0x38;
	[tilespmem:$0x1FD00] =	vst v63  }
0x37: {  	_ =	swait.ge [sflag:s29], $0x4000  }
0x38: {  	[sflag:s29] =	ssyncset.done $0x0  }
0x39: {  	s18 =	rddreg [dreg:$0x9];
	[sflag:s29] =	ssyncadd.s32 $0xFFFFC000  }
0x3a: {  	[spmem:s18] =	stream.linear.scatter [tilespmem:s28], [sflag:$0x5], $0x4000, $0x38;
	[tilespmem:$0x1FD00] =	vst v63  }
0x3b: {  	_ =	swait.ge [sflag:s29], $0x4000  }
0x3c: {  	[sflag:s29] =	ssyncset.done $0x0  }
0x3d: {  	s26 =	rddreg [dreg:$0xa];
	[sflag:s29] =	ssyncadd.s32 $0xFFFFC000  }
0x3e: {  	[spmem:s26] =	stream.linear.scatter [tilespmem:s28], [sflag:$0x5], $0x4000, $0x38;
	[tilespmem:$0x1FD00] =	vst v63  }
0x3f: {  	_ =	swait.ge [sflag:s29], $0x4000  }
0x40: {  	[sflag:s29] =	ssyncset.done $0x0  }
0x41: {  	[sflag:s29] =	ssyncadd.s32 $0xFFFFC000  }
0x42: {  	[spmem:s20] =	stream.linear.scatter [tilespmem:s28], [sflag:$0x5], $0x4000, $0x38;
	[tilespmem:$0x1FD00] =	vst v63  }
0x43: {  	_ =	swait.ge [sflag:s29], $0x4000  }
0x44: {  	[sflag:s29] =	ssyncset.done $0x0  }
0x45: {  	[sflag:s29] =	ssyncadd.s32 $0xFFFFC000  }
0x46: {  	s15 =	simm.s32 $0x0;
	[bflag:$0x0] =	sbarrier.arrive $0xFFFF  }
0x47: {  	[tilespmem:s30], [sflag:$0x3] =	stream.linear.gather [hbm4b:s19+s15], $0x80, $0x38;
	[tilespmem:$0x1FD00] =	vst v63  }
0x48: {  	s17 =	simm.s32 $0x100;
	s10 =	simm.s32 $0x2;
	s26 =	smov.u32 s14  }
0x49: {  	[tilespmem:s28], [sflag:$0x1] =	stream.indirect.gather [hbm4b:s4+s31], $0x80, s15, s31, $0xb8;
	[tilespmem:$0x1FD00] =	vst v63  }
.LBB2_4:
0x4a: {  	s16 =	sadd.s32 s15, s21  }
0x4b: {  	s18 =	sand.u32 $0x300, s15;
	s16 =	sand.u32 $0xFFFFFC00, s16  }
0x4c: {  	s16 =	sor.u32 s16, s18  }
0x4d: {  	s16 =	sshrl.u32 s16, $0x3  }
0x4e: {  	s16 =	sadd.s32 s16, s5  }
0x4f: {  	s18 =	sadd.s32 $0x10, s16  }
0x50: {  	[tilespmem:s0], [sflag:$0x4] =	stream.linear.gather [hbm4b:s18+s2], $0x80, $0x38;
	[tilespmem:$0x1FD00] =	vst v63  }
0x51: {  	s18 =	sadd.s32 $0xFFFFFF80, s17  }
0x52: {  	[tilespmem:s3], [sflag:$0x2] =	stream.indirect.gather [hbm4b:s4+s31], $0x80, s18, s31, $0xb8;
	[tilespmem:$0x1FD00] =	vst v63  }
0x53: {  	_ =	swait.ge [sflag:s7], $0x80  }
0x54: {  	[sflag:s7] =	ssyncset.done $0x0  }
0x55: {  	[sflag:s7] =	ssyncadd.s32 $0xFFFFFF80  }
0x56: {  	_ =	swait.ge [sflag:s8], $0x4000  }
0x57: {  	[sflag:s8] =	ssyncset.done $0x0  }
0x58: {  	[sflag:s8] =	ssyncadd.s32 $0xFFFFC000  }
0x59: {  	[spmem:s1] =	stream.indirect.scatter.add.f32 [tilespmem:s28], [sflag:$0x5], $0x80, s30, s31, $0xb8;
	[tilespmem:$0x1FD00] =	vst v63  }
0x5a: {  	_ =	swait.ge [sflag:s29], $0x4000  }
0x5b: {  	p1 =	sge.u32 s10, s6;
	s16 =	smov.u32 s17;
	[sflag:s29] =	ssyncset.done $0x0  }
0x5c: {  	s17 =	simm.s32 @!p1 $0x0;
	s18 =	simm.s32 @!p1 $0x3C00;
	[sflag:s29] =	ssyncadd.s32 $0xFFFFC000  }
0x5d: {  	[tilespmem:s18], [sflag:$0x3] =	stream.linear.gather @!p1 [hbm4b:s26+s17], $0x80, $0x38;
	[tilespmem:$0x1FD00] =	vst v63  }
0x5e: {  	s17 =	simm.s32 @!p1 $0x80;
	s18 =	simm.s32 @!p1 $0x3D00  }
0x5f: {  	[tilespmem:s18], [sflag:$0x1] =	stream.indirect.gather @!p1 [hbm4b:s4+s17], $0x80, s16, s17, $0xb8;
	[tilespmem:$0x1FD00] =	vst v63  }
0x60: {  	_ =	swait.ge [sflag:s11], $0x80  }
0x61: {  	[sflag:s11] =	ssyncset.done $0x0  }
0x62: {  	[sflag:s11] =	ssyncadd.s32 $0xFFFFFF80  }
0x63: {  	_ =	swait.ge [sflag:s12], $0x4000  }
0x64: {  	[sflag:s12] =	ssyncset.done $0x0  }
0x65: {  	[sflag:s12] =	ssyncadd.s32 $0xFFFFC000  }
0x66: {  	[spmem:s1] =	stream.indirect.scatter.add.f32 [tilespmem:s3], [sflag:$0x5], $0x80, s0, s31, $0xb8;
	[tilespmem:$0x1FD00] =	vst v63  }
0x67: {  	_ =	swait.ge [sflag:s29], $0x4000  }
0x68: {  	s15 =	sadd.s32 $0x100, s15;
	s18 =	rddreg [dreg:$0x4]  }
0x69: {  	p1 =	sne.s32 s18, s15  }
.Ltmp1:
0x6a: {  	_ = 	snop;
	(pc) =	sbr.rel @p1 .LBB2_4-.Ltmp1, $3  }
0x6b: {  	_ =	sdelay $0x1  }
0x6c: {  	s10 =	sadd.s32 $0x2, s10;
	[sflag:s29] =	ssyncset.done $0x0  }
0x6d: {  	s26 =	sadd.s32 $0x20, s26;
	s17 =	sadd.s32 $0x100, s16;
	[sflag:s29] =	ssyncadd.s32 $0xFFFFC000  }
0x6e: {  	s18 =	sadd.s32 s15, s21  }
0x6f: {  	s15 =	sand.u32 $0x300, s15;
	s18 =	sand.u32 $0x7FFFFC00, s18  }
0x70: {  	s15 =	sor.u32 s18, s15  }
0x71: {  	s15 =	sshrl.u32 s15, $0x3  }
0x72: {  	s15 =	sadd.s32 s15, s5  }
0x73: {  	s15 =	sadd.s32 $0x10, s15  }
0x74: {  	[tilespmem:s0], [sflag:$0x4] =	stream.linear.gather [hbm4b:s15+s2], $0x80, $0x38;
	[tilespmem:$0x1FD00] =	vst v63  }
0x75: {  	s18 =	sadd.s32 $0x80, s16  }
0x76: {  	[tilespmem:s3], [sflag:$0x2] =	stream.indirect.gather [hbm4b:s4+s31], $0x80, s18, s31, $0xb8;
	[tilespmem:$0x1FD00] =	vst v63  }
0x77: {  	_ =	swait.ge [sflag:s7], $0x80  }
0x78: {  	[sflag:s7] =	ssyncset.done $0x0  }
0x79: {  	[sflag:s7] =	ssyncadd.s32 $0xFFFFFF80  }
0x7a: {  	_ =	swait.ge [sflag:s8], $0x4000  }
0x7b: {  	[sflag:s8] =	ssyncset.done $0x0  }
0x7c: {  	[sflag:s8] =	ssyncadd.s32 $0xFFFFC000  }
0x7d: {  	[spmem:s1] =	stream.indirect.scatter.add.f32 [tilespmem:s28], [sflag:$0x5], $0x80, s30, s31, $0xb8;
	[tilespmem:$0x1FD00] =	vst v63  }
0x7e: {  	_ =	swait.ge [sflag:s29], $0x4000  }
0x7f: {  	p1 =	sge.u32 s10, s6;
	[sflag:s29] =	ssyncset.done $0x0  }
0x80: {  	s10 =	simm.s32 @!p1 $0x0;
	s15 =	simm.s32 @!p1 $0x3C00;
	[sflag:s29] =	ssyncadd.s32 $0xFFFFC000  }
0x81: {  	[tilespmem:s15], [sflag:$0x3] =	stream.linear.gather @!p1 [hbm4b:s26+s10], $0x80, $0x38;
	[tilespmem:$0x1FD00] =	vst v63  }
0x82: {  	s10 =	simm.s32 @!p1 $0x80;
	s15 =	simm.s32 @!p1 $0x3D00  }
0x83: {  	[tilespmem:s15], [sflag:$0x1] =	stream.indirect.gather @!p1 [hbm4b:s4+s10], $0x80, s17, s10, $0xb8;
	[tilespmem:$0x1FD00] =	vst v63  }
0x84: {  	_ =	swait.ge [sflag:s11], $0x80  }
0x85: {  	[sflag:s11] =	ssyncset.done $0x0  }
0x86: {  	[sflag:s11] =	ssyncadd.s32 $0xFFFFFF80  }
0x87: {  	_ =	swait.ge [sflag:s12], $0x4000  }
0x88: {  	[sflag:s12] =	ssyncset.done $0x0  }
0x89: {  	[sflag:s12] =	ssyncadd.s32 $0xFFFFC000  }
0x8a: {  	[spmem:s1] =	stream.indirect.scatter.add.f32 [tilespmem:s3], [sflag:$0x5], $0x80, s0, s31, $0xb8;
	[tilespmem:$0x1FD00] =	vst v63  }
0x8b: {  	_ =	swait.ge [sflag:s29], $0x4000  }
0x8c: {  	[sflag:s29] =	ssyncset.done $0x0  }
0x8d: {  	s16 =	stileid.u32;
	[sflag:s29] =	ssyncadd.s32 $0xFFFFC000  }
0x8e: {  	s10 =	sshll.u32 s16, $0x6;
	[bflag:$0x0] =	sbarrier.arrive $0xFFFF  }
0x8f: {  	s17 =	sshrl.u32 s9, $0x3;
	s10 =	sor.u32 $0x1C05, s10;
	s18 =	rddreg [dreg:$0xb]  }
0x90: {  	[hbm:s18], [sflag:s10] =	dma.local [spmem:s17], $0x800  }
0x91: {  	_ =	swait.ge [sflag:s29], $0x800  }
0x92: {  	[sflag:s29] =	ssyncset.done $0x0  }
0x93: {  	s26 =	rddreg [dreg:$0xc];
	[sflag:s29] =	ssyncadd.s32 $0xFFFFF800  }
0x94: {  	[hbm:s26], [sflag:s10] =	dma.local [spmem:s22], $0x800  }
0x95: {  	_ =	swait.ge [sflag:s29], $0x800  }
0x96: {  	[sflag:s29] =	ssyncset.done $0x0  }
0x97: {  	s16 =	rddreg [dreg:$0xd];
	[sflag:s29] =	ssyncadd.s32 $0xFFFFF800  }
0x98: {  	[hbm:s16], [sflag:s10] =	dma.local [spmem:s23], $0x800  }
0x99: {  	_ =	swait.ge [sflag:s29], $0x800  }
0x9a: {  	[sflag:s29] =	ssyncset.done $0x0  }
0x9b: {  	s17 =	rddreg [dreg:$0xe];
	[sflag:s29] =	ssyncadd.s32 $0xFFFFF800  }
0x9c: {  	[hbm:s17], [sflag:s10] =	dma.local [spmem:s24], $0x800  }
0x9d: {  	_ =	swait.ge [sflag:s29], $0x800  }
0x9e: {  	[sflag:s29] =	ssyncset.done $0x0  }
0x9f: {  	s18 =	rddreg [dreg:$0xf];
	[sflag:s29] =	ssyncadd.s32 $0xFFFFF800  }
0xa0: {  	[hbm:s18], [sflag:s10] =	dma.local [spmem:s25], $0x800  }
0xa1: {  	_ =	swait.ge [sflag:s29], $0x800  }
0xa2: {  	s13 =	sadd.s32 $0x1, s13;
	s26 =	rddreg [dreg:$0x7]  }
0xa3: {  	p1 =	sne.s32 s13, s26  }
.Ltmp2:
0xa4: {  	_ = 	snop;
	(pc) =	sbr.rel @p1 .LBB2_1-.Ltmp2, $3  }
0xa5: {  	_ =	sdelay $0x1  }
0xa6: {  	[sflag:s29] =	ssyncset.done $0x0  }
0xa7: {  	[sflag:s29] =	ssyncadd.s32 $0xFFFFF800  }
0xa8: {  	_ =	sfence.sel $0x180000  }
0xa9: {  	[bflag:$0x0] =	sbarrier.arrive $0xFFFF  }
0xaa: {  	_ =	strace $0x9000004D  }
0xab: {  	s0 =	stileid.u32;
	[bflag:$0x2] =	sbarrier.arrive $0xFFFF  }
0xac: {  	p0 =	sne.s32 s0, $0x0;
	s0 =	rddreg [dreg:$0x3]  }
0xad: {  	s0 =	sadd.s32 @!p0 $0x100000, s0  }
0xae: {  	[sflag:s0] =	ssyncadd.tile.s32 @!p0 $0x1;
	_ =	shalt  }
.Lfunc_end2:
_tile_overlayer_lowered:
.L_overlay_start_2:
0xaf: {  	(tag) =	ssettag $0x2  }
0xb0: {  	s0 =	rddreg [dreg:$0x0];
	s2 =	stileid.u32  }
0xb1: {  	s1 =	rddreg [dreg:$0x1];
	p0 =	sne.s32 s2, $0x0  }
0xb2: {  	s3 =	rddreg [dreg:$0x2];
	[bflag:$0x3] =	sbarrier.arrive $0xFFFF;
	s2 =	simm.s32 @!p0 $0x1C05  }
0xb3: {  	[timem:s3], [sflag:s2] =	dma.local @!p0 [hbm:s0], s1  }
0xb4: {  	s0 =	simm.s32 @!p0 $0x5  }
0xb5: {  	_ =	swait.ge @!p0 [sflag:s0], s1  }
0xb6: {  	s1 =	ssub.s32 @!p0 $0x0, s1;
	[sflag:s0] =	ssyncset.done @!p0 $0x0  }
0xb7: {  	[sflag:s0] =	ssyncadd.s32 @!p0 s1  }
0xb8: {  	[bflag:$0x3] =	sbarrier.arrive $0xFFFF  }
0xb9: {  	_ =	shalt  }

// kernel: run.19.cloned.1.call-start
scs
__scs_entry_jumppad:
0x0: {  	(pc) =	sbr.rel $0x88, $3  }
0x1: {  	(tag) =	ssettag $0x0;
	lr =	simm.s32 $0x1  }
0x2: {  	[smem:$0x3F9A] =	sst lr;
	_ =	strace $0xD0000000  }
0x3: {  	_ = 	snop  }
0x4: {  	_ = 	snop  }
0x5: {  	_ = 	snop  }
0x6: {  	_ = 	snop  }
0x7: {  	_ = 	snop  }
__scs_overlays_trampoline_lowered:
0x8: {  	[smem:$0x3FA9] =	sst s0  }
0x9: {  	[smem:$0x3FAA] =	sst s1  }
0xa: {  	[smem:$0x3FAB] =	sst s2  }
0xb: {  	[smem:$0x3FAC] =	sst s3  }
0xc: {  	[smem:$0x3FAD] =	sst s4  }
0xd: {  	[smem:$0x3FAE] =	sst s5  }
0xe: {  	[smem:$0x3FAF] =	sst s6  }
0xf: {  	[smem:$0x3FB0] =	sst s7  }
0x10: {  	[smem:$0x3FB1] =	sst s8  }
0x11: {  	[smem:$0x3FB2] =	sst s9;
	s0 =	simm.s32 @!p0 $0x0  }
0x12: {  	s1 =	sld [smem:$0x3F98];
	s0 =	simm.s32 @p0 $0x1  }
0x13: {  	[smem:$0x3FB3] =	sst s0;
	s0 =	simm.s32 @!p1 $0x0  }
0x14: {  	s2 =	sld [smem:$0x3F97];
	s0 =	simm.s32 @p1 $0x1  }
0x15: {  	[smem:$0x3FB4] =	sst s0;
	s0 =	simm.s32 @!p2 $0x0  }
0x16: {  	s3 =	sld [smem:$0x3FDB];
	s0 =	simm.s32 @p2 $0x1  }
0x17: {  	s4 =	simm.s32 $0x1BF5;
	[smem:$0x3FB6] =	sst s0  }
0x18: {  	s0 =	sld [smem:$0x3F99];
	_ =	swait.ge [sflag:s4], $0x0  }
0x19: {  	s7 =	sld [smem:$0x3F9A]  }
0x1a: {  	s8 =	sadd.s32 $0xFFFFE003, lr  }
0x1b: {  	s9 =	sadd.s32 $0xFFFFFEF7, lr;
	s5 =	simm.s32 $0xFFFFFFFF;
	p2 =	slt.u32 s8, $0xFFFFF086  }
0x1c: {  	p1 =	slt.u32 s9, $0xF7A;
	s5 =	simm.s32 @!p2 $0x0  }
0x1d: {  	s5 =	simm.s32 @p1 $0x1;
	p0 =	seq.s32 s7, s2  }
0x1e: {  	s7 =	smul.u32 @!p0 $0xF7A, s2;
	p2 =	seq.s32 @!p0 s5, $0x0  }
0x1f: {  	s9 =	smul.u32 $0xF7A, s1;
	s8 =	simm.s32 @!p0 $0x1BF5;
	p2 =	por !p2, p0  }
0x20: {  	[sflag:s8] =	ssyncset.s32 @!p0 $0xFFFFF086;
	s6 =	sadd.s32 @!p0 s3, s7;
	s7 =	simm.s32 @!p0 $0x108  }
0x21: {  	s3 =	sadd.s32 s3, s9;
	s6 =	sadd.s32 @!p0 $0x88, s6;
	s7 =	simm.s32 @p2 $0x1082  }
0x22: {  	[simem:s7], [sflag:s8] =	dma.local @!p0 [hbm:s6], $0xF7A  }
0x23: {  	s9 =	sor.u32 $0xD0000000, s2;
	s6 =	simm.s32 $0x108;
	_ =	swait.ge @!p0 [sflag:s8], $0x0  }
0x24: {  	s3 =	sadd.s32 $0x88, s3;
	s6 =	simm.s32 @!p1 $0x1082;
	[sflag:s4] =	ssyncset.s32 $0xFFFFF086  }
0x25: {  	[simem:s6], [sflag:s4] =	dma.local [hbm:s3], $0xF7A  }
0x26: {  	[smem:$0x3F9A] =	sst s1;
	(tag) =	ssettag s2;
	_ =	strace s9  }
0x27: {  	s1 =	sld [smem:$0x3FAA]  }
0x28: {  	s2 =	sld [smem:$0x3FAB]  }
0x29: {  	s4 =	sld [smem:$0x3FAD]  }
0x2a: {  	p0 =	seq.s32 s5, $0x0;
	s5 =	sld [smem:$0x3FAE]  }
0x2b: {  	s6 =	sld [smem:$0x3FAF]  }
0x2c: {  	s7 =	sld [smem:$0x3FB0]  }
0x2d: {  	s3 =	simm.s32 $0x108;
	s8 =	sld [smem:$0x3FB1]  }
0x2e: {  	s3 =	simm.s32 @!p0 $0x1082;
	s9 =	sld [smem:$0x3FB2]  }
0x2f: {  	lr =	sadd.s32 s0, s3;
	s0 =	sld [smem:$0x3FA9]  }
0x30: {  	s3 =	sld [smem:$0x3FAC]  }
0x31: {  	[smem:$0x3FB5] =	sst s10  }
0x32: {  	s10 =	sld [smem:$0x3FB3];
	_ =	sdelay $0x3  }
0x33: {  	p0 =	seq.s32 s10, $0x1;
	s10 =	sld [smem:$0x3FB5];
	_ =	sdelay $0x3  }
0x34: {  	[smem:$0x3FB5] =	sst s10  }
0x35: {  	s10 =	sld [smem:$0x3FB4];
	_ =	sdelay $0x3  }
0x36: {  	p1 =	seq.s32 s10, $0x1;
	s10 =	sld [smem:$0x3FB5];
	_ =	sdelay $0x3  }
0x37: {  	[smem:$0x3FB5] =	sst s10  }
0x38: {  	s10 =	sld [smem:$0x3FB6]  }
0x39: {  	_ = 	snop;
	(pc) =	sbr.ind lr, $3  }
0x3a: {  	_ = 	snop  }
0x3b: {  	_ = 	snop  }
0x3c: {  	p2 =	seq.s32 s10, $0x1;
	s10 =	sld [smem:$0x3FB5]  }
0x3d: {  	_ =	shalt  }
0x3e: {  	_ =	shalt  }
0x3f: {  	_ =	shalt  }
0x40: {  	_ =	shalt  }
0x41: {  	_ =	shalt  }
0x42: {  	_ =	shalt  }
0x43: {  	_ =	shalt  }
0x44: {  	_ =	shalt  }
0x45: {  	_ =	shalt  }
0x46: {  	_ =	shalt  }
0x47: {  	_ =	shalt  }
0x48: {  	_ =	shalt  }
0x49: {  	_ =	shalt  }
0x4a: {  	_ =	shalt  }
0x4b: {  	_ =	shalt  }
0x4c: {  	_ =	shalt  }
0x4d: {  	_ =	shalt  }
0x4e: {  	_ =	shalt  }
0x4f: {  	_ =	shalt  }
0x50: {  	_ =	shalt  }
0x51: {  	_ =	shalt  }
0x52: {  	_ =	shalt  }
0x53: {  	_ =	shalt  }
0x54: {  	_ =	shalt  }
0x55: {  	_ =	shalt  }
0x56: {  	_ =	shalt  }
0x57: {  	_ =	shalt  }
0x58: {  	_ =	shalt  }
0x59: {  	_ =	shalt  }
0x5a: {  	_ =	shalt  }
0x5b: {  	_ =	shalt  }
0x5c: {  	_ =	shalt  }
0x5d: {  	_ =	shalt  }
0x5e: {  	_ =	shalt  }
0x5f: {  	_ =	shalt  }
0x60: {  	_ =	shalt  }
0x61: {  	_ =	shalt  }
0x62: {  	_ =	shalt  }
0x63: {  	_ =	shalt  }
0x64: {  	_ =	shalt  }
0x65: {  	_ =	shalt  }
0x66: {  	_ =	shalt  }
0x67: {  	_ =	shalt  }
0x68: {  	_ =	shalt  }
0x69: {  	_ =	shalt  }
0x6a: {  	_ =	shalt  }
0x6b: {  	_ =	shalt  }
0x6c: {  	_ =	shalt  }
0x6d: {  	_ =	shalt  }
0x6e: {  	_ =	shalt  }
0x6f: {  	_ =	shalt  }
0x70: {  	_ =	shalt  }
0x71: {  	_ =	shalt  }
0x72: {  	_ =	shalt  }
0x73: {  	_ =	shalt  }
0x74: {  	_ =	shalt  }
0x75: {  	_ =	shalt  }
0x76: {  	_ =	shalt  }
0x77: {  	_ =	shalt  }
0x78: {  	_ =	shalt  }
0x79: {  	_ =	shalt  }
0x7a: {  	_ =	shalt  }
0x7b: {  	_ =	shalt  }
0x7c: {  	_ =	shalt  }
0x7d: {  	_ =	shalt  }
0x7e: {  	_ =	shalt  }
0x7f: {  	_ =	shalt  }
0x80: {  	_ =	shalt  }
0x81: {  	_ =	shalt  }
0x82: {  	_ =	shalt  }
0x83: {  	_ =	shalt  }
0x84: {  	_ =	shalt  }
0x85: {  	_ =	shalt  }
0x86: {  	_ =	shalt  }
0x87: {  	_ =	shalt  }
.Lfunc_end0:
.L_simem_size_0:
called_computation.3_lowered:
.L_overlay_start_0:
0x88: {  	s2 =	sld [smem:$0x3FD9]  }
0x89: {  	s3 =	sld [smem:$0x3FFE];
	_ =	sdelay $0x1  }
0x8a: {  	s1 =	srdreg.scid  }
0x8b: {  	s0 =	sand.u32 $0x1, s1  }
0x8c: {  	s16 =	sshll.u32 s0, $0xA;
	s2 =	sadd.s32 s3, s2  }
0x8d: {  	s2 =	sadd.s32 s2, s16  }
0x8e: {  	[smem:$0x3FC1] =	sst s2  }
0x8f: {  	_ = 	snop  }
0x90: {  	(tm) =	ssettm $0x1  }
0x91: {  	s17 =	sld [smem:$0x3FFB];
	_ =	sdelay $0x3  }
0x92: {  	_ =	strace s17  }
0x93: {  	s2 =	sld [smem:$0x3FFC];
	_ =	sdelay $0x3  }
0x94: {  	_ =	strace s2  }
0x95: {  	s2 =	sld [smem:$0x3FFD];
	_ =	sdelay $0x3  }
0x96: {  	_ =	strace s2  }
0x97: {  	_ =	strace $0x8FFFFFFF  }
0x98: {  	s18 =	sld [smem:$0x3FDB];
	_ =	sdelay $0x1  }
0x99: {  	s19 =	simm.s32 $_scs_section_size  }
0x9a: {  	s4 =	simm.s32 $_size__tile_overlayer_lowered;
	s5 =	simm.s32 $_tile_overlayer_lowered  }
0x9b: {  	s22 =	simm.s32 $0x1BFF;
	s21 =	sshll.u32 s5, $0x1;
	s2 =	sadd.s32 s19, s18  }
0x9c: {  	s6 =	simm.s32 $0x0;
	s20 =	sshll.u32 s4, $0x1;
	s4 =	sadd.s32 s21, s2  }
0x9d: {  	[timem:s6], [sflag:s22] =	dma.local [hbm:s4], s20  }
0x9e: {  	_ =	swait.ge [sflag:s22], s20  }
0x9f: {  	s3 =	ssub.s32 $0x0, s20;
	[sflag:s22] =	ssyncset.done $0x0  }
0xa0: {  	[sflag:s22] =	ssyncadd.s32 s3;
	_ =	sdelay $0x1  }
0xa1: {  	s23 =	simm.s32 $0x1B8B  }
0xa2: {  	_ =	swait.ge [sflag:s23], $0x1  }
0xa3: {  	[sflag:s23] =	ssyncset.done $0x0  }
0xa4: {  	s25 =	simm.s32 $0x1B8E;
	s24 =	sld [smem:$0x3FFE];
	[sflag:s23] =	ssyncadd.s32 $0xFFFFFFFF  }
0xa5: {  	s26 =	simm.s32 $execute0_lowered;
	[smem:$0x3FD2] =	sst s25  }
0xa6: {  	s4 =	sshll.u32 s26, $0x1;
	_ =	strace $0x8000004F;
	[dreg:$0x1] =	wrdreg $0xFFFFFFFF  }
0xa7: {  	s28 =	simm.s32 $_size_execute0_lowered;
	s2 =	sadd.s32 s2, s4;
	[dreg:$0x0] =	wrdreg $0x0  }
0xa8: {  	s4 =	sshll.u32 s28, $0x1;
	[dreg:$0x2] =	wrdreg s2  }
0xa9: {  	[dreg:$0x3] =	wrdreg s4  }
0xaa: {  	[dreg:$0x4] =	wrdreg $0xC0  }
0xab: {  	_ =	task [dreg:s6], $0x5FFFF  }
0xac: {  	[dreg:$0x1] =	wrdreg $0xFFFFFFFF  }
0xad: {  	[dreg:$0x0] =	wrdreg $0x60  }
0xae: {  	[dreg:$0x2] =	wrdreg s24  }
0xaf: {  	[dreg:$0x3] =	wrdreg $0x9  }
0xb0: {  	_ =	task.clear_ibuf [dreg:s6], $0x4FFFF;
	_ =	strace $0x9000004F  }
0xb1: {  	s29 =	simm.s32 $0x9;
	_ =	strace $0x80000051  }
0xb2: {  	_ =	swait.ge [sflag:s29], $0x1  }
0xb3: {  	[sflag:s29] =	ssyncadd.s32 $0xFFFFFFFF  }
0xb4: {  	_ =	strace $0x90000051  }
0xb5: {  	_ =	sfence  }
0xb6: {  	s30 =	sld [smem:$0x0];
	_ =	sdelay $0x2  }
0xb7: {  	s31 =	sshll.u32 s1, $0xD;
	s1 =	sshrl.u32 s1, $0x2  }
0xb8: {  	s3 =	sand.u32 $0x4000, s31;
	s1 =	sadd.s32 s1, s30  }
0xb9: {  	s0 =	sor.u32 s3, s0;
	s1 =	sshll.u32 s1, $0x11  }
0xba: {  	s0 =	sor.u32 s1, s0  }
0xbb: {  	s0 =	sadd.s32 $0x8F2B, s0  }
0xbc: {  	[sflag:s0] =	ssyncadd.remote.s32 $0x1  }
0xbd: {  	_ =	sfence.sel $0xFFFF  }
0xbe: {  	[dreg:$0x0] =	wrdreg $0xFFFFFFFF;
	(pc) =	sbr.abs _section_cstart, $3  }
0xbf: {  	[dreg:$0x1] =	wrdreg $0xFFFFFFFF  }
0xc0: {  	_ =	task.clear_ibuf [dreg:s6], $0x2FFFF;
	_ =	strace $0x9FFFFFFF  }
0xc1: {  	(tm) =	ssettm $0x7FFFFFFF  }
tec
execute0_lowered:
.L_overlay_start_1:
0x0: {  	(tag) =	ssettag $0x1  }
0x1: {  	s0 =	srdreg.scid;
	s4 =	rddreg [dreg:$0x0]  }
0x2: {  	s1 =	stileid.u32;
	s2 =	simm.s32 $0x0;
	s11 =	simm.s32 $0x1C00  }
0x3: {  	s12 =	simm.s32 $0x5C00;
	s13 =	simm.s32 $0x1;
	s14 =	simm.s32 $0x2  }
0x4: {  	s15 =	simm.s32 $0x1B80;
	s16 =	simm.s32 $0x0;
	s5 =	sand.u32 $0x1, s0  }
0x5: {  	s0 =	rddreg [dreg:$0x1];
	s31 =	smul.u32 $0x1C000, s1;
	s3 =	sshll.u32 s5, $0x4  }
0x6: {  	s8 =	ssub.s32 $0x2, s5;
	s10 =	smul.u32 $0x1C0000, s5;
	s6 =	sor.u32 s1, s3  }
0x7: {  	[smem:$0x7FF] =	sst s2;
	s29 =	sshrl.u32 s8, $0x1;
	s7 =	smul.u32 $0x380, s6  }
0x8: {  	s9 =	sadd.s32 $0x8AA00, s4;
	s6 =	smul.u32 $0x1C000, s6;
	s8 =	ssub.s32 s8, s29  }
0x9: {  	_ =	strace $0x80000050;
	s3 =	sadd.s32 $0x2800, s4;
	s5 =	smax.u32 s8, $0x1  }
0xa: {  	s7 =	sadd.s32 s7, s4;
	s30 =	sadd.s32 s9, s6;
	s9 =	sadd.s32 s10, s9  }
0xb: {  	s10 =	simm.s32 $0x80;
	s4 =	sadd.s32 $0x83A00, s7;
	s6 =	sadd.s32 $0x1B000, s30  }
0xc: {  	s7 =	sadd.s32 $0x1B800, s30;
	s8 =	sadd.s32 s31, s9;
	s9 =	simm.s32 $0x3  }
.LBB2_1:
0xd: {  	[tilespmem:s2], [sflag:$0x3] =	stream.linear.gather [hbm4b:s4+s2], $0x1C00, $0x38;
	[tilespmem:$0x9C00] =	vst v63  }
0xe: {  	_ =	swait.ge [sflag:s9], $0x1C00  }
0xf: {  	[sflag:s9] =	ssyncset.done $0x0  }
0x10: {  	[sflag:s9] =	ssyncadd.s32 $0xFFFFE400  }
0x11: {  	[tilespmem:s11], [sflag:$0x1] =	stream.indirect.gather [hbm4b:s3+s10], $0x80, s2, s10, $0xb8;
	[tilespmem:$0x9C00] =	vst v63  }
0x12: {  	s17 =	simm.s32 $0x80  }
0x13: {  	[tilespmem:s12], [sflag:$0x2] =	stream.indirect.gather [hbm4b:s3+s10], $0x80, s17, s10, $0xb8;
	[tilespmem:$0x9C00] =	vst v63  }
0x14: {  	_ =	swait.ge [sflag:s13], $0x4000  }
0x15: {  	[sflag:s13] =	ssyncset.done $0x0  }
0x16: {  	s31 =	sadd.s32 $0x0, s8;
	[sflag:s13] =	ssyncadd.s32 $0xFFFFC000  }
0x17: {  	[hbm4b:s31+s2] =	stream.linear.scatter [tilespmem:s11], [sflag:$0x3], $0x4000, $0x38;
	[tilespmem:$0x9C00] =	vst v63  }
0x18: {  	_ =	swait.ge [sflag:s9], $0x4000  }
0x19: {  	[sflag:s9] =	ssyncset.done $0x0  }
0x1a: {  	s18 =	simm.s32 $0x100;
	[sflag:s9] =	ssyncadd.s32 $0xFFFFC000  }
0x1b: {  	[tilespmem:s11], [sflag:$0x1] =	stream.indirect.gather [hbm4b:s3+s10], $0x80, s18, s10, $0xb8;
	[tilespmem:$0x9C00] =	vst v63  }
0x1c: {  	_ =	swait.ge [sflag:s14], $0x4000  }
0x1d: {  	[sflag:s14] =	ssyncset.done $0x0  }
0x1e: {  	s17 =	sadd.s32 $0x800, s31;
	[sflag:s14] =	ssyncadd.s32 $0xFFFFC000  }
0x1f: {  	[hbm4b:s17+s2] =	stream.linear.scatter [tilespmem:s12], [sflag:$0x3], $0x4000, $0x38;
	[tilespmem:$0x9C00] =	vst v63  }
0x20: {  	s19 =	simm.s32 $0x2000;
	_ =	swait.ge [sflag:s9], $0x4000  }
0x21: {  	s18 =	simm.s32 $0x1000;
	s17 =	simm.s32 $0x200;
	[sflag:s9] =	ssyncset.done $0x0  }
.LBB2_2:
0x22: {  	p0 =	sne.s32 s19, $0x1A000;
	s20 =	sadd.s32 $0xFFFFFF80, s17;
	[sflag:s9] =	ssyncadd.s32 $0xFFFFC000  }
0x23: {  	[tilespmem:s12], [sflag:$0x2] =	stream.indirect.gather [hbm4b:s3+s10], $0x80, s20, s10, $0xb8;
	[tilespmem:$0x9C00] =	vst v63  }
0x24: {  	s20 =	smov.u32 s19;
	s19 =	sadd.s32 $0x1000, s19;
	_ =	swait.ge [sflag:s13], $0x4000  }
0x25: {  	[sflag:s13] =	ssyncset.done $0x0  }
0x26: {  	s21 =	sadd.s32 s18, s8;
	s18 =	smov.u32 s20;
	[sflag:s13] =	ssyncadd.s32 $0xFFFFC000  }
0x27: {  	[hbm4b:s21+s2] =	stream.linear.scatter [tilespmem:s11], [sflag:$0x3], $0x4000, $0x38;
	[tilespmem:$0x9C00] =	vst v63  }
0x28: {  	_ =	swait.ge [sflag:s9], $0x4000  }
0x29: {  	[sflag:s9] =	ssyncset.done $0x0  }
0x2a: {  	[sflag:s9] =	ssyncadd.s32 $0xFFFFC000  }
0x2b: {  	[tilespmem:s11], [sflag:$0x1] =	stream.indirect.gather [hbm4b:s3+s10], $0x80, s17, s10, $0xb8;
	[tilespmem:$0x9C00] =	vst v63  }
0x2c: {  	_ =	swait.ge [sflag:s14], $0x4000  }
.Ltmp0:
0x2d: {  	[sflag:s14] =	ssyncset.done $0x0;
	(pc) =	sbr.rel @p0 .LBB2_2-.Ltmp0, $4  }
0x2e: {  	s20 =	sadd.s32 $0x800, s21;
	[sflag:s14] =	ssyncadd.s32 $0xFFFFC000  }
0x2f: {  	[hbm4b:s20+s2] =	stream.linear.scatter [tilespmem:s12], [sflag:$0x3], $0x4000, $0x38;
	[tilespmem:$0x9C00] =	vst v63  }
0x30: {  	_ =	swait.ge [sflag:s9], $0x4000  }
0x31: {  	s17 =	sadd.s32 $0x100, s17;
	[sflag:s9] =	ssyncset.done $0x0  }
0x32: {  	s19 =	sadd.s32 $0xFFFFFF80, s17;
	[sflag:s9] =	ssyncadd.s32 $0xFFFFC000  }
0x33: {  	[tilespmem:s12], [sflag:$0x2] =	stream.indirect.gather [hbm4b:s3+s10], $0x80, s19, s10, $0xb8;
	[tilespmem:$0x9C00] =	vst v63  }
0x34: {  	_ =	swait.ge [sflag:s13], $0x4000  }
0x35: {  	[sflag:s13] =	ssyncset.done $0x0  }
0x36: {  	s18 =	sadd.s32 s18, s8;
	[sflag:s13] =	ssyncadd.s32 $0xFFFFC000  }
0x37: {  	[hbm4b:s18+s2] =	stream.linear.scatter [tilespmem:s11], [sflag:$0x3], $0x4000, $0x38;
	[tilespmem:$0x9C00] =	vst v63  }
0x38: {  	_ =	swait.ge [sflag:s9], $0x4000  }
0x39: {  	[sflag:s9] =	ssyncset.done $0x0  }
0x3a: {  	[sflag:s9] =	ssyncadd.s32 $0xFFFFC000  }
0x3b: {  	[tilespmem:s11], [sflag:$0x1] =	stream.indirect.gather [hbm4b:s3+s10], $0x80, s17, s10, $0xb8;
	[tilespmem:$0x9C00] =	vst v63  }
0x3c: {  	_ =	swait.ge [sflag:s14], $0x4000  }
0x3d: {  	[sflag:s14] =	ssyncset.done $0x0  }
0x3e: {  	s31 =	sadd.s32 $0x800, s18;
	[sflag:s14] =	ssyncadd.s32 $0xFFFFC000  }
0x3f: {  	[hbm4b:s31+s2] =	stream.linear.scatter [tilespmem:s12], [sflag:$0x3], $0x4000, $0x38;
	[tilespmem:$0x9C00] =	vst v63  }
0x40: {  	_ =	swait.ge [sflag:s9], $0x4000  }
0x41: {  	[sflag:s9] =	ssyncset.done $0x0  }
0x42: {  	[sflag:s9] =	ssyncadd.s32 $0xFFFFC000  }
0x43: {  	[tilespmem:s12], [sflag:$0x2] =	stream.indirect.gather [hbm4b:s3+s10], $0x80, s15, s10, $0xb8;
	[tilespmem:$0x9C00] =	vst v63  }
0x44: {  	_ =	swait.ge [sflag:s13], $0x4000  }
0x45: {  	[sflag:s13] =	ssyncset.done $0x0  }
0x46: {  	[sflag:s13] =	ssyncadd.s32 $0xFFFFC000  }
0x47: {  	[hbm4b:s6+s2] =	stream.linear.scatter [tilespmem:s11], [sflag:$0x3], $0x4000, $0x38;
	[tilespmem:$0x9C00] =	vst v63  }
0x48: {  	_ =	swait.ge [sflag:s9], $0x4000  }
0x49: {  	[sflag:s9] =	ssyncset.done $0x0  }
0x4a: {  	[sflag:s9] =	ssyncadd.s32 $0xFFFFC000  }
0x4b: {  	s16 =	sadd.s32 $0x1, s16;
	_ =	swait.ge [sflag:s14], $0x4000  }
0x4c: {  	p0 =	sne.s32 s16, s5;
	[sflag:s14] =	ssyncset.done $0x0  }
.Ltmp1:
0x4d: {  	[sflag:s14] =	ssyncadd.s32 $0xFFFFC000;
	(pc) =	sbr.rel @p0 .LBB2_1-.Ltmp1, $4  }
0x4e: {  	[hbm4b:s7+s2] =	stream.linear.scatter [tilespmem:s12], [sflag:$0x3], $0x4000, $0x38;
	[tilespmem:$0x9C00] =	vst v63  }
0x4f: {  	_ =	swait.ge [sflag:s9], $0x4000  }
0x50: {  	[sflag:s9] =	ssyncset.done $0x0  }
0x51: {  	[sflag:s9] =	ssyncadd.s32 $0xFFFFC000  }
0x52: {  	_ =	sfence.sel $0x180000  }
0x53: {  	[bflag:$0x0] =	sbarrier.arrive $0xFFFF  }
0x54: {  	p0 =	sne.s32 s1, $0x0;
	_ =	strace $0x90000050  }
0x55: {  	s0 =	sadd.s32 @!p0 $0x100000, s0;
	[bflag:$0x2] =	sbarrier.arrive $0xFFFF  }
0x56: {  	[sflag:s0] =	ssyncadd.tile.s32 @!p0 $0x1;
	_ =	shalt  }
.Lfunc_end2:
_tile_overlayer_lowered:
.L_overlay_start_2:
0x57: {  	(tag) =	ssettag $0x2  }
0x58: {  	s0 =	rddreg [dreg:$0x0];
	s2 =	stileid.u32  }
0x59: {  	s1 =	rddreg [dreg:$0x1];
	p0 =	sne.s32 s2, $0x0  }
0x5a: {  	s3 =	rddreg [dreg:$0x2];
	[bflag:$0x3] =	sbarrier.arrive $0xFFFF;
	s2 =	simm.s32 @!p0 $0x1C03  }
0x5b: {  	[timem:s3], [sflag:s2] =	dma.local @!p0 [hbm:s0], s1  }
0x5c: {  	s0 =	simm.s32 @!p0 $0x3  }
0x5d: {  	_ =	swait.ge @!p0 [sflag:s0], s1  }
0x5e: {  	s1 =	ssub.s32 @!p0 $0x0, s1;
	[sflag:s0] =	ssyncset.done @!p0 $0x0  }
0x5f: {  	[sflag:s0] =	ssyncadd.s32 @!p0 s1  }
0x60: {  	[bflag:$0x3] =	sbarrier.arrive $0xFFFF  }
0x61: {  	_ =	shalt  }

</sc_bundles>
